<compile_context>
chip_gen: v7x
topology: tpu7x:2x2x1
jax: 0.10.2.dev20260603
libtpu: 0.0.44.dev20260713+nightly
codegen_flags: <defaults>
</compile_context>

<pallas_src>
import functools

import jax
import jax.numpy as jnp
from jax import lax
from jax.experimental import pallas as pl
from jax.experimental.pallas import tpu as pltpu
from jax.experimental.pallas import tpu_sc as plsc

NUM_CORES = 2
NUM_SUBCORES = 16
NUM_WORKERS = NUM_CORES * NUM_SUBCORES

S = 26
B = 16384
B_TOTAL = B * S
EMB_DIM = 32
V = 1_000_000

VB = 65536
VB4 = VB // 4
T_GRID = -(-V // VB)
V_PAD = T_GRID * VB
OUT_ROWS = T_GRID * VB4

B_PER_W = B_TOTAL // NUM_WORKERS
CHUNK = 512
NCHUNK = B_PER_W // CHUNK
NBUF = 6
NR = B // 4


def _transpose_table(wT):

  def body(w_ref, o_ref):
    x = w_ref[...]
    xq = jnp.concatenate(
        [x[:, q * VB4:(q + 1) * VB4] for q in range(4)], axis=0)
    o_ref[...] = jnp.swapaxes(xq, 0, 1)

  return pl.pallas_call(
      body,
      grid=(T_GRID,),
      in_specs=[pl.BlockSpec((EMB_DIM, VB), lambda i: (0, i))],
      out_specs=pl.BlockSpec((VB4, 128), lambda i: (i, 0)),
      out_shape=jax.ShapeDtypeStruct((OUT_ROWS, 128), jnp.float32),
  )(wT)


def _untranspose_out(n128):

  def body(i_ref, o_ref):
    for h in range(2):
      y = i_ref[h * NR:(h + 1) * NR, :]
      z = jnp.swapaxes(y, 0, 1)
      o_ref[h] = jnp.concatenate(
          [z[32 * a:32 * (a + 1), :] for a in range(4)], axis=1)

  return pl.pallas_call(
      body,
      grid=(S // 2,),
      in_specs=[pl.BlockSpec((2 * NR, 128), lambda s: (s, 0))],
      out_specs=pl.BlockSpec((2, EMB_DIM, B), lambda s: (s, 0, 0)),
      out_shape=jax.ShapeDtypeStruct((S, EMB_DIM, B), jnp.float32),
  )(n128)


def _make_gather():
  mesh = plsc.VectorSubcoreMesh(core_axis_name="c", subcore_axis_name="s")

  @functools.partial(
      pl.kernel,
      out_type=jax.ShapeDtypeStruct((S, NR, 128), jnp.float32),
      mesh=mesh,
      compiler_params=pltpu.CompilerParams(use_tc_tiling_on_sc=False),
      scratch_types=[
          pltpu.VMEM((B_PER_W,), jnp.int32),
          pltpu.VMEM((NBUF, CHUNK, EMB_DIM), jnp.float32),
      ] + [pltpu.SemaphoreType.DMA] * (2 * NBUF),
  )
  def gather_kernel(idx_hbm, table_hbm, out_hbm, idx_v, rows_v, *sems):
    gsem, ssem = sems[:NBUF], sems[NBUF:]
    wid = lax.axis_index("s") * NUM_CORES + lax.axis_index("c")
    base = pl.multiple_of(wid * B_PER_W, 8)
    pltpu.sync_copy(idx_hbm.at[pl.ds(base, B_PER_W)], idx_v)

    def start_gather(i, b):
      return pltpu.async_copy(
          table_hbm.at[idx_v.at[pl.ds(i * CHUNK, CHUNK)]],
          rows_v.at[b], gsem[b])

    def start_store(i, b):
      uid = wid * NCHUNK + i
      s = uid >> 5
      a = (uid >> 3) & 3
      c4 = uid & 7
      return pltpu.async_copy(
          rows_v.at[b],
          out_hbm.at[s,
                     pl.ds(pl.multiple_of(c4 * CHUNK, 8), CHUNK),
                     pl.ds(pl.multiple_of(a * EMB_DIM, 8), EMB_DIM)],
          ssem[b])

    gh = [start_gather(b, b) for b in range(NBUF)]
    sh = [None] * NBUF
    for i in range(NCHUNK):
      b = i % NBUF
      gh[b].wait()
      sh[b] = start_store(i, b)
      j = i + NBUF
      if j < NCHUNK:
        sh[b].wait()
        gh[b] = start_gather(j, b)
    for i in range(NCHUNK - NBUF, NCHUNK):
      sh[i % NBUF].wait()

  return gather_kernel


_gather = _make_gather()


def kernel(indices, weight):
  idx = indices.astype(jnp.int32)
  idx2 = ((((idx >> 16) << 14) + (idx & 16383)) << 2) + ((idx >> 14) & 3)
  idx_sc = jnp.transpose(idx2).reshape(-1)
  w128 = _transpose_table(weight.T)
  w_rows = w128.reshape(V_PAD, EMB_DIM)
  o4 = _gather(idx_sc, w_rows)
  out3 = _untranspose_out(o4.reshape(S * NR, 128))
  return jnp.transpose(out3, (2, 0, 1))

# --- scband reference (transcript-rebuilt; emitter-appended) ---
"""Pipeline reference for scband-embedding-14242111554164 (READ-ONLY COPY).

The authoritative reference and input builder live on the scoring server;
editing this copy changes nothing except your own understanding.
"""

import jax, jax.numpy as jnp
import numpy as np

NUM_EMBEDDINGS = 1000000
EMBEDDING_DIM = 32

def setup_inputs(seed: int = 0) -> dict:
    key = jax.random.key(seed)
    k_idx, k_w = jax.random.split(key)
    indices = jax.random.randint(k_idx, (16384, 26), 0, NUM_EMBEDDINGS, dtype=jnp.int64 if jax.config.jax_enable_x64 else jnp.int32)
    # weight initialized ~ normal_, matching torch nn.Embedding default init scaled
    weight = jax.random.normal(k_w, (NUM_EMBEDDINGS, EMBEDDING_DIM), dtype=jnp.float32)
    return {"indices": indices, "weight": weight}

def reference(indices, weight):
    # nn.Embedding forward: gather rows of the embedding table
    return jnp.take(weight, indices, axis=0)

if __name__ == "__main__":
    import jax
    _d = setup_inputs()
    print(jax.jit(kernel)(*tuple(_d.values())))

</pallas_src>

<mosaic_0001>
#map = affine_map<(d0, d1) -> (0)>
#map1 = affine_map<(d0, d1) -> (0, 0)>
#map2 = affine_map<(d0, d1) -> (0, 0, 0)>
module attributes {stable_mosaic.version = 14 : i64} {
  func.func @gather_kernel(%arg0: i32, %arg1: i32, %arg2: memref<425984xi32, #tpu.memory_space<hbm>>, %arg3: memref<1048576x32xf32, #tpu.memory_space<hbm>>, %arg4: memref<26x4096x128xf32, #tpu.memory_space<hbm>>, %arg5: memref<13312xi32, #tpu.memory_space<vmem>>, %arg6: memref<6x512x32xf32, #tpu.memory_space<vmem>>, %arg7: memref<!tpu.dma_semaphore, #tpu.memory_space<semaphore_mem>>, %arg8: memref<!tpu.dma_semaphore, #tpu.memory_space<semaphore_mem>>, %arg9: memref<!tpu.dma_semaphore, #tpu.memory_space<semaphore_mem>>, %arg10: memref<!tpu.dma_semaphore, #tpu.memory_space<semaphore_mem>>, %arg11: memref<!tpu.dma_semaphore, #tpu.memory_space<semaphore_mem>>, %arg12: memref<!tpu.dma_semaphore, #tpu.memory_space<semaphore_mem>>, %arg13: memref<!tpu.dma_semaphore, #tpu.memory_space<semaphore_mem>>, %arg14: memref<!tpu.dma_semaphore, #tpu.memory_space<semaphore_mem>>, %arg15: memref<!tpu.dma_semaphore, #tpu.memory_space<semaphore_mem>>, %arg16: memref<!tpu.dma_semaphore, #tpu.memory_space<semaphore_mem>>, %arg17: memref<!tpu.dma_semaphore, #tpu.memory_space<semaphore_mem>>, %arg18: memref<!tpu.dma_semaphore, #tpu.memory_space<semaphore_mem>>) attributes {dimension_semantics = [#tpu.dimension_semantics<core_parallel>, #tpu.dimension_semantics<subcore_parallel>], iteration_bounds = array<i64: 2, 16>, scalar_prefetch = 0 : i64, scratch_operands = 14 : i64, tpu.core_type = #tpu.core_type<sc_vector_subcore>, window_params = [{transform_indices = #map}, {transform_indices = #map1}, {transform_indices = #map2}]} {
    %mul3A = arith.constant 2 : i32
    %mul3A_0 = arith.muli %arg1, %mul3A : i32
    %add3A = arith.addi %mul3A_0, %arg0 : i32
    %mul3A_1 = arith.constant 13312 : i32
    %mul3A_2 = arith.muli %add3A, %mul3A_1 : i32
    %multiple_of3A = tpu.assume_multiple %mul3A_2, 8 : i32
    "tpu.region"() ({
      %run_scoped3A = tpu.sem_alloc : memref<!tpu.dma_semaphore, #tpu.memory_space<semaphore_mem>>
      %dma_start3A_1663 = tpu.memref_slice %arg2[%multiple_of3A] : memref<425984xi32, #tpu.memory_space<hbm>> -> memref<13312xi32, #tpu.memory_space<hbm>>
      %dma_start3A_1664 = tpu.memref_slice %arg2[%multiple_of3A] : memref<425984xi32, #tpu.memory_space<hbm>> -> memref<13312xi32, #tpu.memory_space<hbm>>
      tpu.enqueue_dma source(%dma_start3A_1664 : memref<13312xi32, #tpu.memory_space<hbm>>) target(%arg5 : memref<13312xi32, #tpu.memory_space<vmem>>) target_semaphore(%run_scoped3A : memref<!tpu.dma_semaphore, #tpu.memory_space<semaphore_mem>>)
      %dma_wait3A_1665 = tpu.memref_slice %arg2[%multiple_of3A] : memref<425984xi32, #tpu.memory_space<hbm>> -> memref<13312xi32, #tpu.memory_space<hbm>>
      %dma_wait3A_1666 = tpu.memref_slice %arg2[%multiple_of3A] : memref<425984xi32, #tpu.memory_space<hbm>> -> memref<13312xi32, #tpu.memory_space<hbm>>
      tpu.wait_dma2 semaphore(%run_scoped3A : memref<!tpu.dma_semaphore, #tpu.memory_space<semaphore_mem>>) src(%dma_wait3A_1666 : memref<13312xi32, #tpu.memory_space<hbm>>) dst(%arg5 : memref<13312xi32, #tpu.memory_space<vmem>>)
      tpu.yield
    }) : () -> ()
    %dma_start3A = arith.constant 0 : i32
    %dma_start3A_3 = arith.constant 0 : i32
    %dma_start3A_4 = arith.constant 0 : i32
    %dma_start3A_5 = tpu.memref_slice %arg6[%dma_start3A, %dma_start3A_3, %dma_start3A_4] : memref<6x512x32xf32, #tpu.memory_space<vmem>> -> memref<1x512x32xf32, #tpu.memory_space<vmem>>
    %dma_start3A_6 = tpu.memref_squeeze %dma_start3A_5 : memref<1x512x32xf32, #tpu.memory_space<vmem>> -> memref<512x32xf32, #tpu.memory_space<vmem>>
    %dma_start3A_7 = arith.constant 0 : i32
    %dma_start3A_8 = tpu.memref_slice %arg5[%dma_start3A_7] : memref<13312xi32, #tpu.memory_space<vmem>> -> memref<512xi32, #tpu.memory_space<vmem>>
    %dma_start3A_9 = arith.constant 0 : i32
    %dma_start3A_10 = arith.constant 0 : i32
    %dma_start3A_11 = tpu.memref_slice %arg3[%dma_start3A_9, %dma_start3A_10] : memref<1048576x32xf32, #tpu.memory_space<hbm>> -> memref<1048576x32xf32, #tpu.memory_space<hbm>>
    tpu.enqueue_indirect_dma source(%dma_start3A_11 : memref<1048576x32xf32, #tpu.memory_space<hbm>>) target(%dma_start3A_6 : memref<512x32xf32, #tpu.memory_space<vmem>>) offsets(%dma_start3A_8 : memref<512xi32, #tpu.memory_space<vmem>>) semaphore(%arg7 : memref<!tpu.dma_semaphore, #tpu.memory_space<semaphore_mem>>)
    %dma_start3A_12 = arith.constant 1 : i32
    %dma_start3A_13 = arith.constant 0 : i32
    %dma_start3A_14 = arith.constant 0 : i32
    %dma_start3A_15 = tpu.memref_slice %arg6[%dma_start3A_12, %dma_start3A_13, %dma_start3A_14] : memref<6x512x32xf32, #tpu.memory_space<vmem>> -> memref<1x512x32xf32, #tpu.memory_space<vmem>>
    %dma_start3A_16 = tpu.memref_squeeze %dma_start3A_15 : memref<1x512x32xf32, #tpu.memory_space<vmem>> -> memref<512x32xf32, #tpu.memory_space<vmem>>
    %dma_start3A_17 = arith.constant 512 : i32
    %dma_start3A_18 = tpu.memref_slice %arg5[%dma_start3A_17] : memref<13312xi32, #tpu.memory_space<vmem>> -> memref<512xi32, #tpu.memory_space<vmem>>
    %dma_start3A_19 = arith.constant 0 : i32
    %dma_start3A_20 = arith.constant 0 : i32
    %dma_start3A_21 = tpu.memref_slice %arg3[%dma_start3A_19, %dma_start3A_20] : memref<1048576x32xf32, #tpu.memory_space<hbm>> -> memref<1048576x32xf32, #tpu.memory_space<hbm>>
    tpu.enqueue_indirect_dma source(%dma_start3A_21 : memref<1048576x32xf32, #tpu.memory_space<hbm>>) target(%dma_start3A_16 : memref<512x32xf32, #tpu.memory_space<vmem>>) offsets(%dma_start3A_18 : memref<512xi32, #tpu.memory_space<vmem>>) semaphore(%arg8 : memref<!tpu.dma_semaphore, #tpu.memory_space<semaphore_mem>>)
    %dma_start3A_22 = arith.constant 2 : i32
    %dma_start3A_23 = arith.constant 0 : i32
    %dma_start3A_24 = arith.constant 0 : i32
    %dma_start3A_25 = tpu.memref_slice %arg6[%dma_start3A_22, %dma_start3A_23, %dma_start3A_24] : memref<6x512x32xf32, #tpu.memory_space<vmem>> -> memref<1x512x32xf32, #tpu.memory_space<vmem>>
    %dma_start3A_26 = tpu.memref_squeeze %dma_start3A_25 : memref<1x512x32xf32, #tpu.memory_space<vmem>> -> memref<512x32xf32, #tpu.memory_space<vmem>>
    %dma_start3A_27 = arith.constant 1024 : i32
    %dma_start3A_28 = tpu.memref_slice %arg5[%dma_start3A_27] : memref<13312xi32, #tpu.memory_space<vmem>> -> memref<512xi32, #tpu.memory_space<vmem>>
    %dma_start3A_29 = arith.constant 0 : i32
    %dma_start3A_30 = arith.constant 0 : i32
    %dma_start3A_31 = tpu.memref_slice %arg3[%dma_start3A_29, %dma_start3A_30] : memref<1048576x32xf32, #tpu.memory_space<hbm>> -> memref<1048576x32xf32, #tpu.memory_space<hbm>>
    tpu.enqueue_indirect_dma source(%dma_start3A_31 : memref<1048576x32xf32, #tpu.memory_space<hbm>>) target(%dma_start3A_26 : memref<512x32xf32, #tpu.memory_space<vmem>>) offsets(%dma_start3A_28 : memref<512xi32, #tpu.memory_space<vmem>>) semaphore(%arg9 : memref<!tpu.dma_semaphore, #tpu.memory_space<semaphore_mem>>)
    %dma_start3A_32 = arith.constant 3 : i32
    %dma_start3A_33 = arith.constant 0 : i32
    %dma_start3A_34 = arith.constant 0 : i32
    %dma_start3A_35 = tpu.memref_slice %arg6[%dma_start3A_32, %dma_start3A_33, %dma_start3A_34] : memref<6x512x32xf32, #tpu.memory_space<vmem>> -> memref<1x512x32xf32, #tpu.memory_space<vmem>>
    %dma_start3A_36 = tpu.memref_squeeze %dma_start3A_35 : memref<1x512x32xf32, #tpu.memory_space<vmem>> -> memref<512x32xf32, #tpu.memory_space<vmem>>
    %dma_start3A_37 = arith.constant 1536 : i32
    %dma_start3A_38 = tpu.memref_slice %arg5[%dma_start3A_37] : memref<13312xi32, #tpu.memory_space<vmem>> -> memref<512xi32, #tpu.memory_space<vmem>>
    %dma_start3A_39 = arith.constant 0 : i32
    %dma_start3A_40 = arith.constant 0 : i32
    %dma_start3A_41 = tpu.memref_slice %arg3[%dma_start3A_39, %dma_start3A_40] : memref<1048576x32xf32, #tpu.memory_space<hbm>> -> memref<1048576x32xf32, #tpu.memory_space<hbm>>
    tpu.enqueue_indirect_dma source(%dma_start3A_41 : memref<1048576x32xf32, #tpu.memory_space<hbm>>) target(%dma_start3A_36 : memref<512x32xf32, #tpu.memory_space<vmem>>) offsets(%dma_start3A_38 : memref<512xi32, #tpu.memory_space<vmem>>) semaphore(%arg10 : memref<!tpu.dma_semaphore, #tpu.memory_space<semaphore_mem>>)
    %dma_start3A_42 = arith.constant 4 : i32
    %dma_start3A_43 = arith.constant 0 : i32
    %dma_start3A_44 = arith.constant 0 : i32
    %dma_start3A_45 = tpu.memref_slice %arg6[%dma_start3A_42, %dma_start3A_43, %dma_start3A_44] : memref<6x512x32xf32, #tpu.memory_space<vmem>> -> memref<1x512x32xf32, #tpu.memory_space<vmem>>
    %dma_start3A_46 = tpu.memref_squeeze %dma_start3A_45 : memref<1x512x32xf32, #tpu.memory_space<vmem>> -> memref<512x32xf32, #tpu.memory_space<vmem>>
    %dma_start3A_47 = arith.constant 2048 : i32
    %dma_start3A_48 = tpu.memref_slice %arg5[%dma_start3A_47] : memref<13312xi32, #tpu.memory_space<vmem>> -> memref<512xi32, #tpu.memory_space<vmem>>
    %dma_start3A_49 = arith.constant 0 : i32
    %dma_start3A_50 = arith.constant 0 : i32
    %dma_start3A_51 = tpu.memref_slice %arg3[%dma_start3A_49, %dma_start3A_50] : memref<1048576x32xf32, #tpu.memory_space<hbm>> -> memref<1048576x32xf32, #tpu.memory_space<hbm>>
    tpu.enqueue_indirect_dma source(%dma_start3A_51 : memref<1048576x32xf32, #tpu.memory_space<hbm>>) target(%dma_start3A_46 : memref<512x32xf32, #tpu.memory_space<vmem>>) offsets(%dma_start3A_48 : memref<512xi32, #tpu.memory_space<vmem>>) semaphore(%arg11 : memref<!tpu.dma_semaphore, #tpu.memory_space<semaphore_mem>>)
    %dma_start3A_52 = arith.constant 5 : i32
    %dma_start3A_53 = arith.constant 0 : i32
    %dma_start3A_54 = arith.constant 0 : i32
    %dma_start3A_55 = tpu.memref_slice %arg6[%dma_start3A_52, %dma_start3A_53, %dma_start3A_54] : memref<6x512x32xf32, #tpu.memory_space<vmem>> -> memref<1x512x32xf32, #tpu.memory_space<vmem>>
    %dma_start3A_56 = tpu.memref_squeeze %dma_start3A_55 : memref<1x512x32xf32, #tpu.memory_space<vmem>> -> memref<512x32xf32, #tpu.memory_space<vmem>>
    %dma_start3A_57 = arith.constant 2560 : i32
    %dma_start3A_58 = tpu.memref_slice %arg5[%dma_start3A_57] : memref<13312xi32, #tpu.memory_space<vmem>> -> memref<512xi32, #tpu.memory_space<vmem>>
    %dma_start3A_59 = arith.constant 0 : i32
    %dma_start3A_60 = arith.constant 0 : i32
    %dma_start3A_61 = tpu.memref_slice %arg3[%dma_start3A_59, %dma_start3A_60] : memref<1048576x32xf32, #tpu.memory_space<hbm>> -> memref<1048576x32xf32, #tpu.memory_space<hbm>>
    tpu.enqueue_indirect_dma source(%dma_start3A_61 : memref<1048576x32xf32, #tpu.memory_space<hbm>>) target(%dma_start3A_56 : memref<512x32xf32, #tpu.memory_space<vmem>>) offsets(%dma_start3A_58 : memref<512xi32, #tpu.memory_space<vmem>>) semaphore(%arg12 : memref<!tpu.dma_semaphore, #tpu.memory_space<semaphore_mem>>)
    %dma_wait3A = arith.constant 0 : i32
    %dma_wait3A_62 = arith.constant 0 : i32
    %dma_wait3A_63 = arith.constant 0 : i32
    %dma_wait3A_64 = tpu.memref_slice %arg6[%dma_wait3A, %dma_wait3A_62, %dma_wait3A_63] : memref<6x512x32xf32, #tpu.memory_space<vmem>> -> memref<1x512x32xf32, #tpu.memory_space<vmem>>
    %dma_wait3A_65 = tpu.memref_squeeze %dma_wait3A_64 : memref<1x512x32xf32, #tpu.memory_space<vmem>> -> memref<512x32xf32, #tpu.memory_space<vmem>>
    %dma_wait3A_66 = arith.constant 0 : i32
    %dma_wait3A_67 = tpu.memref_slice %arg5[%dma_wait3A_66] : memref<13312xi32, #tpu.memory_space<vmem>> -> memref<512xi32, #tpu.memory_space<vmem>>
    %dma_wait3A_68 = arith.constant 0 : i32
    %dma_wait3A_69 = arith.constant 0 : i32
    %dma_wait3A_70 = tpu.memref_slice %arg3[%dma_wait3A_68, %dma_wait3A_69] : memref<1048576x32xf32, #tpu.memory_space<hbm>> -> memref<1048576x32xf32, #tpu.memory_space<hbm>>
    tpu.wait_indirect_dma semaphore(%arg7 : memref<!tpu.dma_semaphore, #tpu.memory_space<semaphore_mem>>) src(%dma_wait3A_70 : memref<1048576x32xf32, #tpu.memory_space<hbm>>) dst(%dma_wait3A_65 : memref<512x32xf32, #tpu.memory_space<vmem>>)
    %mul3A_71 = arith.constant 26 : i32
    %mul3A_72 = arith.muli %add3A, %mul3A_71 : i32
    %add3A_73 = arith.constant 0 : i32
    %add3A_74 = arith.addi %mul3A_72, %add3A_73 : i32
    %shift_right_arithmetic3A = arith.constant 5 : i32
    %shift_right_arithmetic3A_75 = arith.shrsi %add3A_74, %shift_right_arithmetic3A : i32
    %shift_right_arithmetic3A_76 = arith.constant 3 : i32
    %shift_right_arithmetic3A_77 = arith.shrsi %add3A_74, %shift_right_arithmetic3A_76 : i32
    %and3A = arith.constant 3 : i32
    %and3A_78 = arith.andi %shift_right_arithmetic3A_77, %and3A : i32
    %and3A_79 = arith.constant 7 : i32
    %and3A_80 = arith.andi %add3A_74, %and3A_79 : i32
    %mul3A_81 = arith.constant 512 : i32
    %mul3A_82 = arith.muli %and3A_80, %mul3A_81 : i32
    %multiple_of3A_83 = tpu.assume_multiple %mul3A_82, 8 : i32
    %mul3A_84 = arith.constant 32 : i32
    %mul3A_85 = arith.muli %and3A_78, %mul3A_84 : i32
    %multiple_of3A_86 = tpu.assume_multiple %mul3A_85, 8 : i32
    %dma_start3A_87 = arith.constant 0 : i32
    %dma_start3A_88 = arith.constant 0 : i32
    %dma_start3A_89 = arith.constant 0 : i32
    %dma_start3A_90 = tpu.memref_slice %arg6[%dma_start3A_87, %dma_start3A_88, %dma_start3A_89] : memref<6x512x32xf32, #tpu.memory_space<vmem>> -> memref<1x512x32xf32, #tpu.memory_space<vmem>>
    %dma_start3A_91 = tpu.memref_squeeze %dma_start3A_90 : memref<1x512x32xf32, #tpu.memory_space<vmem>> -> memref<512x32xf32, #tpu.memory_space<vmem>>
    %dma_start3A_92 = tpu.memref_slice %arg4[%shift_right_arithmetic3A_75, %multiple_of3A_83, %multiple_of3A_86] : memref<26x4096x128xf32, #tpu.memory_space<hbm>> -> memref<1x512x32xf32, #tpu.memory_space<hbm>>
    %dma_start3A_93 = tpu.memref_squeeze %dma_start3A_92 : memref<1x512x32xf32, #tpu.memory_space<hbm>> -> memref<512x32xf32, #tpu.memory_space<hbm>>
    %dma_start3A_94 = tpu.memref_slice %arg4[%shift_right_arithmetic3A_75, %multiple_of3A_83, %multiple_of3A_86] : memref<26x4096x128xf32, #tpu.memory_space<hbm>> -> memref<1x512x32xf32, #tpu.memory_space<hbm>>
    %dma_start3A_95 = tpu.memref_squeeze %dma_start3A_94 : memref<1x512x32xf32, #tpu.memory_space<hbm>> -> memref<512x32xf32, #tpu.memory_space<hbm>>
    %dma_start3A_96 = arith.constant 0 : i32
    %dma_start3A_97 = arith.constant 0 : i32
    %dma_start3A_98 = tpu.memref_slice %arg6[%dma_start3A_87, %dma_start3A_96, %dma_start3A_97] : memref<6x512x32xf32, #tpu.memory_space<vmem>> -> memref<1x512x32xf32, #tpu.memory_space<vmem>>
    %dma_start3A_99 = tpu.memref_squeeze %dma_start3A_98 : memref<1x512x32xf32, #tpu.memory_space<vmem>> -> memref<512x32xf32, #tpu.memory_space<vmem>>
    tpu.enqueue_dma source(%dma_start3A_99 : memref<512x32xf32, #tpu.memory_space<vmem>>) target(%dma_start3A_95 : memref<512x32xf32, #tpu.memory_space<hbm>>) target_semaphore(%arg13 : memref<!tpu.dma_semaphore, #tpu.memory_space<semaphore_mem>>)
    %dma_wait3A_100 = arith.constant 0 : i32
    %dma_wait3A_101 = arith.constant 0 : i32
    %dma_wait3A_102 = arith.constant 0 : i32
    %dma_wait3A_103 = tpu.memref_slice %arg6[%dma_wait3A_100, %dma_wait3A_101, %dma_wait3A_102] : memref<6x512x32xf32, #tpu.memory_space<vmem>> -> memref<1x512x32xf32, #tpu.memory_space<vmem>>
    %dma_wait3A_104 = tpu.memref_squeeze %dma_wait3A_103 : memref<1x512x32xf32, #tpu.memory_space<vmem>> -> memref<512x32xf32, #tpu.memory_space<vmem>>
    %dma_wait3A_105 = tpu.memref_slice %arg4[%shift_right_arithmetic3A_75, %multiple_of3A_83, %multiple_of3A_86] : memref<26x4096x128xf32, #tpu.memory_space<hbm>> -> memref<1x512x32xf32, #tpu.memory_space<hbm>>
    %dma_wait3A_106 = tpu.memref_squeeze %dma_wait3A_105 : memref<1x512x32xf32, #tpu.memory_space<hbm>> -> memref<512x32xf32, #tpu.memory_space<hbm>>
    %dma_wait3A_107 = tpu.memref_slice %arg4[%shift_right_arithmetic3A_75, %multiple_of3A_83, %multiple_of3A_86] : memref<26x4096x128xf32, #tpu.memory_space<hbm>> -> memref<1x512x32xf32, #tpu.memory_space<hbm>>
    %dma_wait3A_108 = tpu.memref_squeeze %dma_wait3A_107 : memref<1x512x32xf32, #tpu.memory_space<hbm>> -> memref<512x32xf32, #tpu.memory_space<hbm>>
    %dma_wait3A_109 = arith.constant 0 : i32
    %dma_wait3A_110 = arith.constant 0 : i32
    %dma_wait3A_111 = tpu.memref_slice %arg6[%dma_wait3A_100, %dma_wait3A_109, %dma_wait3A_110] : memref<6x512x32xf32, #tpu.memory_space<vmem>> -> memref<1x512x32xf32, #tpu.memory_space<vmem>>
    %dma_wait3A_112 = tpu.memref_squeeze %dma_wait3A_111 : memref<1x512x32xf32, #tpu.memory_space<vmem>> -> memref<512x32xf32, #tpu.memory_space<vmem>>
    tpu.wait_dma2 semaphore(%arg13 : memref<!tpu.dma_semaphore, #tpu.memory_space<semaphore_mem>>) src(%dma_wait3A_112 : memref<512x32xf32, #tpu.memory_space<vmem>>) dst(%dma_wait3A_108 : memref<512x32xf32, #tpu.memory_space<hbm>>)
    %dma_start3A_113 = arith.constant 0 : i32
    %dma_start3A_114 = arith.constant 0 : i32
    %dma_start3A_115 = arith.constant 0 : i32
    %dma_start3A_116 = tpu.memref_slice %arg6[%dma_start3A_113, %dma_start3A_114, %dma_start3A_115] : memref<6x512x32xf32, #tpu.memory_space<vmem>> -> memref<1x512x32xf32, #tpu.memory_space<vmem>>
    %dma_start3A_117 = tpu.memref_squeeze %dma_start3A_116 : memref<1x512x32xf32, #tpu.memory_space<vmem>> -> memref<512x32xf32, #tpu.memory_space<vmem>>
    %dma_start3A_118 = arith.constant 3072 : i32
    %dma_start3A_119 = tpu.memref_slice %arg5[%dma_start3A_118] : memref<13312xi32, #tpu.memory_space<vmem>> -> memref<512xi32, #tpu.memory_space<vmem>>
    %dma_start3A_120 = arith.constant 0 : i32
    %dma_start3A_121 = arith.constant 0 : i32
    %dma_start3A_122 = tpu.memref_slice %arg3[%dma_start3A_120, %dma_start3A_121] : memref<1048576x32xf32, #tpu.memory_space<hbm>> -> memref<1048576x32xf32, #tpu.memory_space<hbm>>
    tpu.enqueue_indirect_dma source(%dma_start3A_122 : memref<1048576x32xf32, #tpu.memory_space<hbm>>) target(%dma_start3A_117 : memref<512x32xf32, #tpu.memory_space<vmem>>) offsets(%dma_start3A_119 : memref<512xi32, #tpu.memory_space<vmem>>) semaphore(%arg7 : memref<!tpu.dma_semaphore, #tpu.memory_space<semaphore_mem>>)
    %dma_wait3A_123 = arith.constant 1 : i32
    %dma_wait3A_124 = arith.constant 0 : i32
    %dma_wait3A_125 = arith.constant 0 : i32
    %dma_wait3A_126 = tpu.memref_slice %arg6[%dma_wait3A_123, %dma_wait3A_124, %dma_wait3A_125] : memref<6x512x32xf32, #tpu.memory_space<vmem>> -> memref<1x512x32xf32, #tpu.memory_space<vmem>>
    %dma_wait3A_127 = tpu.memref_squeeze %dma_wait3A_126 : memref<1x512x32xf32, #tpu.memory_space<vmem>> -> memref<512x32xf32, #tpu.memory_space<vmem>>
    %dma_wait3A_128 = arith.constant 512 : i32
    %dma_wait3A_129 = tpu.memref_slice %arg5[%dma_wait3A_128] : memref<13312xi32, #tpu.memory_space<vmem>> -> memref<512xi32, #tpu.memory_space<vmem>>
    %dma_wait3A_130 = arith.constant 0 : i32
    %dma_wait3A_131 = arith.constant 0 : i32
    %dma_wait3A_132 = tpu.memref_slice %arg3[%dma_wait3A_130, %dma_wait3A_131] : memref<1048576x32xf32, #tpu.memory_space<hbm>> -> memref<1048576x32xf32, #tpu.memory_space<hbm>>
    tpu.wait_indirect_dma semaphore(%arg8 : memref<!tpu.dma_semaphore, #tpu.memory_space<semaphore_mem>>) src(%dma_wait3A_132 : memref<1048576x32xf32, #tpu.memory_space<hbm>>) dst(%dma_wait3A_127 : memref<512x32xf32, #tpu.memory_space<vmem>>)
    %mul3A_133 = arith.constant 26 : i32
    %mul3A_134 = arith.muli %add3A, %mul3A_133 : i32
    %add3A_135 = arith.constant 1 : i32
    %add3A_136 = arith.addi %mul3A_134, %add3A_135 : i32
    %shift_right_arithmetic3A_137 = arith.constant 5 : i32
    %shift_right_arithmetic3A_138 = arith.shrsi %add3A_136, %shift_right_arithmetic3A_137 : i32
    %shift_right_arithmetic3A_139 = arith.constant 3 : i32
    %shift_right_arithmetic3A_140 = arith.shrsi %add3A_136, %shift_right_arithmetic3A_139 : i32
    %and3A_141 = arith.constant 3 : i32
    %and3A_142 = arith.andi %shift_right_arithmetic3A_140, %and3A_141 : i32
    %and3A_143 = arith.constant 7 : i32
    %and3A_144 = arith.andi %add3A_136, %and3A_143 : i32
    %mul3A_145 = arith.constant 512 : i32
    %mul3A_146 = arith.muli %and3A_144, %mul3A_145 : i32
    %multiple_of3A_147 = tpu.assume_multiple %mul3A_146, 8 : i32
    %mul3A_148 = arith.constant 32 : i32
    %mul3A_149 = arith.muli %and3A_142, %mul3A_148 : i32
    %multiple_of3A_150 = tpu.assume_multiple %mul3A_149, 8 : i32
    %dma_start3A_151 = arith.constant 1 : i32
    %dma_start3A_152 = arith.constant 0 : i32
    %dma_start3A_153 = arith.constant 0 : i32
    %dma_start3A_154 = tpu.memref_slice %arg6[%dma_start3A_151, %dma_start3A_152, %dma_start3A_153] : memref<6x512x32xf32, #tpu.memory_space<vmem>> -> memref<1x512x32xf32, #tpu.memory_space<vmem>>
    %dma_start3A_155 = tpu.memref_squeeze %dma_start3A_154 : memref<1x512x32xf32, #tpu.memory_space<vmem>> -> memref<512x32xf32, #tpu.memory_space<vmem>>
    %dma_start3A_156 = tpu.memref_slice %arg4[%shift_right_arithmetic3A_138, %multiple_of3A_147, %multiple_of3A_150] : memref<26x4096x128xf32, #tpu.memory_space<hbm>> -> memref<1x512x32xf32, #tpu.memory_space<hbm>>
    %dma_start3A_157 = tpu.memref_squeeze %dma_start3A_156 : memref<1x512x32xf32, #tpu.memory_space<hbm>> -> memref<512x32xf32, #tpu.memory_space<hbm>>
    %dma_start3A_158 = tpu.memref_slice %arg4[%shift_right_arithmetic3A_138, %multiple_of3A_147, %multiple_of3A_150] : memref<26x4096x128xf32, #tpu.memory_space<hbm>> -> memref<1x512x32xf32, #tpu.memory_space<hbm>>
    %dma_start3A_159 = tpu.memref_squeeze %dma_start3A_158 : memref<1x512x32xf32, #tpu.memory_space<hbm>> -> memref<512x32xf32, #tpu.memory_space<hbm>>
    %dma_start3A_160 = arith.constant 0 : i32
    %dma_start3A_161 = arith.constant 0 : i32
    %dma_start3A_162 = tpu.memref_slice %arg6[%dma_start3A_151, %dma_start3A_160, %dma_start3A_161] : memref<6x512x32xf32, #tpu.memory_space<vmem>> -> memref<1x512x32xf32, #tpu.memory_space<vmem>>
    %dma_start3A_163 = tpu.memref_squeeze %dma_start3A_162 : memref<1x512x32xf32, #tpu.memory_space<vmem>> -> memref<512x32xf32, #tpu.memory_space<vmem>>
    tpu.enqueue_dma source(%dma_start3A_163 : memref<512x32xf32, #tpu.memory_space<vmem>>) target(%dma_start3A_159 : memref<512x32xf32, #tpu.memory_space<hbm>>) target_semaphore(%arg14 : memref<!tpu.dma_semaphore, #tpu.memory_space<semaphore_mem>>)
    %dma_wait3A_164 = arith.constant 1 : i32
    %dma_wait3A_165 = arith.constant 0 : i32
    %dma_wait3A_166 = arith.constant 0 : i32
    %dma_wait3A_167 = tpu.memref_slice %arg6[%dma_wait3A_164, %dma_wait3A_165, %dma_wait3A_166] : memref<6x512x32xf32, #tpu.memory_space<vmem>> -> memref<1x512x32xf32, #tpu.memory_space<vmem>>
    %dma_wait3A_168 = tpu.memref_squeeze %dma_wait3A_167 : memref<1x512x32xf32, #tpu.memory_space<vmem>> -> memref<512x32xf32, #tpu.memory_space<vmem>>
    %dma_wait3A_169 = tpu.memref_slice %arg4[%shift_right_arithmetic3A_138, %multiple_of3A_147, %multiple_of3A_150] : memref<26x4096x128xf32, #tpu.memory_space<hbm>> -> memref<1x512x32xf32, #tpu.memory_space<hbm>>
    %dma_wait3A_170 = tpu.memref_squeeze %dma_wait3A_169 : memref<1x512x32xf32, #tpu.memory_space<hbm>> -> memref<512x32xf32, #tpu.memory_space<hbm>>
    %dma_wait3A_171 = tpu.memref_slice %arg4[%shift_right_arithmetic3A_138, %multiple_of3A_147, %multiple_of3A_150] : memref<26x4096x128xf32, #tpu.memory_space<hbm>> -> memref<1x512x32xf32, #tpu.memory_space<hbm>>
    %dma_wait3A_172 = tpu.memref_squeeze %dma_wait3A_171 : memref<1x512x32xf32, #tpu.memory_space<hbm>> -> memref<512x32xf32, #tpu.memory_space<hbm>>
    %dma_wait3A_173 = arith.constant 0 : i32
    %dma_wait3A_174 = arith.constant 0 : i32
    %dma_wait3A_175 = tpu.memref_slice %arg6[%dma_wait3A_164, %dma_wait3A_173, %dma_wait3A_174] : memref<6x512x32xf32, #tpu.memory_space<vmem>> -> memref<1x512x32xf32, #tpu.memory_space<vmem>>
    %dma_wait3A_176 = tpu.memref_squeeze %dma_wait3A_175 : memref<1x512x32xf32, #tpu.memory_space<vmem>> -> memref<512x32xf32, #tpu.memory_space<vmem>>
    tpu.wait_dma2 semaphore(%arg14 : memref<!tpu.dma_semaphore, #tpu.memory_space<semaphore_mem>>) src(%dma_wait3A_176 : memref<512x32xf32, #tpu.memory_space<vmem>>) dst(%dma_wait3A_172 : memref<512x32xf32, #tpu.memory_space<hbm>>)
    %dma_start3A_177 = arith.constant 1 : i32
    %dma_start3A_178 = arith.constant 0 : i32
    %dma_start3A_179 = arith.constant 0 : i32
    %dma_start3A_180 = tpu.memref_slice %arg6[%dma_start3A_177, %dma_start3A_178, %dma_start3A_179] : memref<6x512x32xf32, #tpu.memory_space<vmem>> -> memref<1x512x32xf32, #tpu.memory_space<vmem>>
    %dma_start3A_181 = tpu.memref_squeeze %dma_start3A_180 : memref<1x512x32xf32, #tpu.memory_space<vmem>> -> memref<512x32xf32, #tpu.memory_space<vmem>>
    %dma_start3A_182 = arith.constant 3584 : i32
    %dma_start3A_183 = tpu.memref_slice %arg5[%dma_start3A_182] : memref<13312xi32, #tpu.memory_space<vmem>> -> memref<512xi32, #tpu.memory_space<vmem>>
    %dma_start3A_184 = arith.constant 0 : i32
    %dma_start3A_185 = arith.constant 0 : i32
    %dma_start3A_186 = tpu.memref_slice %arg3[%dma_start3A_184, %dma_start3A_185] : memref<1048576x32xf32, #tpu.memory_space<hbm>> -> memref<1048576x32xf32, #tpu.memory_space<hbm>>
    tpu.enqueue_indirect_dma source(%dma_start3A_186 : memref<1048576x32xf32, #tpu.memory_space<hbm>>) target(%dma_start3A_181 : memref<512x32xf32, #tpu.memory_space<vmem>>) offsets(%dma_start3A_183 : memref<512xi32, #tpu.memory_space<vmem>>) semaphore(%arg8 : memref<!tpu.dma_semaphore, #tpu.memory_space<semaphore_mem>>)
    %dma_wait3A_187 = arith.constant 2 : i32
    %dma_wait3A_188 = arith.constant 0 : i32
    %dma_wait3A_189 = arith.constant 0 : i32
    %dma_wait3A_190 = tpu.memref_slice %arg6[%dma_wait3A_187, %dma_wait3A_188, %dma_wait3A_189] : memref<6x512x32xf32, #tpu.memory_space<vmem>> -> memref<1x512x32xf32, #tpu.memory_space<vmem>>
    %dma_wait3A_191 = tpu.memref_squeeze %dma_wait3A_190 : memref<1x512x32xf32, #tpu.memory_space<vmem>> -> memref<512x32xf32, #tpu.memory_space<vmem>>
    %dma_wait3A_192 = arith.constant 1024 : i32
    %dma_wait3A_193 = tpu.memref_slice %arg5[%dma_wait3A_192] : memref<13312xi32, #tpu.memory_space<vmem>> -> memref<512xi32, #tpu.memory_space<vmem>>
    %dma_wait3A_194 = arith.constant 0 : i32
    %dma_wait3A_195 = arith.constant 0 : i32
    %dma_wait3A_196 = tpu.memref_slice %arg3[%dma_wait3A_194, %dma_wait3A_195] : memref<1048576x32xf32, #tpu.memory_space<hbm>> -> memref<1048576x32xf32, #tpu.memory_space<hbm>>
    tpu.wait_indirect_dma semaphore(%arg9 : memref<!tpu.dma_semaphore, #tpu.memory_space<semaphore_mem>>) src(%dma_wait3A_196 : memref<1048576x32xf32, #tpu.memory_space<hbm>>) dst(%dma_wait3A_191 : memref<512x32xf32, #tpu.memory_space<vmem>>)
    %mul3A_197 = arith.constant 26 : i32
    %mul3A_198 = arith.muli %add3A, %mul3A_197 : i32
    %add3A_199 = arith.constant 2 : i32
    %add3A_200 = arith.addi %mul3A_198, %add3A_199 : i32
    %shift_right_arithmetic3A_201 = arith.constant 5 : i32
    %shift_right_arithmetic3A_202 = arith.shrsi %add3A_200, %shift_right_arithmetic3A_201 : i32
    %shift_right_arithmetic3A_203 = arith.constant 3 : i32
    %shift_right_arithmetic3A_204 = arith.shrsi %add3A_200, %shift_right_arithmetic3A_203 : i32
    %and3A_205 = arith.constant 3 : i32
    %and3A_206 = arith.andi %shift_right_arithmetic3A_204, %and3A_205 : i32
    %and3A_207 = arith.constant 7 : i32
    %and3A_208 = arith.andi %add3A_200, %and3A_207 : i32
    %mul3A_209 = arith.constant 512 : i32
    %mul3A_210 = arith.muli %and3A_208, %mul3A_209 : i32
    %multiple_of3A_211 = tpu.assume_multiple %mul3A_210, 8 : i32
    %mul3A_212 = arith.constant 32 : i32
    %mul3A_213 = arith.muli %and3A_206, %mul3A_212 : i32
    %multiple_of3A_214 = tpu.assume_multiple %mul3A_213, 8 : i32
    %dma_start3A_215 = arith.constant 2 : i32
    %dma_start3A_216 = arith.constant 0 : i32
    %dma_start3A_217 = arith.constant 0 : i32
    %dma_start3A_218 = tpu.memref_slice %arg6[%dma_start3A_215, %dma_start3A_216, %dma_start3A_217] : memref<6x512x32xf32, #tpu.memory_space<vmem>> -> memref<1x512x32xf32, #tpu.memory_space<vmem>>
    %dma_start3A_219 = tpu.memref_squeeze %dma_start3A_218 : memref<1x512x32xf32, #tpu.memory_space<vmem>> -> memref<512x32xf32, #tpu.memory_space<vmem>>
    %dma_start3A_220 = tpu.memref_slice %arg4[%shift_right_arithmetic3A_202, %multiple_of3A_211, %multiple_of3A_214] : memref<26x4096x128xf32, #tpu.memory_space<hbm>> -> memref<1x512x32xf32, #tpu.memory_space<hbm>>
    %dma_start3A_221 = tpu.memref_squeeze %dma_start3A_220 : memref<1x512x32xf32, #tpu.memory_space<hbm>> -> memref<512x32xf32, #tpu.memory_space<hbm>>
    %dma_start3A_222 = tpu.memref_slice %arg4[%shift_right_arithmetic3A_202, %multiple_of3A_211, %multiple_of3A_214] : memref<26x4096x128xf32, #tpu.memory_space<hbm>> -> memref<1x512x32xf32, #tpu.memory_space<hbm>>
    %dma_start3A_223 = tpu.memref_squeeze %dma_start3A_222 : memref<1x512x32xf32, #tpu.memory_space<hbm>> -> memref<512x32xf32, #tpu.memory_space<hbm>>
    %dma_start3A_224 = arith.constant 0 : i32
    %dma_start3A_225 = arith.constant 0 : i32
    %dma_start3A_226 = tpu.memref_slice %arg6[%dma_start3A_215, %dma_start3A_224, %dma_start3A_225] : memref<6x512x32xf32, #tpu.memory_space<vmem>> -> memref<1x512x32xf32, #tpu.memory_space<vmem>>
    %dma_start3A_227 = tpu.memref_squeeze %dma_start3A_226 : memref<1x512x32xf32, #tpu.memory_space<vmem>> -> memref<512x32xf32, #tpu.memory_space<vmem>>
    tpu.enqueue_dma source(%dma_start3A_227 : memref<512x32xf32, #tpu.memory_space<vmem>>) target(%dma_start3A_223 : memref<512x32xf32, #tpu.memory_space<hbm>>) target_semaphore(%arg15 : memref<!tpu.dma_semaphore, #tpu.memory_space<semaphore_mem>>)
    %dma_wait3A_228 = arith.constant 2 : i32
    %dma_wait3A_229 = arith.constant 0 : i32
    %dma_wait3A_230 = arith.constant 0 : i32
    %dma_wait3A_231 = tpu.memref_slice %arg6[%dma_wait3A_228, %dma_wait3A_229, %dma_wait3A_230] : memref<6x512x32xf32, #tpu.memory_space<vmem>> -> memref<1x512x32xf32, #tpu.memory_space<vmem>>
    %dma_wait3A_232 = tpu.memref_squeeze %dma_wait3A_231 : memref<1x512x32xf32, #tpu.memory_space<vmem>> -> memref<512x32xf32, #tpu.memory_space<vmem>>
    %dma_wait3A_233 = tpu.memref_slice %arg4[%shift_right_arithmetic3A_202, %multiple_of3A_211, %multiple_of3A_214] : memref<26x4096x128xf32, #tpu.memory_space<hbm>> -> memref<1x512x32xf32, #tpu.memory_space<hbm>>
    %dma_wait3A_234 = tpu.memref_squeeze %dma_wait3A_233 : memref<1x512x32xf32, #tpu.memory_space<hbm>> -> memref<512x32xf32, #tpu.memory_space<hbm>>
    %dma_wait3A_235 = tpu.memref_slice %arg4[%shift_right_arithmetic3A_202, %multiple_of3A_211, %multiple_of3A_214] : memref<26x4096x128xf32, #tpu.memory_space<hbm>> -> memref<1x512x32xf32, #tpu.memory_space<hbm>>
    %dma_wait3A_236 = tpu.memref_squeeze %dma_wait3A_235 : memref<1x512x32xf32, #tpu.memory_space<hbm>> -> memref<512x32xf32, #tpu.memory_space<hbm>>
    %dma_wait3A_237 = arith.constant 0 : i32
    %dma_wait3A_238 = arith.constant 0 : i32
    %dma_wait3A_239 = tpu.memref_slice %arg6[%dma_wait3A_228, %dma_wait3A_237, %dma_wait3A_238] : memref<6x512x32xf32, #tpu.memory_space<vmem>> -> memref<1x512x32xf32, #tpu.memory_space<vmem>>
    %dma_wait3A_240 = tpu.memref_squeeze %dma_wait3A_239 : memref<1x512x32xf32, #tpu.memory_space<vmem>> -> memref<512x32xf32, #tpu.memory_space<vmem>>
    tpu.wait_dma2 semaphore(%arg15 : memref<!tpu.dma_semaphore, #tpu.memory_space<semaphore_mem>>) src(%dma_wait3A_240 : memref<512x32xf32, #tpu.memory_space<vmem>>) dst(%dma_wait3A_236 : memref<512x32xf32, #tpu.memory_space<hbm>>)
    %dma_start3A_241 = arith.constant 2 : i32
    %dma_start3A_242 = arith.constant 0 : i32
    %dma_start3A_243 = arith.constant 0 : i32
    %dma_start3A_244 = tpu.memref_slice %arg6[%dma_start3A_241, %dma_start3A_242, %dma_start3A_243] : memref<6x512x32xf32, #tpu.memory_space<vmem>> -> memref<1x512x32xf32, #tpu.memory_space<vmem>>
    %dma_start3A_245 = tpu.memref_squeeze %dma_start3A_244 : memref<1x512x32xf32, #tpu.memory_space<vmem>> -> memref<512x32xf32, #tpu.memory_space<vmem>>
    %dma_start3A_246 = arith.constant 4096 : i32
    %dma_start3A_247 = tpu.memref_slice %arg5[%dma_start3A_246] : memref<13312xi32, #tpu.memory_space<vmem>> -> memref<512xi32, #tpu.memory_space<vmem>>
    %dma_start3A_248 = arith.constant 0 : i32
    %dma_start3A_249 = arith.constant 0 : i32
    %dma_start3A_250 = tpu.memref_slice %arg3[%dma_start3A_248, %dma_start3A_249] : memref<1048576x32xf32, #tpu.memory_space<hbm>> -> memref<1048576x32xf32, #tpu.memory_space<hbm>>
    tpu.enqueue_indirect_dma source(%dma_start3A_250 : memref<1048576x32xf32, #tpu.memory_space<hbm>>) target(%dma_start3A_245 : memref<512x32xf32, #tpu.memory_space<vmem>>) offsets(%dma_start3A_247 : memref<512xi32, #tpu.memory_space<vmem>>) semaphore(%arg9 : memref<!tpu.dma_semaphore, #tpu.memory_space<semaphore_mem>>)
    %dma_wait3A_251 = arith.constant 3 : i32
    %dma_wait3A_252 = arith.constant 0 : i32
    %dma_wait3A_253 = arith.constant 0 : i32
    %dma_wait3A_254 = tpu.memref_slice %arg6[%dma_wait3A_251, %dma_wait3A_252, %dma_wait3A_253] : memref<6x512x32xf32, #tpu.memory_space<vmem>> -> memref<1x512x32xf32, #tpu.memory_space<vmem>>
    %dma_wait3A_255 = tpu.memref_squeeze %dma_wait3A_254 : memref<1x512x32xf32, #tpu.memory_space<vmem>> -> memref<512x32xf32, #tpu.memory_space<vmem>>
    %dma_wait3A_256 = arith.constant 1536 : i32
    %dma_wait3A_257 = tpu.memref_slice %arg5[%dma_wait3A_256] : memref<13312xi32, #tpu.memory_space<vmem>> -> memref<512xi32, #tpu.memory_space<vmem>>
    %dma_wait3A_258 = arith.constant 0 : i32
    %dma_wait3A_259 = arith.constant 0 : i32
    %dma_wait3A_260 = tpu.memref_slice %arg3[%dma_wait3A_258, %dma_wait3A_259] : memref<1048576x32xf32, #tpu.memory_space<hbm>> -> memref<1048576x32xf32, #tpu.memory_space<hbm>>
    tpu.wait_indirect_dma semaphore(%arg10 : memref<!tpu.dma_semaphore, #tpu.memory_space<semaphore_mem>>) src(%dma_wait3A_260 : memref<1048576x32xf32, #tpu.memory_space<hbm>>) dst(%dma_wait3A_255 : memref<512x32xf32, #tpu.memory_space<vmem>>)
    %mul3A_261 = arith.constant 26 : i32
    %mul3A_262 = arith.muli %add3A, %mul3A_261 : i32
    %add3A_263 = arith.constant 3 : i32
    %add3A_264 = arith.addi %mul3A_262, %add3A_263 : i32
    %shift_right_arithmetic3A_265 = arith.constant 5 : i32
    %shift_right_arithmetic3A_266 = arith.shrsi %add3A_264, %shift_right_arithmetic3A_265 : i32
    %shift_right_arithmetic3A_267 = arith.constant 3 : i32
    %shift_right_arithmetic3A_268 = arith.shrsi %add3A_264, %shift_right_arithmetic3A_267 : i32
    %and3A_269 = arith.constant 3 : i32
    %and3A_270 = arith.andi %shift_right_arithmetic3A_268, %and3A_269 : i32
    %and3A_271 = arith.constant 7 : i32
    %and3A_272 = arith.andi %add3A_264, %and3A_271 : i32
    %mul3A_273 = arith.constant 512 : i32
    %mul3A_274 = arith.muli %and3A_272, %mul3A_273 : i32
    %multiple_of3A_275 = tpu.assume_multiple %mul3A_274, 8 : i32
    %mul3A_276 = arith.constant 32 : i32
    %mul3A_277 = arith.muli %and3A_270, %mul3A_276 : i32
    %multiple_of3A_278 = tpu.assume_multiple %mul3A_277, 8 : i32
    %dma_start3A_279 = arith.constant 3 : i32
    %dma_start3A_280 = arith.constant 0 : i32
    %dma_start3A_281 = arith.constant 0 : i32
    %dma_start3A_282 = tpu.memref_slice %arg6[%dma_start3A_279, %dma_start3A_280, %dma_start3A_281] : memref<6x512x32xf32, #tpu.memory_space<vmem>> -> memref<1x512x32xf32, #tpu.memory_space<vmem>>
    %dma_start3A_283 = tpu.memref_squeeze %dma_start3A_282 : memref<1x512x32xf32, #tpu.memory_space<vmem>> -> memref<512x32xf32, #tpu.memory_space<vmem>>
    %dma_start3A_284 = tpu.memref_slice %arg4[%shift_right_arithmetic3A_266, %multiple_of3A_275, %multiple_of3A_278] : memref<26x4096x128xf32, #tpu.memory_space<hbm>> -> memref<1x512x32xf32, #tpu.memory_space<hbm>>
    %dma_start3A_285 = tpu.memref_squeeze %dma_start3A_284 : memref<1x512x32xf32, #tpu.memory_space<hbm>> -> memref<512x32xf32, #tpu.memory_space<hbm>>
    %dma_start3A_286 = tpu.memref_slice %arg4[%shift_right_arithmetic3A_266, %multiple_of3A_275, %multiple_of3A_278] : memref<26x4096x128xf32, #tpu.memory_space<hbm>> -> memref<1x512x32xf32, #tpu.memory_space<hbm>>
    %dma_start3A_287 = tpu.memref_squeeze %dma_start3A_286 : memref<1x512x32xf32, #tpu.memory_space<hbm>> -> memref<512x32xf32, #tpu.memory_space<hbm>>
    %dma_start3A_288 = arith.constant 0 : i32
    %dma_start3A_289 = arith.constant 0 : i32
    %dma_start3A_290 = tpu.memref_slice %arg6[%dma_start3A_279, %dma_start3A_288, %dma_start3A_289] : memref<6x512x32xf32, #tpu.memory_space<vmem>> -> memref<1x512x32xf32, #tpu.memory_space<vmem>>
    %dma_start3A_291 = tpu.memref_squeeze %dma_start3A_290 : memref<1x512x32xf32, #tpu.memory_space<vmem>> -> memref<512x32xf32, #tpu.memory_space<vmem>>
    tpu.enqueue_dma source(%dma_start3A_291 : memref<512x32xf32, #tpu.memory_space<vmem>>) target(%dma_start3A_287 : memref<512x32xf32, #tpu.memory_space<hbm>>) target_semaphore(%arg16 : memref<!tpu.dma_semaphore, #tpu.memory_space<semaphore_mem>>)
    %dma_wait3A_292 = arith.constant 3 : i32
    %dma_wait3A_293 = arith.constant 0 : i32
    %dma_wait3A_294 = arith.constant 0 : i32
    %dma_wait3A_295 = tpu.memref_slice %arg6[%dma_wait3A_292, %dma_wait3A_293, %dma_wait3A_294] : memref<6x512x32xf32, #tpu.memory_space<vmem>> -> memref<1x512x32xf32, #tpu.memory_space<vmem>>
    %dma_wait3A_296 = tpu.memref_squeeze %dma_wait3A_295 : memref<1x512x32xf32, #tpu.memory_space<vmem>> -> memref<512x32xf32, #tpu.memory_space<vmem>>
    %dma_wait3A_297 = tpu.memref_slice %arg4[%shift_right_arithmetic3A_266, %multiple_of3A_275, %multiple_of3A_278] : memref<26x4096x128xf32, #tpu.memory_space<hbm>> -> memref<1x512x32xf32, #tpu.memory_space<hbm>>
    %dma_wait3A_298 = tpu.memref_squeeze %dma_wait3A_297 : memref<1x512x32xf32, #tpu.memory_space<hbm>> -> memref<512x32xf32, #tpu.memory_space<hbm>>
    %dma_wait3A_299 = tpu.memref_slice %arg4[%shift_right_arithmetic3A_266, %multiple_of3A_275, %multiple_of3A_278] : memref<26x4096x128xf32, #tpu.memory_space<hbm>> -> memref<1x512x32xf32, #tpu.memory_space<hbm>>
    %dma_wait3A_300 = tpu.memref_squeeze %dma_wait3A_299 : memref<1x512x32xf32, #tpu.memory_space<hbm>> -> memref<512x32xf32, #tpu.memory_space<hbm>>
    %dma_wait3A_301 = arith.constant 0 : i32
    %dma_wait3A_302 = arith.constant 0 : i32
    %dma_wait3A_303 = tpu.memref_slice %arg6[%dma_wait3A_292, %dma_wait3A_301, %dma_wait3A_302] : memref<6x512x32xf32, #tpu.memory_space<vmem>> -> memref<1x512x32xf32, #tpu.memory_space<vmem>>
    %dma_wait3A_304 = tpu.memref_squeeze %dma_wait3A_303 : memref<1x512x32xf32, #tpu.memory_space<vmem>> -> memref<512x32xf32, #tpu.memory_space<vmem>>
    tpu.wait_dma2 semaphore(%arg16 : memref<!tpu.dma_semaphore, #tpu.memory_space<semaphore_mem>>) src(%dma_wait3A_304 : memref<512x32xf32, #tpu.memory_space<vmem>>) dst(%dma_wait3A_300 : memref<512x32xf32, #tpu.memory_space<hbm>>)
    %dma_start3A_305 = arith.constant 3 : i32
    %dma_start3A_306 = arith.constant 0 : i32
    %dma_start3A_307 = arith.constant 0 : i32
    %dma_start3A_308 = tpu.memref_slice %arg6[%dma_start3A_305, %dma_start3A_306, %dma_start3A_307] : memref<6x512x32xf32, #tpu.memory_space<vmem>> -> memref<1x512x32xf32, #tpu.memory_space<vmem>>
    %dma_start3A_309 = tpu.memref_squeeze %dma_start3A_308 : memref<1x512x32xf32, #tpu.memory_space<vmem>> -> memref<512x32xf32, #tpu.memory_space<vmem>>
    %dma_start3A_310 = arith.constant 4608 : i32
    %dma_start3A_311 = tpu.memref_slice %arg5[%dma_start3A_310] : memref<13312xi32, #tpu.memory_space<vmem>> -> memref<512xi32, #tpu.memory_space<vmem>>
    %dma_start3A_312 = arith.constant 0 : i32
    %dma_start3A_313 = arith.constant 0 : i32
    %dma_start3A_314 = tpu.memref_slice %arg3[%dma_start3A_312, %dma_start3A_313] : memref<1048576x32xf32, #tpu.memory_space<hbm>> -> memref<1048576x32xf32, #tpu.memory_space<hbm>>
    tpu.enqueue_indirect_dma source(%dma_start3A_314 : memref<1048576x32xf32, #tpu.memory_space<hbm>>) target(%dma_start3A_309 : memref<512x32xf32, #tpu.memory_space<vmem>>) offsets(%dma_start3A_311 : memref<512xi32, #tpu.memory_space<vmem>>) semaphore(%arg10 : memref<!tpu.dma_semaphore, #tpu.memory_space<semaphore_mem>>)
    %dma_wait3A_315 = arith.constant 4 : i32
    %dma_wait3A_316 = arith.constant 0 : i32
    %dma_wait3A_317 = arith.constant 0 : i32
    %dma_wait3A_318 = tpu.memref_slice %arg6[%dma_wait3A_315, %dma_wait3A_316, %dma_wait3A_317] : memref<6x512x32xf32, #tpu.memory_space<vmem>> -> memref<1x512x32xf32, #tpu.memory_space<vmem>>
    %dma_wait3A_319 = tpu.memref_squeeze %dma_wait3A_318 : memref<1x512x32xf32, #tpu.memory_space<vmem>> -> memref<512x32xf32, #tpu.memory_space<vmem>>
    %dma_wait3A_320 = arith.constant 2048 : i32
    %dma_wait3A_321 = tpu.memref_slice %arg5[%dma_wait3A_320] : memref<13312xi32, #tpu.memory_space<vmem>> -> memref<512xi32, #tpu.memory_space<vmem>>
    %dma_wait3A_322 = arith.constant 0 : i32
    %dma_wait3A_323 = arith.constant 0 : i32
    %dma_wait3A_324 = tpu.memref_slice %arg3[%dma_wait3A_322, %dma_wait3A_323] : memref<1048576x32xf32, #tpu.memory_space<hbm>> -> memref<1048576x32xf32, #tpu.memory_space<hbm>>
    tpu.wait_indirect_dma semaphore(%arg11 : memref<!tpu.dma_semaphore, #tpu.memory_space<semaphore_mem>>) src(%dma_wait3A_324 : memref<1048576x32xf32, #tpu.memory_space<hbm>>) dst(%dma_wait3A_319 : memref<512x32xf32, #tpu.memory_space<vmem>>)
    %mul3A_325 = arith.constant 26 : i32
    %mul3A_326 = arith.muli %add3A, %mul3A_325 : i32
    %add3A_327 = arith.constant 4 : i32
    %add3A_328 = arith.addi %mul3A_326, %add3A_327 : i32
    %shift_right_arithmetic3A_329 = arith.constant 5 : i32
    %shift_right_arithmetic3A_330 = arith.shrsi %add3A_328, %shift_right_arithmetic3A_329 : i32
    %shift_right_arithmetic3A_331 = arith.constant 3 : i32
    %shift_right_arithmetic3A_332 = arith.shrsi %add3A_328, %shift_right_arithmetic3A_331 : i32
    %and3A_333 = arith.constant 3 : i32
    %and3A_334 = arith.andi %shift_right_arithmetic3A_332, %and3A_333 : i32
    %and3A_335 = arith.constant 7 : i32
    %and3A_336 = arith.andi %add3A_328, %and3A_335 : i32
    %mul3A_337 = arith.constant 512 : i32
    %mul3A_338 = arith.muli %and3A_336, %mul3A_337 : i32
    %multiple_of3A_339 = tpu.assume_multiple %mul3A_338, 8 : i32
    %mul3A_340 = arith.constant 32 : i32
    %mul3A_341 = arith.muli %and3A_334, %mul3A_340 : i32
    %multiple_of3A_342 = tpu.assume_multiple %mul3A_341, 8 : i32
    %dma_start3A_343 = arith.constant 4 : i32
    %dma_start3A_344 = arith.constant 0 : i32
    %dma_start3A_345 = arith.constant 0 : i32
    %dma_start3A_346 = tpu.memref_slice %arg6[%dma_start3A_343, %dma_start3A_344, %dma_start3A_345] : memref<6x512x32xf32, #tpu.memory_space<vmem>> -> memref<1x512x32xf32, #tpu.memory_space<vmem>>
    %dma_start3A_347 = tpu.memref_squeeze %dma_start3A_346 : memref<1x512x32xf32, #tpu.memory_space<vmem>> -> memref<512x32xf32, #tpu.memory_space<vmem>>
    %dma_start3A_348 = tpu.memref_slice %arg4[%shift_right_arithmetic3A_330, %multiple_of3A_339, %multiple_of3A_342] : memref<26x4096x128xf32, #tpu.memory_space<hbm>> -> memref<1x512x32xf32, #tpu.memory_space<hbm>>
    %dma_start3A_349 = tpu.memref_squeeze %dma_start3A_348 : memref<1x512x32xf32, #tpu.memory_space<hbm>> -> memref<512x32xf32, #tpu.memory_space<hbm>>
    %dma_start3A_350 = tpu.memref_slice %arg4[%shift_right_arithmetic3A_330, %multiple_of3A_339, %multiple_of3A_342] : memref<26x4096x128xf32, #tpu.memory_space<hbm>> -> memref<1x512x32xf32, #tpu.memory_space<hbm>>
    %dma_start3A_351 = tpu.memref_squeeze %dma_start3A_350 : memref<1x512x32xf32, #tpu.memory_space<hbm>> -> memref<512x32xf32, #tpu.memory_space<hbm>>
    %dma_start3A_352 = arith.constant 0 : i32
    %dma_start3A_353 = arith.constant 0 : i32
    %dma_start3A_354 = tpu.memref_slice %arg6[%dma_start3A_343, %dma_start3A_352, %dma_start3A_353] : memref<6x512x32xf32, #tpu.memory_space<vmem>> -> memref<1x512x32xf32, #tpu.memory_space<vmem>>
    %dma_start3A_355 = tpu.memref_squeeze %dma_start3A_354 : memref<1x512x32xf32, #tpu.memory_space<vmem>> -> memref<512x32xf32, #tpu.memory_space<vmem>>
    tpu.enqueue_dma source(%dma_start3A_355 : memref<512x32xf32, #tpu.memory_space<vmem>>) target(%dma_start3A_351 : memref<512x32xf32, #tpu.memory_space<hbm>>) target_semaphore(%arg17 : memref<!tpu.dma_semaphore, #tpu.memory_space<semaphore_mem>>)
    %dma_wait3A_356 = arith.constant 4 : i32
    %dma_wait3A_357 = arith.constant 0 : i32
    %dma_wait3A_358 = arith.constant 0 : i32
    %dma_wait3A_359 = tpu.memref_slice %arg6[%dma_wait3A_356, %dma_wait3A_357, %dma_wait3A_358] : memref<6x512x32xf32, #tpu.memory_space<vmem>> -> memref<1x512x32xf32, #tpu.memory_space<vmem>>
    %dma_wait3A_360 = tpu.memref_squeeze %dma_wait3A_359 : memref<1x512x32xf32, #tpu.memory_space<vmem>> -> memref<512x32xf32, #tpu.memory_space<vmem>>
    %dma_wait3A_361 = tpu.memref_slice %arg4[%shift_right_arithmetic3A_330, %multiple_of3A_339, %multiple_of3A_342] : memref<26x4096x128xf32, #tpu.memory_space<hbm>> -> memref<1x512x32xf32, #tpu.memory_space<hbm>>
    %dma_wait3A_362 = tpu.memref_squeeze %dma_wait3A_361 : memref<1x512x32xf32, #tpu.memory_space<hbm>> -> memref<512x32xf32, #tpu.memory_space<hbm>>
    %dma_wait3A_363 = tpu.memref_slice %arg4[%shift_right_arithmetic3A_330, %multiple_of3A_339, %multiple_of3A_342] : memref<26x4096x128xf32, #tpu.memory_space<hbm>> -> memref<1x512x32xf32, #tpu.memory_space<hbm>>
    %dma_wait3A_364 = tpu.memref_squeeze %dma_wait3A_363 : memref<1x512x32xf32, #tpu.memory_space<hbm>> -> memref<512x32xf32, #tpu.memory_space<hbm>>
    %dma_wait3A_365 = arith.constant 0 : i32
    %dma_wait3A_366 = arith.constant 0 : i32
    %dma_wait3A_367 = tpu.memref_slice %arg6[%dma_wait3A_356, %dma_wait3A_365, %dma_wait3A_366] : memref<6x512x32xf32, #tpu.memory_space<vmem>> -> memref<1x512x32xf32, #tpu.memory_space<vmem>>
    %dma_wait3A_368 = tpu.memref_squeeze %dma_wait3A_367 : memref<1x512x32xf32, #tpu.memory_space<vmem>> -> memref<512x32xf32, #tpu.memory_space<vmem>>
    tpu.wait_dma2 semaphore(%arg17 : memref<!tpu.dma_semaphore, #tpu.memory_space<semaphore_mem>>) src(%dma_wait3A_368 : memref<512x32xf32, #tpu.memory_space<vmem>>) dst(%dma_wait3A_364 : memref<512x32xf32, #tpu.memory_space<hbm>>)
    %dma_start3A_369 = arith.constant 4 : i32
    %dma_start3A_370 = arith.constant 0 : i32
    %dma_start3A_371 = arith.constant 0 : i32
    %dma_start3A_372 = tpu.memref_slice %arg6[%dma_start3A_369, %dma_start3A_370, %dma_start3A_371] : memref<6x512x32xf32, #tpu.memory_space<vmem>> -> memref<1x512x32xf32, #tpu.memory_space<vmem>>
    %dma_start3A_373 = tpu.memref_squeeze %dma_start3A_372 : memref<1x512x32xf32, #tpu.memory_space<vmem>> -> memref<512x32xf32, #tpu.memory_space<vmem>>
    %dma_start3A_374 = arith.constant 5120 : i32
    %dma_start3A_375 = tpu.memref_slice %arg5[%dma_start3A_374] : memref<13312xi32, #tpu.memory_space<vmem>> -> memref<512xi32, #tpu.memory_space<vmem>>
    %dma_start3A_376 = arith.constant 0 : i32
    %dma_start3A_377 = arith.constant 0 : i32
    %dma_start3A_378 = tpu.memref_slice %arg3[%dma_start3A_376, %dma_start3A_377] : memref<1048576x32xf32, #tpu.memory_space<hbm>> -> memref<1048576x32xf32, #tpu.memory_space<hbm>>
    tpu.enqueue_indirect_dma source(%dma_start3A_378 : memref<1048576x32xf32, #tpu.memory_space<hbm>>) target(%dma_start3A_373 : memref<512x32xf32, #tpu.memory_space<vmem>>) offsets(%dma_start3A_375 : memref<512xi32, #tpu.memory_space<vmem>>) semaphore(%arg11 : memref<!tpu.dma_semaphore, #tpu.memory_space<semaphore_mem>>)
    %dma_wait3A_379 = arith.constant 5 : i32
    %dma_wait3A_380 = arith.constant 0 : i32
    %dma_wait3A_381 = arith.constant 0 : i32
    %dma_wait3A_382 = tpu.memref_slice %arg6[%dma_wait3A_379, %dma_wait3A_380, %dma_wait3A_381] : memref<6x512x32xf32, #tpu.memory_space<vmem>> -> memref<1x512x32xf32, #tpu.memory_space<vmem>>
    %dma_wait3A_383 = tpu.memref_squeeze %dma_wait3A_382 : memref<1x512x32xf32, #tpu.memory_space<vmem>> -> memref<512x32xf32, #tpu.memory_space<vmem>>
    %dma_wait3A_384 = arith.constant 2560 : i32
    %dma_wait3A_385 = tpu.memref_slice %arg5[%dma_wait3A_384] : memref<13312xi32, #tpu.memory_space<vmem>> -> memref<512xi32, #tpu.memory_space<vmem>>
    %dma_wait3A_386 = arith.constant 0 : i32
    %dma_wait3A_387 = arith.constant 0 : i32
    %dma_wait3A_388 = tpu.memref_slice %arg3[%dma_wait3A_386, %dma_wait3A_387] : memref<1048576x32xf32, #tpu.memory_space<hbm>> -> memref<1048576x32xf32, #tpu.memory_space<hbm>>
    tpu.wait_indirect_dma semaphore(%arg12 : memref<!tpu.dma_semaphore, #tpu.memory_space<semaphore_mem>>) src(%dma_wait3A_388 : memref<1048576x32xf32, #tpu.memory_space<hbm>>) dst(%dma_wait3A_383 : memref<512x32xf32, #tpu.memory_space<vmem>>)
    %mul3A_389 = arith.constant 26 : i32
    %mul3A_390 = arith.muli %add3A, %mul3A_389 : i32
    %add3A_391 = arith.constant 5 : i32
    %add3A_392 = arith.addi %mul3A_390, %add3A_391 : i32
    %shift_right_arithmetic3A_393 = arith.constant 5 : i32
    %shift_right_arithmetic3A_394 = arith.shrsi %add3A_392, %shift_right_arithmetic3A_393 : i32
    %shift_right_arithmetic3A_395 = arith.constant 3 : i32
    %shift_right_arithmetic3A_396 = arith.shrsi %add3A_392, %shift_right_arithmetic3A_395 : i32
    %and3A_397 = arith.constant 3 : i32
    %and3A_398 = arith.andi %shift_right_arithmetic3A_396, %and3A_397 : i32
    %and3A_399 = arith.constant 7 : i32
    %and3A_400 = arith.andi %add3A_392, %and3A_399 : i32
    %mul3A_401 = arith.constant 512 : i32
    %mul3A_402 = arith.muli %and3A_400, %mul3A_401 : i32
    %multiple_of3A_403 = tpu.assume_multiple %mul3A_402, 8 : i32
    %mul3A_404 = arith.constant 32 : i32
    %mul3A_405 = arith.muli %and3A_398, %mul3A_404 : i32
    %multiple_of3A_406 = tpu.assume_multiple %mul3A_405, 8 : i32
    %dma_start3A_407 = arith.constant 5 : i32
    %dma_start3A_408 = arith.constant 0 : i32
    %dma_start3A_409 = arith.constant 0 : i32
    %dma_start3A_410 = tpu.memref_slice %arg6[%dma_start3A_407, %dma_start3A_408, %dma_start3A_409] : memref<6x512x32xf32, #tpu.memory_space<vmem>> -> memref<1x512x32xf32, #tpu.memory_space<vmem>>
    %dma_start3A_411 = tpu.memref_squeeze %dma_start3A_410 : memref<1x512x32xf32, #tpu.memory_space<vmem>> -> memref<512x32xf32, #tpu.memory_space<vmem>>
    %dma_start3A_412 = tpu.memref_slice %arg4[%shift_right_arithmetic3A_394, %multiple_of3A_403, %multiple_of3A_406] : memref<26x4096x128xf32, #tpu.memory_space<hbm>> -> memref<1x512x32xf32, #tpu.memory_space<hbm>>
    %dma_start3A_413 = tpu.memref_squeeze %dma_start3A_412 : memref<1x512x32xf32, #tpu.memory_space<hbm>> -> memref<512x32xf32, #tpu.memory_space<hbm>>
    %dma_start3A_414 = tpu.memref_slice %arg4[%shift_right_arithmetic3A_394, %multiple_of3A_403, %multiple_of3A_406] : memref<26x4096x128xf32, #tpu.memory_space<hbm>> -> memref<1x512x32xf32, #tpu.memory_space<hbm>>
    %dma_start3A_415 = tpu.memref_squeeze %dma_start3A_414 : memref<1x512x32xf32, #tpu.memory_space<hbm>> -> memref<512x32xf32, #tpu.memory_space<hbm>>
    %dma_start3A_416 = arith.constant 0 : i32
    %dma_start3A_417 = arith.constant 0 : i32
    %dma_start3A_418 = tpu.memref_slice %arg6[%dma_start3A_407, %dma_start3A_416, %dma_start3A_417] : memref<6x512x32xf32, #tpu.memory_space<vmem>> -> memref<1x512x32xf32, #tpu.memory_space<vmem>>
    %dma_start3A_419 = tpu.memref_squeeze %dma_start3A_418 : memref<1x512x32xf32, #tpu.memory_space<vmem>> -> memref<512x32xf32, #tpu.memory_space<vmem>>
    tpu.enqueue_dma source(%dma_start3A_419 : memref<512x32xf32, #tpu.memory_space<vmem>>) target(%dma_start3A_415 : memref<512x32xf32, #tpu.memory_space<hbm>>) target_semaphore(%arg18 : memref<!tpu.dma_semaphore, #tpu.memory_space<semaphore_mem>>)
    %dma_wait3A_420 = arith.constant 5 : i32
    %dma_wait3A_421 = arith.constant 0 : i32
    %dma_wait3A_422 = arith.constant 0 : i32
    %dma_wait3A_423 = tpu.memref_slice %arg6[%dma_wait3A_420, %dma_wait3A_421, %dma_wait3A_422] : memref<6x512x32xf32, #tpu.memory_space<vmem>> -> memref<1x512x32xf32, #tpu.memory_space<vmem>>
    %dma_wait3A_424 = tpu.memref_squeeze %dma_wait3A_423 : memref<1x512x32xf32, #tpu.memory_space<vmem>> -> memref<512x32xf32, #tpu.memory_space<vmem>>
    %dma_wait3A_425 = tpu.memref_slice %arg4[%shift_right_arithmetic3A_394, %multiple_of3A_403, %multiple_of3A_406] : memref<26x4096x128xf32, #tpu.memory_space<hbm>> -> memref<1x512x32xf32, #tpu.memory_space<hbm>>
    %dma_wait3A_426 = tpu.memref_squeeze %dma_wait3A_425 : memref<1x512x32xf32, #tpu.memory_space<hbm>> -> memref<512x32xf32, #tpu.memory_space<hbm>>
    %dma_wait3A_427 = tpu.memref_slice %arg4[%shift_right_arithmetic3A_394, %multiple_of3A_403, %multiple_of3A_406] : memref<26x4096x128xf32, #tpu.memory_space<hbm>> -> memref<1x512x32xf32, #tpu.memory_space<hbm>>
    %dma_wait3A_428 = tpu.memref_squeeze %dma_wait3A_427 : memref<1x512x32xf32, #tpu.memory_space<hbm>> -> memref<512x32xf32, #tpu.memory_space<hbm>>
    %dma_wait3A_429 = arith.constant 0 : i32
    %dma_wait3A_430 = arith.constant 0 : i32
    %dma_wait3A_431 = tpu.memref_slice %arg6[%dma_wait3A_420, %dma_wait3A_429, %dma_wait3A_430] : memref<6x512x32xf32, #tpu.memory_space<vmem>> -> memref<1x512x32xf32, #tpu.memory_space<vmem>>
    %dma_wait3A_432 = tpu.memref_squeeze %dma_wait3A_431 : memref<1x512x32xf32, #tpu.memory_space<vmem>> -> memref<512x32xf32, #tpu.memory_space<vmem>>
    tpu.wait_dma2 semaphore(%arg18 : memref<!tpu.dma_semaphore, #tpu.memory_space<semaphore_mem>>) src(%dma_wait3A_432 : memref<512x32xf32, #tpu.memory_space<vmem>>) dst(%dma_wait3A_428 : memref<512x32xf32, #tpu.memory_space<hbm>>)
    %dma_start3A_433 = arith.constant 5 : i32
    %dma_start3A_434 = arith.constant 0 : i32
    %dma_start3A_435 = arith.constant 0 : i32
    %dma_start3A_436 = tpu.memref_slice %arg6[%dma_start3A_433, %dma_start3A_434, %dma_start3A_435] : memref<6x512x32xf32, #tpu.memory_space<vmem>> -> memref<1x512x32xf32, #tpu.memory_space<vmem>>
    %dma_start3A_437 = tpu.memref_squeeze %dma_start3A_436 : memref<1x512x32xf32, #tpu.memory_space<vmem>> -> memref<512x32xf32, #tpu.memory_space<vmem>>
    %dma_start3A_438 = arith.constant 5632 : i32
    %dma_start3A_439 = tpu.memref_slice %arg5[%dma_start3A_438] : memref<13312xi32, #tpu.memory_space<vmem>> -> memref<512xi32, #tpu.memory_space<vmem>>
    %dma_start3A_440 = arith.constant 0 : i32
    %dma_start3A_441 = arith.constant 0 : i32
    %dma_start3A_442 = tpu.memref_slice %arg3[%dma_start3A_440, %dma_start3A_441] : memref<1048576x32xf32, #tpu.memory_space<hbm>> -> memref<1048576x32xf32, #tpu.memory_space<hbm>>
    tpu.enqueue_indirect_dma source(%dma_start3A_442 : memref<1048576x32xf32, #tpu.memory_space<hbm>>) target(%dma_start3A_437 : memref<512x32xf32, #tpu.memory_space<vmem>>) offsets(%dma_start3A_439 : memref<512xi32, #tpu.memory_space<vmem>>) semaphore(%arg12 : memref<!tpu.dma_semaphore, #tpu.memory_space<semaphore_mem>>)
    %dma_wait3A_443 = arith.constant 0 : i32
    %dma_wait3A_444 = arith.constant 0 : i32
    %dma_wait3A_445 = arith.constant 0 : i32
    %dma_wait3A_446 = tpu.memref_slice %arg6[%dma_wait3A_443, %dma_wait3A_444, %dma_wait3A_445] : memref<6x512x32xf32, #tpu.memory_space<vmem>> -> memref<1x512x32xf32, #tpu.memory_space<vmem>>
    %dma_wait3A_447 = tpu.memref_squeeze %dma_wait3A_446 : memref<1x512x32xf32, #tpu.memory_space<vmem>> -> memref<512x32xf32, #tpu.memory_space<vmem>>
    %dma_wait3A_448 = arith.constant 3072 : i32
    %dma_wait3A_449 = tpu.memref_slice %arg5[%dma_wait3A_448] : memref<13312xi32, #tpu.memory_space<vmem>> -> memref<512xi32, #tpu.memory_space<vmem>>
    %dma_wait3A_450 = arith.constant 0 : i32
    %dma_wait3A_451 = arith.constant 0 : i32
    %dma_wait3A_452 = tpu.memref_slice %arg3[%dma_wait3A_450, %dma_wait3A_451] : memref<1048576x32xf32, #tpu.memory_space<hbm>> -> memref<1048576x32xf32, #tpu.memory_space<hbm>>
    tpu.wait_indirect_dma semaphore(%arg7 : memref<!tpu.dma_semaphore, #tpu.memory_space<semaphore_mem>>) src(%dma_wait3A_452 : memref<1048576x32xf32, #tpu.memory_space<hbm>>) dst(%dma_wait3A_447 : memref<512x32xf32, #tpu.memory_space<vmem>>)
    %mul3A_453 = arith.constant 26 : i32
    %mul3A_454 = arith.muli %add3A, %mul3A_453 : i32
    %add3A_455 = arith.constant 6 : i32
    %add3A_456 = arith.addi %mul3A_454, %add3A_455 : i32
    %shift_right_arithmetic3A_457 = arith.constant 5 : i32
    %shift_right_arithmetic3A_458 = arith.shrsi %add3A_456, %shift_right_arithmetic3A_457 : i32
    %shift_right_arithmetic3A_459 = arith.constant 3 : i32
    %shift_right_arithmetic3A_460 = arith.shrsi %add3A_456, %shift_right_arithmetic3A_459 : i32
    %and3A_461 = arith.constant 3 : i32
    %and3A_462 = arith.andi %shift_right_arithmetic3A_460, %and3A_461 : i32
    %and3A_463 = arith.constant 7 : i32
    %and3A_464 = arith.andi %add3A_456, %and3A_463 : i32
    %mul3A_465 = arith.constant 512 : i32
    %mul3A_466 = arith.muli %and3A_464, %mul3A_465 : i32
    %multiple_of3A_467 = tpu.assume_multiple %mul3A_466, 8 : i32
    %mul3A_468 = arith.constant 32 : i32
    %mul3A_469 = arith.muli %and3A_462, %mul3A_468 : i32
    %multiple_of3A_470 = tpu.assume_multiple %mul3A_469, 8 : i32
    %dma_start3A_471 = arith.constant 0 : i32
    %dma_start3A_472 = arith.constant 0 : i32
    %dma_start3A_473 = arith.constant 0 : i32
    %dma_start3A_474 = tpu.memref_slice %arg6[%dma_start3A_471, %dma_start3A_472, %dma_start3A_473] : memref<6x512x32xf32, #tpu.memory_space<vmem>> -> memref<1x512x32xf32, #tpu.memory_space<vmem>>
    %dma_start3A_475 = tpu.memref_squeeze %dma_start3A_474 : memref<1x512x32xf32, #tpu.memory_space<vmem>> -> memref<512x32xf32, #tpu.memory_space<vmem>>
    %dma_start3A_476 = tpu.memref_slice %arg4[%shift_right_arithmetic3A_458, %multiple_of3A_467, %multiple_of3A_470] : memref<26x4096x128xf32, #tpu.memory_space<hbm>> -> memref<1x512x32xf32, #tpu.memory_space<hbm>>
    %dma_start3A_477 = tpu.memref_squeeze %dma_start3A_476 : memref<1x512x32xf32, #tpu.memory_space<hbm>> -> memref<512x32xf32, #tpu.memory_space<hbm>>
    %dma_start3A_478 = tpu.memref_slice %arg4[%shift_right_arithmetic3A_458, %multiple_of3A_467, %multiple_of3A_470] : memref<26x4096x128xf32, #tpu.memory_space<hbm>> -> memref<1x512x32xf32, #tpu.memory_space<hbm>>
    %dma_start3A_479 = tpu.memref_squeeze %dma_start3A_478 : memref<1x512x32xf32, #tpu.memory_space<hbm>> -> memref<512x32xf32, #tpu.memory_space<hbm>>
    %dma_start3A_480 = arith.constant 0 : i32
    %dma_start3A_481 = arith.constant 0 : i32
    %dma_start3A_482 = tpu.memref_slice %arg6[%dma_start3A_471, %dma_start3A_480, %dma_start3A_481] : memref<6x512x32xf32, #tpu.memory_space<vmem>> -> memref<1x512x32xf32, #tpu.memory_space<vmem>>
    %dma_start3A_483 = tpu.memref_squeeze %dma_start3A_482 : memref<1x512x32xf32, #tpu.memory_space<vmem>> -> memref<512x32xf32, #tpu.memory_space<vmem>>
    tpu.enqueue_dma source(%dma_start3A_483 : memref<512x32xf32, #tpu.memory_space<vmem>>) target(%dma_start3A_479 : memref<512x32xf32, #tpu.memory_space<hbm>>) target_semaphore(%arg13 : memref<!tpu.dma_semaphore, #tpu.memory_space<semaphore_mem>>)
    %dma_wait3A_484 = arith.constant 0 : i32
    %dma_wait3A_485 = arith.constant 0 : i32
    %dma_wait3A_486 = arith.constant 0 : i32
    %dma_wait3A_487 = tpu.memref_slice %arg6[%dma_wait3A_484, %dma_wait3A_485, %dma_wait3A_486] : memref<6x512x32xf32, #tpu.memory_space<vmem>> -> memref<1x512x32xf32, #tpu.memory_space<vmem>>
    %dma_wait3A_488 = tpu.memref_squeeze %dma_wait3A_487 : memref<1x512x32xf32, #tpu.memory_space<vmem>> -> memref<512x32xf32, #tpu.memory_space<vmem>>
    %dma_wait3A_489 = tpu.memref_slice %arg4[%shift_right_arithmetic3A_458, %multiple_of3A_467, %multiple_of3A_470] : memref<26x4096x128xf32, #tpu.memory_space<hbm>> -> memref<1x512x32xf32, #tpu.memory_space<hbm>>
    %dma_wait3A_490 = tpu.memref_squeeze %dma_wait3A_489 : memref<1x512x32xf32, #tpu.memory_space<hbm>> -> memref<512x32xf32, #tpu.memory_space<hbm>>
    %dma_wait3A_491 = tpu.memref_slice %arg4[%shift_right_arithmetic3A_458, %multiple_of3A_467, %multiple_of3A_470] : memref<26x4096x128xf32, #tpu.memory_space<hbm>> -> memref<1x512x32xf32, #tpu.memory_space<hbm>>
    %dma_wait3A_492 = tpu.memref_squeeze %dma_wait3A_491 : memref<1x512x32xf32, #tpu.memory_space<hbm>> -> memref<512x32xf32, #tpu.memory_space<hbm>>
    %dma_wait3A_493 = arith.constant 0 : i32
    %dma_wait3A_494 = arith.constant 0 : i32
    %dma_wait3A_495 = tpu.memref_slice %arg6[%dma_wait3A_484, %dma_wait3A_493, %dma_wait3A_494] : memref<6x512x32xf32, #tpu.memory_space<vmem>> -> memref<1x512x32xf32, #tpu.memory_space<vmem>>
    %dma_wait3A_496 = tpu.memref_squeeze %dma_wait3A_495 : memref<1x512x32xf32, #tpu.memory_space<vmem>> -> memref<512x32xf32, #tpu.memory_space<vmem>>
    tpu.wait_dma2 semaphore(%arg13 : memref<!tpu.dma_semaphore, #tpu.memory_space<semaphore_mem>>) src(%dma_wait3A_496 : memref<512x32xf32, #tpu.memory_space<vmem>>) dst(%dma_wait3A_492 : memref<512x32xf32, #tpu.memory_space<hbm>>)
    %dma_start3A_497 = arith.constant 0 : i32
    %dma_start3A_498 = arith.constant 0 : i32
    %dma_start3A_499 = arith.constant 0 : i32
    %dma_start3A_500 = tpu.memref_slice %arg6[%dma_start3A_497, %dma_start3A_498, %dma_start3A_499] : memref<6x512x32xf32, #tpu.memory_space<vmem>> -> memref<1x512x32xf32, #tpu.memory_space<vmem>>
    %dma_start3A_501 = tpu.memref_squeeze %dma_start3A_500 : memref<1x512x32xf32, #tpu.memory_space<vmem>> -> memref<512x32xf32, #tpu.memory_space<vmem>>
    %dma_start3A_502 = arith.constant 6144 : i32
    %dma_start3A_503 = tpu.memref_slice %arg5[%dma_start3A_502] : memref<13312xi32, #tpu.memory_space<vmem>> -> memref<512xi32, #tpu.memory_space<vmem>>
    %dma_start3A_504 = arith.constant 0 : i32
    %dma_start3A_505 = arith.constant 0 : i32
    %dma_start3A_506 = tpu.memref_slice %arg3[%dma_start3A_504, %dma_start3A_505] : memref<1048576x32xf32, #tpu.memory_space<hbm>> -> memref<1048576x32xf32, #tpu.memory_space<hbm>>
    tpu.enqueue_indirect_dma source(%dma_start3A_506 : memref<1048576x32xf32, #tpu.memory_space<hbm>>) target(%dma_start3A_501 : memref<512x32xf32, #tpu.memory_space<vmem>>) offsets(%dma_start3A_503 : memref<512xi32, #tpu.memory_space<vmem>>) semaphore(%arg7 : memref<!tpu.dma_semaphore, #tpu.memory_space<semaphore_mem>>)
    %dma_wait3A_507 = arith.constant 1 : i32
    %dma_wait3A_508 = arith.constant 0 : i32
    %dma_wait3A_509 = arith.constant 0 : i32
    %dma_wait3A_510 = tpu.memref_slice %arg6[%dma_wait3A_507, %dma_wait3A_508, %dma_wait3A_509] : memref<6x512x32xf32, #tpu.memory_space<vmem>> -> memref<1x512x32xf32, #tpu.memory_space<vmem>>
    %dma_wait3A_511 = tpu.memref_squeeze %dma_wait3A_510 : memref<1x512x32xf32, #tpu.memory_space<vmem>> -> memref<512x32xf32, #tpu.memory_space<vmem>>
    %dma_wait3A_512 = arith.constant 3584 : i32
    %dma_wait3A_513 = tpu.memref_slice %arg5[%dma_wait3A_512] : memref<13312xi32, #tpu.memory_space<vmem>> -> memref<512xi32, #tpu.memory_space<vmem>>
    %dma_wait3A_514 = arith.constant 0 : i32
    %dma_wait3A_515 = arith.constant 0 : i32
    %dma_wait3A_516 = tpu.memref_slice %arg3[%dma_wait3A_514, %dma_wait3A_515] : memref<1048576x32xf32, #tpu.memory_space<hbm>> -> memref<1048576x32xf32, #tpu.memory_space<hbm>>
    tpu.wait_indirect_dma semaphore(%arg8 : memref<!tpu.dma_semaphore, #tpu.memory_space<semaphore_mem>>) src(%dma_wait3A_516 : memref<1048576x32xf32, #tpu.memory_space<hbm>>) dst(%dma_wait3A_511 : memref<512x32xf32, #tpu.memory_space<vmem>>)
    %mul3A_517 = arith.constant 26 : i32
    %mul3A_518 = arith.muli %add3A, %mul3A_517 : i32
    %add3A_519 = arith.constant 7 : i32
    %add3A_520 = arith.addi %mul3A_518, %add3A_519 : i32
    %shift_right_arithmetic3A_521 = arith.constant 5 : i32
    %shift_right_arithmetic3A_522 = arith.shrsi %add3A_520, %shift_right_arithmetic3A_521 : i32
    %shift_right_arithmetic3A_523 = arith.constant 3 : i32
    %shift_right_arithmetic3A_524 = arith.shrsi %add3A_520, %shift_right_arithmetic3A_523 : i32
    %and3A_525 = arith.constant 3 : i32
    %and3A_526 = arith.andi %shift_right_arithmetic3A_524, %and3A_525 : i32
    %and3A_527 = arith.constant 7 : i32
    %and3A_528 = arith.andi %add3A_520, %and3A_527 : i32
    %mul3A_529 = arith.constant 512 : i32
    %mul3A_530 = arith.muli %and3A_528, %mul3A_529 : i32
    %multiple_of3A_531 = tpu.assume_multiple %mul3A_530, 8 : i32
    %mul3A_532 = arith.constant 32 : i32
    %mul3A_533 = arith.muli %and3A_526, %mul3A_532 : i32
    %multiple_of3A_534 = tpu.assume_multiple %mul3A_533, 8 : i32
    %dma_start3A_535 = arith.constant 1 : i32
    %dma_start3A_536 = arith.constant 0 : i32
    %dma_start3A_537 = arith.constant 0 : i32
    %dma_start3A_538 = tpu.memref_slice %arg6[%dma_start3A_535, %dma_start3A_536, %dma_start3A_537] : memref<6x512x32xf32, #tpu.memory_space<vmem>> -> memref<1x512x32xf32, #tpu.memory_space<vmem>>
    %dma_start3A_539 = tpu.memref_squeeze %dma_start3A_538 : memref<1x512x32xf32, #tpu.memory_space<vmem>> -> memref<512x32xf32, #tpu.memory_space<vmem>>
    %dma_start3A_540 = tpu.memref_slice %arg4[%shift_right_arithmetic3A_522, %multiple_of3A_531, %multiple_of3A_534] : memref<26x4096x128xf32, #tpu.memory_space<hbm>> -> memref<1x512x32xf32, #tpu.memory_space<hbm>>
    %dma_start3A_541 = tpu.memref_squeeze %dma_start3A_540 : memref<1x512x32xf32, #tpu.memory_space<hbm>> -> memref<512x32xf32, #tpu.memory_space<hbm>>
    %dma_start3A_542 = tpu.memref_slice %arg4[%shift_right_arithmetic3A_522, %multiple_of3A_531, %multiple_of3A_534] : memref<26x4096x128xf32, #tpu.memory_space<hbm>> -> memref<1x512x32xf32, #tpu.memory_space<hbm>>
    %dma_start3A_543 = tpu.memref_squeeze %dma_start3A_542 : memref<1x512x32xf32, #tpu.memory_space<hbm>> -> memref<512x32xf32, #tpu.memory_space<hbm>>
    %dma_start3A_544 = arith.constant 0 : i32
    %dma_start3A_545 = arith.constant 0 : i32
    %dma_start3A_546 = tpu.memref_slice %arg6[%dma_start3A_535, %dma_start3A_544, %dma_start3A_545] : memref<6x512x32xf32, #tpu.memory_space<vmem>> -> memref<1x512x32xf32, #tpu.memory_space<vmem>>
    %dma_start3A_547 = tpu.memref_squeeze %dma_start3A_546 : memref<1x512x32xf32, #tpu.memory_space<vmem>> -> memref<512x32xf32, #tpu.memory_space<vmem>>
    tpu.enqueue_dma source(%dma_start3A_547 : memref<512x32xf32, #tpu.memory_space<vmem>>) target(%dma_start3A_543 : memref<512x32xf32, #tpu.memory_space<hbm>>) target_semaphore(%arg14 : memref<!tpu.dma_semaphore, #tpu.memory_space<semaphore_mem>>)
    %dma_wait3A_548 = arith.constant 1 : i32
    %dma_wait3A_549 = arith.constant 0 : i32
    %dma_wait3A_550 = arith.constant 0 : i32
    %dma_wait3A_551 = tpu.memref_slice %arg6[%dma_wait3A_548, %dma_wait3A_549, %dma_wait3A_550] : memref<6x512x32xf32, #tpu.memory_space<vmem>> -> memref<1x512x32xf32, #tpu.memory_space<vmem>>
    %dma_wait3A_552 = tpu.memref_squeeze %dma_wait3A_551 : memref<1x512x32xf32, #tpu.memory_space<vmem>> -> memref<512x32xf32, #tpu.memory_space<vmem>>
    %dma_wait3A_553 = tpu.memref_slice %arg4[%shift_right_arithmetic3A_522, %multiple_of3A_531, %multiple_of3A_534] : memref<26x4096x128xf32, #tpu.memory_space<hbm>> -> memref<1x512x32xf32, #tpu.memory_space<hbm>>
    %dma_wait3A_554 = tpu.memref_squeeze %dma_wait3A_553 : memref<1x512x32xf32, #tpu.memory_space<hbm>> -> memref<512x32xf32, #tpu.memory_space<hbm>>
    %dma_wait3A_555 = tpu.memref_slice %arg4[%shift_right_arithmetic3A_522, %multiple_of3A_531, %multiple_of3A_534] : memref<26x4096x128xf32, #tpu.memory_space<hbm>> -> memref<1x512x32xf32, #tpu.memory_space<hbm>>
    %dma_wait3A_556 = tpu.memref_squeeze %dma_wait3A_555 : memref<1x512x32xf32, #tpu.memory_space<hbm>> -> memref<512x32xf32, #tpu.memory_space<hbm>>
    %dma_wait3A_557 = arith.constant 0 : i32
    %dma_wait3A_558 = arith.constant 0 : i32
    %dma_wait3A_559 = tpu.memref_slice %arg6[%dma_wait3A_548, %dma_wait3A_557, %dma_wait3A_558] : memref<6x512x32xf32, #tpu.memory_space<vmem>> -> memref<1x512x32xf32, #tpu.memory_space<vmem>>
    %dma_wait3A_560 = tpu.memref_squeeze %dma_wait3A_559 : memref<1x512x32xf32, #tpu.memory_space<vmem>> -> memref<512x32xf32, #tpu.memory_space<vmem>>
    tpu.wait_dma2 semaphore(%arg14 : memref<!tpu.dma_semaphore, #tpu.memory_space<semaphore_mem>>) src(%dma_wait3A_560 : memref<512x32xf32, #tpu.memory_space<vmem>>) dst(%dma_wait3A_556 : memref<512x32xf32, #tpu.memory_space<hbm>>)
    %dma_start3A_561 = arith.constant 1 : i32
    %dma_start3A_562 = arith.constant 0 : i32
    %dma_start3A_563 = arith.constant 0 : i32
    %dma_start3A_564 = tpu.memref_slice %arg6[%dma_start3A_561, %dma_start3A_562, %dma_start3A_563] : memref<6x512x32xf32, #tpu.memory_space<vmem>> -> memref<1x512x32xf32, #tpu.memory_space<vmem>>
    %dma_start3A_565 = tpu.memref_squeeze %dma_start3A_564 : memref<1x512x32xf32, #tpu.memory_space<vmem>> -> memref<512x32xf32, #tpu.memory_space<vmem>>
    %dma_start3A_566 = arith.constant 6656 : i32
    %dma_start3A_567 = tpu.memref_slice %arg5[%dma_start3A_566] : memref<13312xi32, #tpu.memory_space<vmem>> -> memref<512xi32, #tpu.memory_space<vmem>>
    %dma_start3A_568 = arith.constant 0 : i32
    %dma_start3A_569 = arith.constant 0 : i32
    %dma_start3A_570 = tpu.memref_slice %arg3[%dma_start3A_568, %dma_start3A_569] : memref<1048576x32xf32, #tpu.memory_space<hbm>> -> memref<1048576x32xf32, #tpu.memory_space<hbm>>
    tpu.enqueue_indirect_dma source(%dma_start3A_570 : memref<1048576x32xf32, #tpu.memory_space<hbm>>) target(%dma_start3A_565 : memref<512x32xf32, #tpu.memory_space<vmem>>) offsets(%dma_start3A_567 : memref<512xi32, #tpu.memory_space<vmem>>) semaphore(%arg8 : memref<!tpu.dma_semaphore, #tpu.memory_space<semaphore_mem>>)
    %dma_wait3A_571 = arith.constant 2 : i32
    %dma_wait3A_572 = arith.constant 0 : i32
    %dma_wait3A_573 = arith.constant 0 : i32
    %dma_wait3A_574 = tpu.memref_slice %arg6[%dma_wait3A_571, %dma_wait3A_572, %dma_wait3A_573] : memref<6x512x32xf32, #tpu.memory_space<vmem>> -> memref<1x512x32xf32, #tpu.memory_space<vmem>>
    %dma_wait3A_575 = tpu.memref_squeeze %dma_wait3A_574 : memref<1x512x32xf32, #tpu.memory_space<vmem>> -> memref<512x32xf32, #tpu.memory_space<vmem>>
    %dma_wait3A_576 = arith.constant 4096 : i32
    %dma_wait3A_577 = tpu.memref_slice %arg5[%dma_wait3A_576] : memref<13312xi32, #tpu.memory_space<vmem>> -> memref<512xi32, #tpu.memory_space<vmem>>
    %dma_wait3A_578 = arith.constant 0 : i32
    %dma_wait3A_579 = arith.constant 0 : i32
    %dma_wait3A_580 = tpu.memref_slice %arg3[%dma_wait3A_578, %dma_wait3A_579] : memref<1048576x32xf32, #tpu.memory_space<hbm>> -> memref<1048576x32xf32, #tpu.memory_space<hbm>>
    tpu.wait_indirect_dma semaphore(%arg9 : memref<!tpu.dma_semaphore, #tpu.memory_space<semaphore_mem>>) src(%dma_wait3A_580 : memref<1048576x32xf32, #tpu.memory_space<hbm>>) dst(%dma_wait3A_575 : memref<512x32xf32, #tpu.memory_space<vmem>>)
    %mul3A_581 = arith.constant 26 : i32
    %mul3A_582 = arith.muli %add3A, %mul3A_581 : i32
    %add3A_583 = arith.constant 8 : i32
    %add3A_584 = arith.addi %mul3A_582, %add3A_583 : i32
    %shift_right_arithmetic3A_585 = arith.constant 5 : i32
    %shift_right_arithmetic3A_586 = arith.shrsi %add3A_584, %shift_right_arithmetic3A_585 : i32
    %shift_right_arithmetic3A_587 = arith.constant 3 : i32
    %shift_right_arithmetic3A_588 = arith.shrsi %add3A_584, %shift_right_arithmetic3A_587 : i32
    %and3A_589 = arith.constant 3 : i32
    %and3A_590 = arith.andi %shift_right_arithmetic3A_588, %and3A_589 : i32
    %and3A_591 = arith.constant 7 : i32
    %and3A_592 = arith.andi %add3A_584, %and3A_591 : i32
    %mul3A_593 = arith.constant 512 : i32
    %mul3A_594 = arith.muli %and3A_592, %mul3A_593 : i32
    %multiple_of3A_595 = tpu.assume_multiple %mul3A_594, 8 : i32
    %mul3A_596 = arith.constant 32 : i32
    %mul3A_597 = arith.muli %and3A_590, %mul3A_596 : i32
    %multiple_of3A_598 = tpu.assume_multiple %mul3A_597, 8 : i32
    %dma_start3A_599 = arith.constant 2 : i32
    %dma_start3A_600 = arith.constant 0 : i32
    %dma_start3A_601 = arith.constant 0 : i32
    %dma_start3A_602 = tpu.memref_slice %arg6[%dma_start3A_599, %dma_start3A_600, %dma_start3A_601] : memref<6x512x32xf32, #tpu.memory_space<vmem>> -> memref<1x512x32xf32, #tpu.memory_space<vmem>>
    %dma_start3A_603 = tpu.memref_squeeze %dma_start3A_602 : memref<1x512x32xf32, #tpu.memory_space<vmem>> -> memref<512x32xf32, #tpu.memory_space<vmem>>
    %dma_start3A_604 = tpu.memref_slice %arg4[%shift_right_arithmetic3A_586, %multiple_of3A_595, %multiple_of3A_598] : memref<26x4096x128xf32, #tpu.memory_space<hbm>> -> memref<1x512x32xf32, #tpu.memory_space<hbm>>
    %dma_start3A_605 = tpu.memref_squeeze %dma_start3A_604 : memref<1x512x32xf32, #tpu.memory_space<hbm>> -> memref<512x32xf32, #tpu.memory_space<hbm>>
    %dma_start3A_606 = tpu.memref_slice %arg4[%shift_right_arithmetic3A_586, %multiple_of3A_595, %multiple_of3A_598] : memref<26x4096x128xf32, #tpu.memory_space<hbm>> -> memref<1x512x32xf32, #tpu.memory_space<hbm>>
    %dma_start3A_607 = tpu.memref_squeeze %dma_start3A_606 : memref<1x512x32xf32, #tpu.memory_space<hbm>> -> memref<512x32xf32, #tpu.memory_space<hbm>>
    %dma_start3A_608 = arith.constant 0 : i32
    %dma_start3A_609 = arith.constant 0 : i32
    %dma_start3A_610 = tpu.memref_slice %arg6[%dma_start3A_599, %dma_start3A_608, %dma_start3A_609] : memref<6x512x32xf32, #tpu.memory_space<vmem>> -> memref<1x512x32xf32, #tpu.memory_space<vmem>>
    %dma_start3A_611 = tpu.memref_squeeze %dma_start3A_610 : memref<1x512x32xf32, #tpu.memory_space<vmem>> -> memref<512x32xf32, #tpu.memory_space<vmem>>
    tpu.enqueue_dma source(%dma_start3A_611 : memref<512x32xf32, #tpu.memory_space<vmem>>) target(%dma_start3A_607 : memref<512x32xf32, #tpu.memory_space<hbm>>) target_semaphore(%arg15 : memref<!tpu.dma_semaphore, #tpu.memory_space<semaphore_mem>>)
    %dma_wait3A_612 = arith.constant 2 : i32
    %dma_wait3A_613 = arith.constant 0 : i32
    %dma_wait3A_614 = arith.constant 0 : i32
    %dma_wait3A_615 = tpu.memref_slice %arg6[%dma_wait3A_612, %dma_wait3A_613, %dma_wait3A_614] : memref<6x512x32xf32, #tpu.memory_space<vmem>> -> memref<1x512x32xf32, #tpu.memory_space<vmem>>
    %dma_wait3A_616 = tpu.memref_squeeze %dma_wait3A_615 : memref<1x512x32xf32, #tpu.memory_space<vmem>> -> memref<512x32xf32, #tpu.memory_space<vmem>>
    %dma_wait3A_617 = tpu.memref_slice %arg4[%shift_right_arithmetic3A_586, %multiple_of3A_595, %multiple_of3A_598] : memref<26x4096x128xf32, #tpu.memory_space<hbm>> -> memref<1x512x32xf32, #tpu.memory_space<hbm>>
    %dma_wait3A_618 = tpu.memref_squeeze %dma_wait3A_617 : memref<1x512x32xf32, #tpu.memory_space<hbm>> -> memref<512x32xf32, #tpu.memory_space<hbm>>
    %dma_wait3A_619 = tpu.memref_slice %arg4[%shift_right_arithmetic3A_586, %multiple_of3A_595, %multiple_of3A_598] : memref<26x4096x128xf32, #tpu.memory_space<hbm>> -> memref<1x512x32xf32, #tpu.memory_space<hbm>>
    %dma_wait3A_620 = tpu.memref_squeeze %dma_wait3A_619 : memref<1x512x32xf32, #tpu.memory_space<hbm>> -> memref<512x32xf32, #tpu.memory_space<hbm>>
    %dma_wait3A_621 = arith.constant 0 : i32
    %dma_wait3A_622 = arith.constant 0 : i32
    %dma_wait3A_623 = tpu.memref_slice %arg6[%dma_wait3A_612, %dma_wait3A_621, %dma_wait3A_622] : memref<6x512x32xf32, #tpu.memory_space<vmem>> -> memref<1x512x32xf32, #tpu.memory_space<vmem>>
    %dma_wait3A_624 = tpu.memref_squeeze %dma_wait3A_623 : memref<1x512x32xf32, #tpu.memory_space<vmem>> -> memref<512x32xf32, #tpu.memory_space<vmem>>
    tpu.wait_dma2 semaphore(%arg15 : memref<!tpu.dma_semaphore, #tpu.memory_space<semaphore_mem>>) src(%dma_wait3A_624 : memref<512x32xf32, #tpu.memory_space<vmem>>) dst(%dma_wait3A_620 : memref<512x32xf32, #tpu.memory_space<hbm>>)
    %dma_start3A_625 = arith.constant 2 : i32
    %dma_start3A_626 = arith.constant 0 : i32
    %dma_start3A_627 = arith.constant 0 : i32
    %dma_start3A_628 = tpu.memref_slice %arg6[%dma_start3A_625, %dma_start3A_626, %dma_start3A_627] : memref<6x512x32xf32, #tpu.memory_space<vmem>> -> memref<1x512x32xf32, #tpu.memory_space<vmem>>
    %dma_start3A_629 = tpu.memref_squeeze %dma_start3A_628 : memref<1x512x32xf32, #tpu.memory_space<vmem>> -> memref<512x32xf32, #tpu.memory_space<vmem>>
    %dma_start3A_630 = arith.constant 7168 : i32
    %dma_start3A_631 = tpu.memref_slice %arg5[%dma_start3A_630] : memref<13312xi32, #tpu.memory_space<vmem>> -> memref<512xi32, #tpu.memory_space<vmem>>
    %dma_start3A_632 = arith.constant 0 : i32
    %dma_start3A_633 = arith.constant 0 : i32
    %dma_start3A_634 = tpu.memref_slice %arg3[%dma_start3A_632, %dma_start3A_633] : memref<1048576x32xf32, #tpu.memory_space<hbm>> -> memref<1048576x32xf32, #tpu.memory_space<hbm>>
    tpu.enqueue_indirect_dma source(%dma_start3A_634 : memref<1048576x32xf32, #tpu.memory_space<hbm>>) target(%dma_start3A_629 : memref<512x32xf32, #tpu.memory_space<vmem>>) offsets(%dma_start3A_631 : memref<512xi32, #tpu.memory_space<vmem>>) semaphore(%arg9 : memref<!tpu.dma_semaphore, #tpu.memory_space<semaphore_mem>>)
    %dma_wait3A_635 = arith.constant 3 : i32
    %dma_wait3A_636 = arith.constant 0 : i32
    %dma_wait3A_637 = arith.constant 0 : i32
    %dma_wait3A_638 = tpu.memref_slice %arg6[%dma_wait3A_635, %dma_wait3A_636, %dma_wait3A_637] : memref<6x512x32xf32, #tpu.memory_space<vmem>> -> memref<1x512x32xf32, #tpu.memory_space<vmem>>
    %dma_wait3A_639 = tpu.memref_squeeze %dma_wait3A_638 : memref<1x512x32xf32, #tpu.memory_space<vmem>> -> memref<512x32xf32, #tpu.memory_space<vmem>>
    %dma_wait3A_640 = arith.constant 4608 : i32
    %dma_wait3A_641 = tpu.memref_slice %arg5[%dma_wait3A_640] : memref<13312xi32, #tpu.memory_space<vmem>> -> memref<512xi32, #tpu.memory_space<vmem>>
    %dma_wait3A_642 = arith.constant 0 : i32
    %dma_wait3A_643 = arith.constant 0 : i32
    %dma_wait3A_644 = tpu.memref_slice %arg3[%dma_wait3A_642, %dma_wait3A_643] : memref<1048576x32xf32, #tpu.memory_space<hbm>> -> memref<1048576x32xf32, #tpu.memory_space<hbm>>
    tpu.wait_indirect_dma semaphore(%arg10 : memref<!tpu.dma_semaphore, #tpu.memory_space<semaphore_mem>>) src(%dma_wait3A_644 : memref<1048576x32xf32, #tpu.memory_space<hbm>>) dst(%dma_wait3A_639 : memref<512x32xf32, #tpu.memory_space<vmem>>)
    %mul3A_645 = arith.constant 26 : i32
    %mul3A_646 = arith.muli %add3A, %mul3A_645 : i32
    %add3A_647 = arith.constant 9 : i32
    %add3A_648 = arith.addi %mul3A_646, %add3A_647 : i32
    %shift_right_arithmetic3A_649 = arith.constant 5 : i32
    %shift_right_arithmetic3A_650 = arith.shrsi %add3A_648, %shift_right_arithmetic3A_649 : i32
    %shift_right_arithmetic3A_651 = arith.constant 3 : i32
    %shift_right_arithmetic3A_652 = arith.shrsi %add3A_648, %shift_right_arithmetic3A_651 : i32
    %and3A_653 = arith.constant 3 : i32
    %and3A_654 = arith.andi %shift_right_arithmetic3A_652, %and3A_653 : i32
    %and3A_655 = arith.constant 7 : i32
    %and3A_656 = arith.andi %add3A_648, %and3A_655 : i32
    %mul3A_657 = arith.constant 512 : i32
    %mul3A_658 = arith.muli %and3A_656, %mul3A_657 : i32
    %multiple_of3A_659 = tpu.assume_multiple %mul3A_658, 8 : i32
    %mul3A_660 = arith.constant 32 : i32
    %mul3A_661 = arith.muli %and3A_654, %mul3A_660 : i32
    %multiple_of3A_662 = tpu.assume_multiple %mul3A_661, 8 : i32
    %dma_start3A_663 = arith.constant 3 : i32
    %dma_start3A_664 = arith.constant 0 : i32
    %dma_start3A_665 = arith.constant 0 : i32
    %dma_start3A_666 = tpu.memref_slice %arg6[%dma_start3A_663, %dma_start3A_664, %dma_start3A_665] : memref<6x512x32xf32, #tpu.memory_space<vmem>> -> memref<1x512x32xf32, #tpu.memory_space<vmem>>
    %dma_start3A_667 = tpu.memref_squeeze %dma_start3A_666 : memref<1x512x32xf32, #tpu.memory_space<vmem>> -> memref<512x32xf32, #tpu.memory_space<vmem>>
    %dma_start3A_668 = tpu.memref_slice %arg4[%shift_right_arithmetic3A_650, %multiple_of3A_659, %multiple_of3A_662] : memref<26x4096x128xf32, #tpu.memory_space<hbm>> -> memref<1x512x32xf32, #tpu.memory_space<hbm>>
    %dma_start3A_669 = tpu.memref_squeeze %dma_start3A_668 : memref<1x512x32xf32, #tpu.memory_space<hbm>> -> memref<512x32xf32, #tpu.memory_space<hbm>>
    %dma_start3A_670 = tpu.memref_slice %arg4[%shift_right_arithmetic3A_650, %multiple_of3A_659, %multiple_of3A_662] : memref<26x4096x128xf32, #tpu.memory_space<hbm>> -> memref<1x512x32xf32, #tpu.memory_space<hbm>>
    %dma_start3A_671 = tpu.memref_squeeze %dma_start3A_670 : memref<1x512x32xf32, #tpu.memory_space<hbm>> -> memref<512x32xf32, #tpu.memory_space<hbm>>
    %dma_start3A_672 = arith.constant 0 : i32
    %dma_start3A_673 = arith.constant 0 : i32
    %dma_start3A_674 = tpu.memref_slice %arg6[%dma_start3A_663, %dma_start3A_672, %dma_start3A_673] : memref<6x512x32xf32, #tpu.memory_space<vmem>> -> memref<1x512x32xf32, #tpu.memory_space<vmem>>
    %dma_start3A_675 = tpu.memref_squeeze %dma_start3A_674 : memref<1x512x32xf32, #tpu.memory_space<vmem>> -> memref<512x32xf32, #tpu.memory_space<vmem>>
    tpu.enqueue_dma source(%dma_start3A_675 : memref<512x32xf32, #tpu.memory_space<vmem>>) target(%dma_start3A_671 : memref<512x32xf32, #tpu.memory_space<hbm>>) target_semaphore(%arg16 : memref<!tpu.dma_semaphore, #tpu.memory_space<semaphore_mem>>)
    %dma_wait3A_676 = arith.constant 3 : i32
    %dma_wait3A_677 = arith.constant 0 : i32
    %dma_wait3A_678 = arith.constant 0 : i32
    %dma_wait3A_679 = tpu.memref_slice %arg6[%dma_wait3A_676, %dma_wait3A_677, %dma_wait3A_678] : memref<6x512x32xf32, #tpu.memory_space<vmem>> -> memref<1x512x32xf32, #tpu.memory_space<vmem>>
    %dma_wait3A_680 = tpu.memref_squeeze %dma_wait3A_679 : memref<1x512x32xf32, #tpu.memory_space<vmem>> -> memref<512x32xf32, #tpu.memory_space<vmem>>
    %dma_wait3A_681 = tpu.memref_slice %arg4[%shift_right_arithmetic3A_650, %multiple_of3A_659, %multiple_of3A_662] : memref<26x4096x128xf32, #tpu.memory_space<hbm>> -> memref<1x512x32xf32, #tpu.memory_space<hbm>>
    %dma_wait3A_682 = tpu.memref_squeeze %dma_wait3A_681 : memref<1x512x32xf32, #tpu.memory_space<hbm>> -> memref<512x32xf32, #tpu.memory_space<hbm>>
    %dma_wait3A_683 = tpu.memref_slice %arg4[%shift_right_arithmetic3A_650, %multiple_of3A_659, %multiple_of3A_662] : memref<26x4096x128xf32, #tpu.memory_space<hbm>> -> memref<1x512x32xf32, #tpu.memory_space<hbm>>
    %dma_wait3A_684 = tpu.memref_squeeze %dma_wait3A_683 : memref<1x512x32xf32, #tpu.memory_space<hbm>> -> memref<512x32xf32, #tpu.memory_space<hbm>>
    %dma_wait3A_685 = arith.constant 0 : i32
    %dma_wait3A_686 = arith.constant 0 : i32
    %dma_wait3A_687 = tpu.memref_slice %arg6[%dma_wait3A_676, %dma_wait3A_685, %dma_wait3A_686] : memref<6x512x32xf32, #tpu.memory_space<vmem>> -> memref<1x512x32xf32, #tpu.memory_space<vmem>>
    %dma_wait3A_688 = tpu.memref_squeeze %dma_wait3A_687 : memref<1x512x32xf32, #tpu.memory_space<vmem>> -> memref<512x32xf32, #tpu.memory_space<vmem>>
    tpu.wait_dma2 semaphore(%arg16 : memref<!tpu.dma_semaphore, #tpu.memory_space<semaphore_mem>>) src(%dma_wait3A_688 : memref<512x32xf32, #tpu.memory_space<vmem>>) dst(%dma_wait3A_684 : memref<512x32xf32, #tpu.memory_space<hbm>>)
    %dma_start3A_689 = arith.constant 3 : i32
    %dma_start3A_690 = arith.constant 0 : i32
    %dma_start3A_691 = arith.constant 0 : i32
    %dma_start3A_692 = tpu.memref_slice %arg6[%dma_start3A_689, %dma_start3A_690, %dma_start3A_691] : memref<6x512x32xf32, #tpu.memory_space<vmem>> -> memref<1x512x32xf32, #tpu.memory_space<vmem>>
    %dma_start3A_693 = tpu.memref_squeeze %dma_start3A_692 : memref<1x512x32xf32, #tpu.memory_space<vmem>> -> memref<512x32xf32, #tpu.memory_space<vmem>>
    %dma_start3A_694 = arith.constant 7680 : i32
    %dma_start3A_695 = tpu.memref_slice %arg5[%dma_start3A_694] : memref<13312xi32, #tpu.memory_space<vmem>> -> memref<512xi32, #tpu.memory_space<vmem>>
    %dma_start3A_696 = arith.constant 0 : i32
    %dma_start3A_697 = arith.constant 0 : i32
    %dma_start3A_698 = tpu.memref_slice %arg3[%dma_start3A_696, %dma_start3A_697] : memref<1048576x32xf32, #tpu.memory_space<hbm>> -> memref<1048576x32xf32, #tpu.memory_space<hbm>>
    tpu.enqueue_indirect_dma source(%dma_start3A_698 : memref<1048576x32xf32, #tpu.memory_space<hbm>>) target(%dma_start3A_693 : memref<512x32xf32, #tpu.memory_space<vmem>>) offsets(%dma_start3A_695 : memref<512xi32, #tpu.memory_space<vmem>>) semaphore(%arg10 : memref<!tpu.dma_semaphore, #tpu.memory_space<semaphore_mem>>)
    %dma_wait3A_699 = arith.constant 4 : i32
    %dma_wait3A_700 = arith.constant 0 : i32
    %dma_wait3A_701 = arith.constant 0 : i32
    %dma_wait3A_702 = tpu.memref_slice %arg6[%dma_wait3A_699, %dma_wait3A_700, %dma_wait3A_701] : memref<6x512x32xf32, #tpu.memory_space<vmem>> -> memref<1x512x32xf32, #tpu.memory_space<vmem>>
    %dma_wait3A_703 = tpu.memref_squeeze %dma_wait3A_702 : memref<1x512x32xf32, #tpu.memory_space<vmem>> -> memref<512x32xf32, #tpu.memory_space<vmem>>
    %dma_wait3A_704 = arith.constant 5120 : i32
    %dma_wait3A_705 = tpu.memref_slice %arg5[%dma_wait3A_704] : memref<13312xi32, #tpu.memory_space<vmem>> -> memref<512xi32, #tpu.memory_space<vmem>>
    %dma_wait3A_706 = arith.constant 0 : i32
    %dma_wait3A_707 = arith.constant 0 : i32
    %dma_wait3A_708 = tpu.memref_slice %arg3[%dma_wait3A_706, %dma_wait3A_707] : memref<1048576x32xf32, #tpu.memory_space<hbm>> -> memref<1048576x32xf32, #tpu.memory_space<hbm>>
    tpu.wait_indirect_dma semaphore(%arg11 : memref<!tpu.dma_semaphore, #tpu.memory_space<semaphore_mem>>) src(%dma_wait3A_708 : memref<1048576x32xf32, #tpu.memory_space<hbm>>) dst(%dma_wait3A_703 : memref<512x32xf32, #tpu.memory_space<vmem>>)
    %mul3A_709 = arith.constant 26 : i32
    %mul3A_710 = arith.muli %add3A, %mul3A_709 : i32
    %add3A_711 = arith.constant 10 : i32
    %add3A_712 = arith.addi %mul3A_710, %add3A_711 : i32
    %shift_right_arithmetic3A_713 = arith.constant 5 : i32
    %shift_right_arithmetic3A_714 = arith.shrsi %add3A_712, %shift_right_arithmetic3A_713 : i32
    %shift_right_arithmetic3A_715 = arith.constant 3 : i32
    %shift_right_arithmetic3A_716 = arith.shrsi %add3A_712, %shift_right_arithmetic3A_715 : i32
    %and3A_717 = arith.constant 3 : i32
    %and3A_718 = arith.andi %shift_right_arithmetic3A_716, %and3A_717 : i32
    %and3A_719 = arith.constant 7 : i32
    %and3A_720 = arith.andi %add3A_712, %and3A_719 : i32
    %mul3A_721 = arith.constant 512 : i32
    %mul3A_722 = arith.muli %and3A_720, %mul3A_721 : i32
    %multiple_of3A_723 = tpu.assume_multiple %mul3A_722, 8 : i32
    %mul3A_724 = arith.constant 32 : i32
    %mul3A_725 = arith.muli %and3A_718, %mul3A_724 : i32
    %multiple_of3A_726 = tpu.assume_multiple %mul3A_725, 8 : i32
    %dma_start3A_727 = arith.constant 4 : i32
    %dma_start3A_728 = arith.constant 0 : i32
    %dma_start3A_729 = arith.constant 0 : i32
    %dma_start3A_730 = tpu.memref_slice %arg6[%dma_start3A_727, %dma_start3A_728, %dma_start3A_729] : memref<6x512x32xf32, #tpu.memory_space<vmem>> -> memref<1x512x32xf32, #tpu.memory_space<vmem>>
    %dma_start3A_731 = tpu.memref_squeeze %dma_start3A_730 : memref<1x512x32xf32, #tpu.memory_space<vmem>> -> memref<512x32xf32, #tpu.memory_space<vmem>>
    %dma_start3A_732 = tpu.memref_slice %arg4[%shift_right_arithmetic3A_714, %multiple_of3A_723, %multiple_of3A_726] : memref<26x4096x128xf32, #tpu.memory_space<hbm>> -> memref<1x512x32xf32, #tpu.memory_space<hbm>>
    %dma_start3A_733 = tpu.memref_squeeze %dma_start3A_732 : memref<1x512x32xf32, #tpu.memory_space<hbm>> -> memref<512x32xf32, #tpu.memory_space<hbm>>
    %dma_start3A_734 = tpu.memref_slice %arg4[%shift_right_arithmetic3A_714, %multiple_of3A_723, %multiple_of3A_726] : memref<26x4096x128xf32, #tpu.memory_space<hbm>> -> memref<1x512x32xf32, #tpu.memory_space<hbm>>
    %dma_start3A_735 = tpu.memref_squeeze %dma_start3A_734 : memref<1x512x32xf32, #tpu.memory_space<hbm>> -> memref<512x32xf32, #tpu.memory_space<hbm>>
    %dma_start3A_736 = arith.constant 0 : i32
    %dma_start3A_737 = arith.constant 0 : i32
    %dma_start3A_738 = tpu.memref_slice %arg6[%dma_start3A_727, %dma_start3A_736, %dma_start3A_737] : memref<6x512x32xf32, #tpu.memory_space<vmem>> -> memref<1x512x32xf32, #tpu.memory_space<vmem>>
    %dma_start3A_739 = tpu.memref_squeeze %dma_start3A_738 : memref<1x512x32xf32, #tpu.memory_space<vmem>> -> memref<512x32xf32, #tpu.memory_space<vmem>>
    tpu.enqueue_dma source(%dma_start3A_739 : memref<512x32xf32, #tpu.memory_space<vmem>>) target(%dma_start3A_735 : memref<512x32xf32, #tpu.memory_space<hbm>>) target_semaphore(%arg17 : memref<!tpu.dma_semaphore, #tpu.memory_space<semaphore_mem>>)
    %dma_wait3A_740 = arith.constant 4 : i32
    %dma_wait3A_741 = arith.constant 0 : i32
    %dma_wait3A_742 = arith.constant 0 : i32
    %dma_wait3A_743 = tpu.memref_slice %arg6[%dma_wait3A_740, %dma_wait3A_741, %dma_wait3A_742] : memref<6x512x32xf32, #tpu.memory_space<vmem>> -> memref<1x512x32xf32, #tpu.memory_space<vmem>>
    %dma_wait3A_744 = tpu.memref_squeeze %dma_wait3A_743 : memref<1x512x32xf32, #tpu.memory_space<vmem>> -> memref<512x32xf32, #tpu.memory_space<vmem>>
    %dma_wait3A_745 = tpu.memref_slice %arg4[%shift_right_arithmetic3A_714, %multiple_of3A_723, %multiple_of3A_726] : memref<26x4096x128xf32, #tpu.memory_space<hbm>> -> memref<1x512x32xf32, #tpu.memory_space<hbm>>
    %dma_wait3A_746 = tpu.memref_squeeze %dma_wait3A_745 : memref<1x512x32xf32, #tpu.memory_space<hbm>> -> memref<512x32xf32, #tpu.memory_space<hbm>>
    %dma_wait3A_747 = tpu.memref_slice %arg4[%shift_right_arithmetic3A_714, %multiple_of3A_723, %multiple_of3A_726] : memref<26x4096x128xf32, #tpu.memory_space<hbm>> -> memref<1x512x32xf32, #tpu.memory_space<hbm>>
    %dma_wait3A_748 = tpu.memref_squeeze %dma_wait3A_747 : memref<1x512x32xf32, #tpu.memory_space<hbm>> -> memref<512x32xf32, #tpu.memory_space<hbm>>
    %dma_wait3A_749 = arith.constant 0 : i32
    %dma_wait3A_750 = arith.constant 0 : i32
    %dma_wait3A_751 = tpu.memref_slice %arg6[%dma_wait3A_740, %dma_wait3A_749, %dma_wait3A_750] : memref<6x512x32xf32, #tpu.memory_space<vmem>> -> memref<1x512x32xf32, #tpu.memory_space<vmem>>
    %dma_wait3A_752 = tpu.memref_squeeze %dma_wait3A_751 : memref<1x512x32xf32, #tpu.memory_space<vmem>> -> memref<512x32xf32, #tpu.memory_space<vmem>>
    tpu.wait_dma2 semaphore(%arg17 : memref<!tpu.dma_semaphore, #tpu.memory_space<semaphore_mem>>) src(%dma_wait3A_752 : memref<512x32xf32, #tpu.memory_space<vmem>>) dst(%dma_wait3A_748 : memref<512x32xf32, #tpu.memory_space<hbm>>)
    %dma_start3A_753 = arith.constant 4 : i32
    %dma_start3A_754 = arith.constant 0 : i32
    %dma_start3A_755 = arith.constant 0 : i32
    %dma_start3A_756 = tpu.memref_slice %arg6[%dma_start3A_753, %dma_start3A_754, %dma_start3A_755] : memref<6x512x32xf32, #tpu.memory_space<vmem>> -> memref<1x512x32xf32, #tpu.memory_space<vmem>>
    %dma_start3A_757 = tpu.memref_squeeze %dma_start3A_756 : memref<1x512x32xf32, #tpu.memory_space<vmem>> -> memref<512x32xf32, #tpu.memory_space<vmem>>
    %dma_start3A_758 = arith.constant 8192 : i32
    %dma_start3A_759 = tpu.memref_slice %arg5[%dma_start3A_758] : memref<13312xi32, #tpu.memory_space<vmem>> -> memref<512xi32, #tpu.memory_space<vmem>>
    %dma_start3A_760 = arith.constant 0 : i32
    %dma_start3A_761 = arith.constant 0 : i32
    %dma_start3A_762 = tpu.memref_slice %arg3[%dma_start3A_760, %dma_start3A_761] : memref<1048576x32xf32, #tpu.memory_space<hbm>> -> memref<1048576x32xf32, #tpu.memory_space<hbm>>
    tpu.enqueue_indirect_dma source(%dma_start3A_762 : memref<1048576x32xf32, #tpu.memory_space<hbm>>) target(%dma_start3A_757 : memref<512x32xf32, #tpu.memory_space<vmem>>) offsets(%dma_start3A_759 : memref<512xi32, #tpu.memory_space<vmem>>) semaphore(%arg11 : memref<!tpu.dma_semaphore, #tpu.memory_space<semaphore_mem>>)
    %dma_wait3A_763 = arith.constant 5 : i32
    %dma_wait3A_764 = arith.constant 0 : i32
    %dma_wait3A_765 = arith.constant 0 : i32
    %dma_wait3A_766 = tpu.memref_slice %arg6[%dma_wait3A_763, %dma_wait3A_764, %dma_wait3A_765] : memref<6x512x32xf32, #tpu.memory_space<vmem>> -> memref<1x512x32xf32, #tpu.memory_space<vmem>>
    %dma_wait3A_767 = tpu.memref_squeeze %dma_wait3A_766 : memref<1x512x32xf32, #tpu.memory_space<vmem>> -> memref<512x32xf32, #tpu.memory_space<vmem>>
    %dma_wait3A_768 = arith.constant 5632 : i32
    %dma_wait3A_769 = tpu.memref_slice %arg5[%dma_wait3A_768] : memref<13312xi32, #tpu.memory_space<vmem>> -> memref<512xi32, #tpu.memory_space<vmem>>
    %dma_wait3A_770 = arith.constant 0 : i32
    %dma_wait3A_771 = arith.constant 0 : i32
    %dma_wait3A_772 = tpu.memref_slice %arg3[%dma_wait3A_770, %dma_wait3A_771] : memref<1048576x32xf32, #tpu.memory_space<hbm>> -> memref<1048576x32xf32, #tpu.memory_space<hbm>>
    tpu.wait_indirect_dma semaphore(%arg12 : memref<!tpu.dma_semaphore, #tpu.memory_space<semaphore_mem>>) src(%dma_wait3A_772 : memref<1048576x32xf32, #tpu.memory_space<hbm>>) dst(%dma_wait3A_767 : memref<512x32xf32, #tpu.memory_space<vmem>>)
    %mul3A_773 = arith.constant 26 : i32
    %mul3A_774 = arith.muli %add3A, %mul3A_773 : i32
    %add3A_775 = arith.constant 11 : i32
    %add3A_776 = arith.addi %mul3A_774, %add3A_775 : i32
    %shift_right_arithmetic3A_777 = arith.constant 5 : i32
    %shift_right_arithmetic3A_778 = arith.shrsi %add3A_776, %shift_right_arithmetic3A_777 : i32
    %shift_right_arithmetic3A_779 = arith.constant 3 : i32
    %shift_right_arithmetic3A_780 = arith.shrsi %add3A_776, %shift_right_arithmetic3A_779 : i32
    %and3A_781 = arith.constant 3 : i32
    %and3A_782 = arith.andi %shift_right_arithmetic3A_780, %and3A_781 : i32
    %and3A_783 = arith.constant 7 : i32
    %and3A_784 = arith.andi %add3A_776, %and3A_783 : i32
    %mul3A_785 = arith.constant 512 : i32
    %mul3A_786 = arith.muli %and3A_784, %mul3A_785 : i32
    %multiple_of3A_787 = tpu.assume_multiple %mul3A_786, 8 : i32
    %mul3A_788 = arith.constant 32 : i32
    %mul3A_789 = arith.muli %and3A_782, %mul3A_788 : i32
    %multiple_of3A_790 = tpu.assume_multiple %mul3A_789, 8 : i32
    %dma_start3A_791 = arith.constant 5 : i32
    %dma_start3A_792 = arith.constant 0 : i32
    %dma_start3A_793 = arith.constant 0 : i32
    %dma_start3A_794 = tpu.memref_slice %arg6[%dma_start3A_791, %dma_start3A_792, %dma_start3A_793] : memref<6x512x32xf32, #tpu.memory_space<vmem>> -> memref<1x512x32xf32, #tpu.memory_space<vmem>>
    %dma_start3A_795 = tpu.memref_squeeze %dma_start3A_794 : memref<1x512x32xf32, #tpu.memory_space<vmem>> -> memref<512x32xf32, #tpu.memory_space<vmem>>
    %dma_start3A_796 = tpu.memref_slice %arg4[%shift_right_arithmetic3A_778, %multiple_of3A_787, %multiple_of3A_790] : memref<26x4096x128xf32, #tpu.memory_space<hbm>> -> memref<1x512x32xf32, #tpu.memory_space<hbm>>
    %dma_start3A_797 = tpu.memref_squeeze %dma_start3A_796 : memref<1x512x32xf32, #tpu.memory_space<hbm>> -> memref<512x32xf32, #tpu.memory_space<hbm>>
    %dma_start3A_798 = tpu.memref_slice %arg4[%shift_right_arithmetic3A_778, %multiple_of3A_787, %multiple_of3A_790] : memref<26x4096x128xf32, #tpu.memory_space<hbm>> -> memref<1x512x32xf32, #tpu.memory_space<hbm>>
    %dma_start3A_799 = tpu.memref_squeeze %dma_start3A_798 : memref<1x512x32xf32, #tpu.memory_space<hbm>> -> memref<512x32xf32, #tpu.memory_space<hbm>>
    %dma_start3A_800 = arith.constant 0 : i32
    %dma_start3A_801 = arith.constant 0 : i32
    %dma_start3A_802 = tpu.memref_slice %arg6[%dma_start3A_791, %dma_start3A_800, %dma_start3A_801] : memref<6x512x32xf32, #tpu.memory_space<vmem>> -> memref<1x512x32xf32, #tpu.memory_space<vmem>>
    %dma_start3A_803 = tpu.memref_squeeze %dma_start3A_802 : memref<1x512x32xf32, #tpu.memory_space<vmem>> -> memref<512x32xf32, #tpu.memory_space<vmem>>
    tpu.enqueue_dma source(%dma_start3A_803 : memref<512x32xf32, #tpu.memory_space<vmem>>) target(%dma_start3A_799 : memref<512x32xf32, #tpu.memory_space<hbm>>) target_semaphore(%arg18 : memref<!tpu.dma_semaphore, #tpu.memory_space<semaphore_mem>>)
    %dma_wait3A_804 = arith.constant 5 : i32
    %dma_wait3A_805 = arith.constant 0 : i32
    %dma_wait3A_806 = arith.constant 0 : i32
    %dma_wait3A_807 = tpu.memref_slice %arg6[%dma_wait3A_804, %dma_wait3A_805, %dma_wait3A_806] : memref<6x512x32xf32, #tpu.memory_space<vmem>> -> memref<1x512x32xf32, #tpu.memory_space<vmem>>
    %dma_wait3A_808 = tpu.memref_squeeze %dma_wait3A_807 : memref<1x512x32xf32, #tpu.memory_space<vmem>> -> memref<512x32xf32, #tpu.memory_space<vmem>>
    %dma_wait3A_809 = tpu.memref_slice %arg4[%shift_right_arithmetic3A_778, %multiple_of3A_787, %multiple_of3A_790] : memref<26x4096x128xf32, #tpu.memory_space<hbm>> -> memref<1x512x32xf32, #tpu.memory_space<hbm>>
    %dma_wait3A_810 = tpu.memref_squeeze %dma_wait3A_809 : memref<1x512x32xf32, #tpu.memory_space<hbm>> -> memref<512x32xf32, #tpu.memory_space<hbm>>
    %dma_wait3A_811 = tpu.memref_slice %arg4[%shift_right_arithmetic3A_778, %multiple_of3A_787, %multiple_of3A_790] : memref<26x4096x128xf32, #tpu.memory_space<hbm>> -> memref<1x512x32xf32, #tpu.memory_space<hbm>>
    %dma_wait3A_812 = tpu.memref_squeeze %dma_wait3A_811 : memref<1x512x32xf32, #tpu.memory_space<hbm>> -> memref<512x32xf32, #tpu.memory_space<hbm>>
    %dma_wait3A_813 = arith.constant 0 : i32
    %dma_wait3A_814 = arith.constant 0 : i32
    %dma_wait3A_815 = tpu.memref_slice %arg6[%dma_wait3A_804, %dma_wait3A_813, %dma_wait3A_814] : memref<6x512x32xf32, #tpu.memory_space<vmem>> -> memref<1x512x32xf32, #tpu.memory_space<vmem>>
    %dma_wait3A_816 = tpu.memref_squeeze %dma_wait3A_815 : memref<1x512x32xf32, #tpu.memory_space<vmem>> -> memref<512x32xf32, #tpu.memory_space<vmem>>
    tpu.wait_dma2 semaphore(%arg18 : memref<!tpu.dma_semaphore, #tpu.memory_space<semaphore_mem>>) src(%dma_wait3A_816 : memref<512x32xf32, #tpu.memory_space<vmem>>) dst(%dma_wait3A_812 : memref<512x32xf32, #tpu.memory_space<hbm>>)
    %dma_start3A_817 = arith.constant 5 : i32
    %dma_start3A_818 = arith.constant 0 : i32
    %dma_start3A_819 = arith.constant 0 : i32
    %dma_start3A_820 = tpu.memref_slice %arg6[%dma_start3A_817, %dma_start3A_818, %dma_start3A_819] : memref<6x512x32xf32, #tpu.memory_space<vmem>> -> memref<1x512x32xf32, #tpu.memory_space<vmem>>
    %dma_start3A_821 = tpu.memref_squeeze %dma_start3A_820 : memref<1x512x32xf32, #tpu.memory_space<vmem>> -> memref<512x32xf32, #tpu.memory_space<vmem>>
    %dma_start3A_822 = arith.constant 8704 : i32
    %dma_start3A_823 = tpu.memref_slice %arg5[%dma_start3A_822] : memref<13312xi32, #tpu.memory_space<vmem>> -> memref<512xi32, #tpu.memory_space<vmem>>
    %dma_start3A_824 = arith.constant 0 : i32
    %dma_start3A_825 = arith.constant 0 : i32
    %dma_start3A_826 = tpu.memref_slice %arg3[%dma_start3A_824, %dma_start3A_825] : memref<1048576x32xf32, #tpu.memory_space<hbm>> -> memref<1048576x32xf32, #tpu.memory_space<hbm>>
    tpu.enqueue_indirect_dma source(%dma_start3A_826 : memref<1048576x32xf32, #tpu.memory_space<hbm>>) target(%dma_start3A_821 : memref<512x32xf32, #tpu.memory_space<vmem>>) offsets(%dma_start3A_823 : memref<512xi32, #tpu.memory_space<vmem>>) semaphore(%arg12 : memref<!tpu.dma_semaphore, #tpu.memory_space<semaphore_mem>>)
    %dma_wait3A_827 = arith.constant 0 : i32
    %dma_wait3A_828 = arith.constant 0 : i32
    %dma_wait3A_829 = arith.constant 0 : i32
    %dma_wait3A_830 = tpu.memref_slice %arg6[%dma_wait3A_827, %dma_wait3A_828, %dma_wait3A_829] : memref<6x512x32xf32, #tpu.memory_space<vmem>> -> memref<1x512x32xf32, #tpu.memory_space<vmem>>
    %dma_wait3A_831 = tpu.memref_squeeze %dma_wait3A_830 : memref<1x512x32xf32, #tpu.memory_space<vmem>> -> memref<512x32xf32, #tpu.memory_space<vmem>>
    %dma_wait3A_832 = arith.constant 6144 : i32
    %dma_wait3A_833 = tpu.memref_slice %arg5[%dma_wait3A_832] : memref<13312xi32, #tpu.memory_space<vmem>> -> memref<512xi32, #tpu.memory_space<vmem>>
    %dma_wait3A_834 = arith.constant 0 : i32
    %dma_wait3A_835 = arith.constant 0 : i32
    %dma_wait3A_836 = tpu.memref_slice %arg3[%dma_wait3A_834, %dma_wait3A_835] : memref<1048576x32xf32, #tpu.memory_space<hbm>> -> memref<1048576x32xf32, #tpu.memory_space<hbm>>
    tpu.wait_indirect_dma semaphore(%arg7 : memref<!tpu.dma_semaphore, #tpu.memory_space<semaphore_mem>>) src(%dma_wait3A_836 : memref<1048576x32xf32, #tpu.memory_space<hbm>>) dst(%dma_wait3A_831 : memref<512x32xf32, #tpu.memory_space<vmem>>)
    %mul3A_837 = arith.constant 26 : i32
    %mul3A_838 = arith.muli %add3A, %mul3A_837 : i32
    %add3A_839 = arith.constant 12 : i32
    %add3A_840 = arith.addi %mul3A_838, %add3A_839 : i32
    %shift_right_arithmetic3A_841 = arith.constant 5 : i32
    %shift_right_arithmetic3A_842 = arith.shrsi %add3A_840, %shift_right_arithmetic3A_841 : i32
    %shift_right_arithmetic3A_843 = arith.constant 3 : i32
    %shift_right_arithmetic3A_844 = arith.shrsi %add3A_840, %shift_right_arithmetic3A_843 : i32
    %and3A_845 = arith.constant 3 : i32
    %and3A_846 = arith.andi %shift_right_arithmetic3A_844, %and3A_845 : i32
    %and3A_847 = arith.constant 7 : i32
    %and3A_848 = arith.andi %add3A_840, %and3A_847 : i32
    %mul3A_849 = arith.constant 512 : i32
    %mul3A_850 = arith.muli %and3A_848, %mul3A_849 : i32
    %multiple_of3A_851 = tpu.assume_multiple %mul3A_850, 8 : i32
    %mul3A_852 = arith.constant 32 : i32
    %mul3A_853 = arith.muli %and3A_846, %mul3A_852 : i32
    %multiple_of3A_854 = tpu.assume_multiple %mul3A_853, 8 : i32
    %dma_start3A_855 = arith.constant 0 : i32
    %dma_start3A_856 = arith.constant 0 : i32
    %dma_start3A_857 = arith.constant 0 : i32
    %dma_start3A_858 = tpu.memref_slice %arg6[%dma_start3A_855, %dma_start3A_856, %dma_start3A_857] : memref<6x512x32xf32, #tpu.memory_space<vmem>> -> memref<1x512x32xf32, #tpu.memory_space<vmem>>
    %dma_start3A_859 = tpu.memref_squeeze %dma_start3A_858 : memref<1x512x32xf32, #tpu.memory_space<vmem>> -> memref<512x32xf32, #tpu.memory_space<vmem>>
    %dma_start3A_860 = tpu.memref_slice %arg4[%shift_right_arithmetic3A_842, %multiple_of3A_851, %multiple_of3A_854] : memref<26x4096x128xf32, #tpu.memory_space<hbm>> -> memref<1x512x32xf32, #tpu.memory_space<hbm>>
    %dma_start3A_861 = tpu.memref_squeeze %dma_start3A_860 : memref<1x512x32xf32, #tpu.memory_space<hbm>> -> memref<512x32xf32, #tpu.memory_space<hbm>>
    %dma_start3A_862 = tpu.memref_slice %arg4[%shift_right_arithmetic3A_842, %multiple_of3A_851, %multiple_of3A_854] : memref<26x4096x128xf32, #tpu.memory_space<hbm>> -> memref<1x512x32xf32, #tpu.memory_space<hbm>>
    %dma_start3A_863 = tpu.memref_squeeze %dma_start3A_862 : memref<1x512x32xf32, #tpu.memory_space<hbm>> -> memref<512x32xf32, #tpu.memory_space<hbm>>
    %dma_start3A_864 = arith.constant 0 : i32
    %dma_start3A_865 = arith.constant 0 : i32
    %dma_start3A_866 = tpu.memref_slice %arg6[%dma_start3A_855, %dma_start3A_864, %dma_start3A_865] : memref<6x512x32xf32, #tpu.memory_space<vmem>> -> memref<1x512x32xf32, #tpu.memory_space<vmem>>
    %dma_start3A_867 = tpu.memref_squeeze %dma_start3A_866 : memref<1x512x32xf32, #tpu.memory_space<vmem>> -> memref<512x32xf32, #tpu.memory_space<vmem>>
    tpu.enqueue_dma source(%dma_start3A_867 : memref<512x32xf32, #tpu.memory_space<vmem>>) target(%dma_start3A_863 : memref<512x32xf32, #tpu.memory_space<hbm>>) target_semaphore(%arg13 : memref<!tpu.dma_semaphore, #tpu.memory_space<semaphore_mem>>)
    %dma_wait3A_868 = arith.constant 0 : i32
    %dma_wait3A_869 = arith.constant 0 : i32
    %dma_wait3A_870 = arith.constant 0 : i32
    %dma_wait3A_871 = tpu.memref_slice %arg6[%dma_wait3A_868, %dma_wait3A_869, %dma_wait3A_870] : memref<6x512x32xf32, #tpu.memory_space<vmem>> -> memref<1x512x32xf32, #tpu.memory_space<vmem>>
    %dma_wait3A_872 = tpu.memref_squeeze %dma_wait3A_871 : memref<1x512x32xf32, #tpu.memory_space<vmem>> -> memref<512x32xf32, #tpu.memory_space<vmem>>
    %dma_wait3A_873 = tpu.memref_slice %arg4[%shift_right_arithmetic3A_842, %multiple_of3A_851, %multiple_of3A_854] : memref<26x4096x128xf32, #tpu.memory_space<hbm>> -> memref<1x512x32xf32, #tpu.memory_space<hbm>>
    %dma_wait3A_874 = tpu.memref_squeeze %dma_wait3A_873 : memref<1x512x32xf32, #tpu.memory_space<hbm>> -> memref<512x32xf32, #tpu.memory_space<hbm>>
    %dma_wait3A_875 = tpu.memref_slice %arg4[%shift_right_arithmetic3A_842, %multiple_of3A_851, %multiple_of3A_854] : memref<26x4096x128xf32, #tpu.memory_space<hbm>> -> memref<1x512x32xf32, #tpu.memory_space<hbm>>
    %dma_wait3A_876 = tpu.memref_squeeze %dma_wait3A_875 : memref<1x512x32xf32, #tpu.memory_space<hbm>> -> memref<512x32xf32, #tpu.memory_space<hbm>>
    %dma_wait3A_877 = arith.constant 0 : i32
    %dma_wait3A_878 = arith.constant 0 : i32
    %dma_wait3A_879 = tpu.memref_slice %arg6[%dma_wait3A_868, %dma_wait3A_877, %dma_wait3A_878] : memref<6x512x32xf32, #tpu.memory_space<vmem>> -> memref<1x512x32xf32, #tpu.memory_space<vmem>>
    %dma_wait3A_880 = tpu.memref_squeeze %dma_wait3A_879 : memref<1x512x32xf32, #tpu.memory_space<vmem>> -> memref<512x32xf32, #tpu.memory_space<vmem>>
    tpu.wait_dma2 semaphore(%arg13 : memref<!tpu.dma_semaphore, #tpu.memory_space<semaphore_mem>>) src(%dma_wait3A_880 : memref<512x32xf32, #tpu.memory_space<vmem>>) dst(%dma_wait3A_876 : memref<512x32xf32, #tpu.memory_space<hbm>>)
    %dma_start3A_881 = arith.constant 0 : i32
    %dma_start3A_882 = arith.constant 0 : i32
    %dma_start3A_883 = arith.constant 0 : i32
    %dma_start3A_884 = tpu.memref_slice %arg6[%dma_start3A_881, %dma_start3A_882, %dma_start3A_883] : memref<6x512x32xf32, #tpu.memory_space<vmem>> -> memref<1x512x32xf32, #tpu.memory_space<vmem>>
    %dma_start3A_885 = tpu.memref_squeeze %dma_start3A_884 : memref<1x512x32xf32, #tpu.memory_space<vmem>> -> memref<512x32xf32, #tpu.memory_space<vmem>>
    %dma_start3A_886 = arith.constant 9216 : i32
    %dma_start3A_887 = tpu.memref_slice %arg5[%dma_start3A_886] : memref<13312xi32, #tpu.memory_space<vmem>> -> memref<512xi32, #tpu.memory_space<vmem>>
    %dma_start3A_888 = arith.constant 0 : i32
    %dma_start3A_889 = arith.constant 0 : i32
    %dma_start3A_890 = tpu.memref_slice %arg3[%dma_start3A_888, %dma_start3A_889] : memref<1048576x32xf32, #tpu.memory_space<hbm>> -> memref<1048576x32xf32, #tpu.memory_space<hbm>>
    tpu.enqueue_indirect_dma source(%dma_start3A_890 : memref<1048576x32xf32, #tpu.memory_space<hbm>>) target(%dma_start3A_885 : memref<512x32xf32, #tpu.memory_space<vmem>>) offsets(%dma_start3A_887 : memref<512xi32, #tpu.memory_space<vmem>>) semaphore(%arg7 : memref<!tpu.dma_semaphore, #tpu.memory_space<semaphore_mem>>)
    %dma_wait3A_891 = arith.constant 1 : i32
    %dma_wait3A_892 = arith.constant 0 : i32
    %dma_wait3A_893 = arith.constant 0 : i32
    %dma_wait3A_894 = tpu.memref_slice %arg6[%dma_wait3A_891, %dma_wait3A_892, %dma_wait3A_893] : memref<6x512x32xf32, #tpu.memory_space<vmem>> -> memref<1x512x32xf32, #tpu.memory_space<vmem>>
    %dma_wait3A_895 = tpu.memref_squeeze %dma_wait3A_894 : memref<1x512x32xf32, #tpu.memory_space<vmem>> -> memref<512x32xf32, #tpu.memory_space<vmem>>
    %dma_wait3A_896 = arith.constant 6656 : i32
    %dma_wait3A_897 = tpu.memref_slice %arg5[%dma_wait3A_896] : memref<13312xi32, #tpu.memory_space<vmem>> -> memref<512xi32, #tpu.memory_space<vmem>>
    %dma_wait3A_898 = arith.constant 0 : i32
    %dma_wait3A_899 = arith.constant 0 : i32
    %dma_wait3A_900 = tpu.memref_slice %arg3[%dma_wait3A_898, %dma_wait3A_899] : memref<1048576x32xf32, #tpu.memory_space<hbm>> -> memref<1048576x32xf32, #tpu.memory_space<hbm>>
    tpu.wait_indirect_dma semaphore(%arg8 : memref<!tpu.dma_semaphore, #tpu.memory_space<semaphore_mem>>) src(%dma_wait3A_900 : memref<1048576x32xf32, #tpu.memory_space<hbm>>) dst(%dma_wait3A_895 : memref<512x32xf32, #tpu.memory_space<vmem>>)
    %mul3A_901 = arith.constant 26 : i32
    %mul3A_902 = arith.muli %add3A, %mul3A_901 : i32
    %add3A_903 = arith.constant 13 : i32
    %add3A_904 = arith.addi %mul3A_902, %add3A_903 : i32
    %shift_right_arithmetic3A_905 = arith.constant 5 : i32
    %shift_right_arithmetic3A_906 = arith.shrsi %add3A_904, %shift_right_arithmetic3A_905 : i32
    %shift_right_arithmetic3A_907 = arith.constant 3 : i32
    %shift_right_arithmetic3A_908 = arith.shrsi %add3A_904, %shift_right_arithmetic3A_907 : i32
    %and3A_909 = arith.constant 3 : i32
    %and3A_910 = arith.andi %shift_right_arithmetic3A_908, %and3A_909 : i32
    %and3A_911 = arith.constant 7 : i32
    %and3A_912 = arith.andi %add3A_904, %and3A_911 : i32
    %mul3A_913 = arith.constant 512 : i32
    %mul3A_914 = arith.muli %and3A_912, %mul3A_913 : i32
    %multiple_of3A_915 = tpu.assume_multiple %mul3A_914, 8 : i32
    %mul3A_916 = arith.constant 32 : i32
    %mul3A_917 = arith.muli %and3A_910, %mul3A_916 : i32
    %multiple_of3A_918 = tpu.assume_multiple %mul3A_917, 8 : i32
    %dma_start3A_919 = arith.constant 1 : i32
    %dma_start3A_920 = arith.constant 0 : i32
    %dma_start3A_921 = arith.constant 0 : i32
    %dma_start3A_922 = tpu.memref_slice %arg6[%dma_start3A_919, %dma_start3A_920, %dma_start3A_921] : memref<6x512x32xf32, #tpu.memory_space<vmem>> -> memref<1x512x32xf32, #tpu.memory_space<vmem>>
    %dma_start3A_923 = tpu.memref_squeeze %dma_start3A_922 : memref<1x512x32xf32, #tpu.memory_space<vmem>> -> memref<512x32xf32, #tpu.memory_space<vmem>>
    %dma_start3A_924 = tpu.memref_slice %arg4[%shift_right_arithmetic3A_906, %multiple_of3A_915, %multiple_of3A_918] : memref<26x4096x128xf32, #tpu.memory_space<hbm>> -> memref<1x512x32xf32, #tpu.memory_space<hbm>>
    %dma_start3A_925 = tpu.memref_squeeze %dma_start3A_924 : memref<1x512x32xf32, #tpu.memory_space<hbm>> -> memref<512x32xf32, #tpu.memory_space<hbm>>
    %dma_start3A_926 = tpu.memref_slice %arg4[%shift_right_arithmetic3A_906, %multiple_of3A_915, %multiple_of3A_918] : memref<26x4096x128xf32, #tpu.memory_space<hbm>> -> memref<1x512x32xf32, #tpu.memory_space<hbm>>
    %dma_start3A_927 = tpu.memref_squeeze %dma_start3A_926 : memref<1x512x32xf32, #tpu.memory_space<hbm>> -> memref<512x32xf32, #tpu.memory_space<hbm>>
    %dma_start3A_928 = arith.constant 0 : i32
    %dma_start3A_929 = arith.constant 0 : i32
    %dma_start3A_930 = tpu.memref_slice %arg6[%dma_start3A_919, %dma_start3A_928, %dma_start3A_929] : memref<6x512x32xf32, #tpu.memory_space<vmem>> -> memref<1x512x32xf32, #tpu.memory_space<vmem>>
    %dma_start3A_931 = tpu.memref_squeeze %dma_start3A_930 : memref<1x512x32xf32, #tpu.memory_space<vmem>> -> memref<512x32xf32, #tpu.memory_space<vmem>>
    tpu.enqueue_dma source(%dma_start3A_931 : memref<512x32xf32, #tpu.memory_space<vmem>>) target(%dma_start3A_927 : memref<512x32xf32, #tpu.memory_space<hbm>>) target_semaphore(%arg14 : memref<!tpu.dma_semaphore, #tpu.memory_space<semaphore_mem>>)
    %dma_wait3A_932 = arith.constant 1 : i32
    %dma_wait3A_933 = arith.constant 0 : i32
    %dma_wait3A_934 = arith.constant 0 : i32
    %dma_wait3A_935 = tpu.memref_slice %arg6[%dma_wait3A_932, %dma_wait3A_933, %dma_wait3A_934] : memref<6x512x32xf32, #tpu.memory_space<vmem>> -> memref<1x512x32xf32, #tpu.memory_space<vmem>>
    %dma_wait3A_936 = tpu.memref_squeeze %dma_wait3A_935 : memref<1x512x32xf32, #tpu.memory_space<vmem>> -> memref<512x32xf32, #tpu.memory_space<vmem>>
    %dma_wait3A_937 = tpu.memref_slice %arg4[%shift_right_arithmetic3A_906, %multiple_of3A_915, %multiple_of3A_918] : memref<26x4096x128xf32, #tpu.memory_space<hbm>> -> memref<1x512x32xf32, #tpu.memory_space<hbm>>
    %dma_wait3A_938 = tpu.memref_squeeze %dma_wait3A_937 : memref<1x512x32xf32, #tpu.memory_space<hbm>> -> memref<512x32xf32, #tpu.memory_space<hbm>>
    %dma_wait3A_939 = tpu.memref_slice %arg4[%shift_right_arithmetic3A_906, %multiple_of3A_915, %multiple_of3A_918] : memref<26x4096x128xf32, #tpu.memory_space<hbm>> -> memref<1x512x32xf32, #tpu.memory_space<hbm>>
    %dma_wait3A_940 = tpu.memref_squeeze %dma_wait3A_939 : memref<1x512x32xf32, #tpu.memory_space<hbm>> -> memref<512x32xf32, #tpu.memory_space<hbm>>
    %dma_wait3A_941 = arith.constant 0 : i32
    %dma_wait3A_942 = arith.constant 0 : i32
    %dma_wait3A_943 = tpu.memref_slice %arg6[%dma_wait3A_932, %dma_wait3A_941, %dma_wait3A_942] : memref<6x512x32xf32, #tpu.memory_space<vmem>> -> memref<1x512x32xf32, #tpu.memory_space<vmem>>
    %dma_wait3A_944 = tpu.memref_squeeze %dma_wait3A_943 : memref<1x512x32xf32, #tpu.memory_space<vmem>> -> memref<512x32xf32, #tpu.memory_space<vmem>>
    tpu.wait_dma2 semaphore(%arg14 : memref<!tpu.dma_semaphore, #tpu.memory_space<semaphore_mem>>) src(%dma_wait3A_944 : memref<512x32xf32, #tpu.memory_space<vmem>>) dst(%dma_wait3A_940 : memref<512x32xf32, #tpu.memory_space<hbm>>)
    %dma_start3A_945 = arith.constant 1 : i32
    %dma_start3A_946 = arith.constant 0 : i32
    %dma_start3A_947 = arith.constant 0 : i32
    %dma_start3A_948 = tpu.memref_slice %arg6[%dma_start3A_945, %dma_start3A_946, %dma_start3A_947] : memref<6x512x32xf32, #tpu.memory_space<vmem>> -> memref<1x512x32xf32, #tpu.memory_space<vmem>>
    %dma_start3A_949 = tpu.memref_squeeze %dma_start3A_948 : memref<1x512x32xf32, #tpu.memory_space<vmem>> -> memref<512x32xf32, #tpu.memory_space<vmem>>
    %dma_start3A_950 = arith.constant 9728 : i32
    %dma_start3A_951 = tpu.memref_slice %arg5[%dma_start3A_950] : memref<13312xi32, #tpu.memory_space<vmem>> -> memref<512xi32, #tpu.memory_space<vmem>>
    %dma_start3A_952 = arith.constant 0 : i32
    %dma_start3A_953 = arith.constant 0 : i32
    %dma_start3A_954 = tpu.memref_slice %arg3[%dma_start3A_952, %dma_start3A_953] : memref<1048576x32xf32, #tpu.memory_space<hbm>> -> memref<1048576x32xf32, #tpu.memory_space<hbm>>
    tpu.enqueue_indirect_dma source(%dma_start3A_954 : memref<1048576x32xf32, #tpu.memory_space<hbm>>) target(%dma_start3A_949 : memref<512x32xf32, #tpu.memory_space<vmem>>) offsets(%dma_start3A_951 : memref<512xi32, #tpu.memory_space<vmem>>) semaphore(%arg8 : memref<!tpu.dma_semaphore, #tpu.memory_space<semaphore_mem>>)
    %dma_wait3A_955 = arith.constant 2 : i32
    %dma_wait3A_956 = arith.constant 0 : i32
    %dma_wait3A_957 = arith.constant 0 : i32
    %dma_wait3A_958 = tpu.memref_slice %arg6[%dma_wait3A_955, %dma_wait3A_956, %dma_wait3A_957] : memref<6x512x32xf32, #tpu.memory_space<vmem>> -> memref<1x512x32xf32, #tpu.memory_space<vmem>>
    %dma_wait3A_959 = tpu.memref_squeeze %dma_wait3A_958 : memref<1x512x32xf32, #tpu.memory_space<vmem>> -> memref<512x32xf32, #tpu.memory_space<vmem>>
    %dma_wait3A_960 = arith.constant 7168 : i32
    %dma_wait3A_961 = tpu.memref_slice %arg5[%dma_wait3A_960] : memref<13312xi32, #tpu.memory_space<vmem>> -> memref<512xi32, #tpu.memory_space<vmem>>
    %dma_wait3A_962 = arith.constant 0 : i32
    %dma_wait3A_963 = arith.constant 0 : i32
    %dma_wait3A_964 = tpu.memref_slice %arg3[%dma_wait3A_962, %dma_wait3A_963] : memref<1048576x32xf32, #tpu.memory_space<hbm>> -> memref<1048576x32xf32, #tpu.memory_space<hbm>>
    tpu.wait_indirect_dma semaphore(%arg9 : memref<!tpu.dma_semaphore, #tpu.memory_space<semaphore_mem>>) src(%dma_wait3A_964 : memref<1048576x32xf32, #tpu.memory_space<hbm>>) dst(%dma_wait3A_959 : memref<512x32xf32, #tpu.memory_space<vmem>>)
    %mul3A_965 = arith.constant 26 : i32
    %mul3A_966 = arith.muli %add3A, %mul3A_965 : i32
    %add3A_967 = arith.constant 14 : i32
    %add3A_968 = arith.addi %mul3A_966, %add3A_967 : i32
    %shift_right_arithmetic3A_969 = arith.constant 5 : i32
    %shift_right_arithmetic3A_970 = arith.shrsi %add3A_968, %shift_right_arithmetic3A_969 : i32
    %shift_right_arithmetic3A_971 = arith.constant 3 : i32
    %shift_right_arithmetic3A_972 = arith.shrsi %add3A_968, %shift_right_arithmetic3A_971 : i32
    %and3A_973 = arith.constant 3 : i32
    %and3A_974 = arith.andi %shift_right_arithmetic3A_972, %and3A_973 : i32
    %and3A_975 = arith.constant 7 : i32
    %and3A_976 = arith.andi %add3A_968, %and3A_975 : i32
    %mul3A_977 = arith.constant 512 : i32
    %mul3A_978 = arith.muli %and3A_976, %mul3A_977 : i32
    %multiple_of3A_979 = tpu.assume_multiple %mul3A_978, 8 : i32
    %mul3A_980 = arith.constant 32 : i32
    %mul3A_981 = arith.muli %and3A_974, %mul3A_980 : i32
    %multiple_of3A_982 = tpu.assume_multiple %mul3A_981, 8 : i32
    %dma_start3A_983 = arith.constant 2 : i32
    %dma_start3A_984 = arith.constant 0 : i32
    %dma_start3A_985 = arith.constant 0 : i32
    %dma_start3A_986 = tpu.memref_slice %arg6[%dma_start3A_983, %dma_start3A_984, %dma_start3A_985] : memref<6x512x32xf32, #tpu.memory_space<vmem>> -> memref<1x512x32xf32, #tpu.memory_space<vmem>>
    %dma_start3A_987 = tpu.memref_squeeze %dma_start3A_986 : memref<1x512x32xf32, #tpu.memory_space<vmem>> -> memref<512x32xf32, #tpu.memory_space<vmem>>
    %dma_start3A_988 = tpu.memref_slice %arg4[%shift_right_arithmetic3A_970, %multiple_of3A_979, %multiple_of3A_982] : memref<26x4096x128xf32, #tpu.memory_space<hbm>> -> memref<1x512x32xf32, #tpu.memory_space<hbm>>
    %dma_start3A_989 = tpu.memref_squeeze %dma_start3A_988 : memref<1x512x32xf32, #tpu.memory_space<hbm>> -> memref<512x32xf32, #tpu.memory_space<hbm>>
    %dma_start3A_990 = tpu.memref_slice %arg4[%shift_right_arithmetic3A_970, %multiple_of3A_979, %multiple_of3A_982] : memref<26x4096x128xf32, #tpu.memory_space<hbm>> -> memref<1x512x32xf32, #tpu.memory_space<hbm>>
    %dma_start3A_991 = tpu.memref_squeeze %dma_start3A_990 : memref<1x512x32xf32, #tpu.memory_space<hbm>> -> memref<512x32xf32, #tpu.memory_space<hbm>>
    %dma_start3A_992 = arith.constant 0 : i32
    %dma_start3A_993 = arith.constant 0 : i32
    %dma_start3A_994 = tpu.memref_slice %arg6[%dma_start3A_983, %dma_start3A_992, %dma_start3A_993] : memref<6x512x32xf32, #tpu.memory_space<vmem>> -> memref<1x512x32xf32, #tpu.memory_space<vmem>>
    %dma_start3A_995 = tpu.memref_squeeze %dma_start3A_994 : memref<1x512x32xf32, #tpu.memory_space<vmem>> -> memref<512x32xf32, #tpu.memory_space<vmem>>
    tpu.enqueue_dma source(%dma_start3A_995 : memref<512x32xf32, #tpu.memory_space<vmem>>) target(%dma_start3A_991 : memref<512x32xf32, #tpu.memory_space<hbm>>) target_semaphore(%arg15 : memref<!tpu.dma_semaphore, #tpu.memory_space<semaphore_mem>>)
    %dma_wait3A_996 = arith.constant 2 : i32
    %dma_wait3A_997 = arith.constant 0 : i32
    %dma_wait3A_998 = arith.constant 0 : i32
    %dma_wait3A_999 = tpu.memref_slice %arg6[%dma_wait3A_996, %dma_wait3A_997, %dma_wait3A_998] : memref<6x512x32xf32, #tpu.memory_space<vmem>> -> memref<1x512x32xf32, #tpu.memory_space<vmem>>
    %dma_wait3A_1000 = tpu.memref_squeeze %dma_wait3A_999 : memref<1x512x32xf32, #tpu.memory_space<vmem>> -> memref<512x32xf32, #tpu.memory_space<vmem>>
    %dma_wait3A_1001 = tpu.memref_slice %arg4[%shift_right_arithmetic3A_970, %multiple_of3A_979, %multiple_of3A_982] : memref<26x4096x128xf32, #tpu.memory_space<hbm>> -> memref<1x512x32xf32, #tpu.memory_space<hbm>>
    %dma_wait3A_1002 = tpu.memref_squeeze %dma_wait3A_1001 : memref<1x512x32xf32, #tpu.memory_space<hbm>> -> memref<512x32xf32, #tpu.memory_space<hbm>>
    %dma_wait3A_1003 = tpu.memref_slice %arg4[%shift_right_arithmetic3A_970, %multiple_of3A_979, %multiple_of3A_982] : memref<26x4096x128xf32, #tpu.memory_space<hbm>> -> memref<1x512x32xf32, #tpu.memory_space<hbm>>
    %dma_wait3A_1004 = tpu.memref_squeeze %dma_wait3A_1003 : memref<1x512x32xf32, #tpu.memory_space<hbm>> -> memref<512x32xf32, #tpu.memory_space<hbm>>
    %dma_wait3A_1005 = arith.constant 0 : i32
    %dma_wait3A_1006 = arith.constant 0 : i32
    %dma_wait3A_1007 = tpu.memref_slice %arg6[%dma_wait3A_996, %dma_wait3A_1005, %dma_wait3A_1006] : memref<6x512x32xf32, #tpu.memory_space<vmem>> -> memref<1x512x32xf32, #tpu.memory_space<vmem>>
    %dma_wait3A_1008 = tpu.memref_squeeze %dma_wait3A_1007 : memref<1x512x32xf32, #tpu.memory_space<vmem>> -> memref<512x32xf32, #tpu.memory_space<vmem>>
    tpu.wait_dma2 semaphore(%arg15 : memref<!tpu.dma_semaphore, #tpu.memory_space<semaphore_mem>>) src(%dma_wait3A_1008 : memref<512x32xf32, #tpu.memory_space<vmem>>) dst(%dma_wait3A_1004 : memref<512x32xf32, #tpu.memory_space<hbm>>)
    %dma_start3A_1009 = arith.constant 2 : i32
    %dma_start3A_1010 = arith.constant 0 : i32
    %dma_start3A_1011 = arith.constant 0 : i32
    %dma_start3A_1012 = tpu.memref_slice %arg6[%dma_start3A_1009, %dma_start3A_1010, %dma_start3A_1011] : memref<6x512x32xf32, #tpu.memory_space<vmem>> -> memref<1x512x32xf32, #tpu.memory_space<vmem>>
    %dma_start3A_1013 = tpu.memref_squeeze %dma_start3A_1012 : memref<1x512x32xf32, #tpu.memory_space<vmem>> -> memref<512x32xf32, #tpu.memory_space<vmem>>
    %dma_start3A_1014 = arith.constant 10240 : i32
    %dma_start3A_1015 = tpu.memref_slice %arg5[%dma_start3A_1014] : memref<13312xi32, #tpu.memory_space<vmem>> -> memref<512xi32, #tpu.memory_space<vmem>>
    %dma_start3A_1016 = arith.constant 0 : i32
    %dma_start3A_1017 = arith.constant 0 : i32
    %dma_start3A_1018 = tpu.memref_slice %arg3[%dma_start3A_1016, %dma_start3A_1017] : memref<1048576x32xf32, #tpu.memory_space<hbm>> -> memref<1048576x32xf32, #tpu.memory_space<hbm>>
    tpu.enqueue_indirect_dma source(%dma_start3A_1018 : memref<1048576x32xf32, #tpu.memory_space<hbm>>) target(%dma_start3A_1013 : memref<512x32xf32, #tpu.memory_space<vmem>>) offsets(%dma_start3A_1015 : memref<512xi32, #tpu.memory_space<vmem>>) semaphore(%arg9 : memref<!tpu.dma_semaphore, #tpu.memory_space<semaphore_mem>>)
    %dma_wait3A_1019 = arith.constant 3 : i32
    %dma_wait3A_1020 = arith.constant 0 : i32
    %dma_wait3A_1021 = arith.constant 0 : i32
    %dma_wait3A_1022 = tpu.memref_slice %arg6[%dma_wait3A_1019, %dma_wait3A_1020, %dma_wait3A_1021] : memref<6x512x32xf32, #tpu.memory_space<vmem>> -> memref<1x512x32xf32, #tpu.memory_space<vmem>>
    %dma_wait3A_1023 = tpu.memref_squeeze %dma_wait3A_1022 : memref<1x512x32xf32, #tpu.memory_space<vmem>> -> memref<512x32xf32, #tpu.memory_space<vmem>>
    %dma_wait3A_1024 = arith.constant 7680 : i32
    %dma_wait3A_1025 = tpu.memref_slice %arg5[%dma_wait3A_1024] : memref<13312xi32, #tpu.memory_space<vmem>> -> memref<512xi32, #tpu.memory_space<vmem>>
    %dma_wait3A_1026 = arith.constant 0 : i32
    %dma_wait3A_1027 = arith.constant 0 : i32
    %dma_wait3A_1028 = tpu.memref_slice %arg3[%dma_wait3A_1026, %dma_wait3A_1027] : memref<1048576x32xf32, #tpu.memory_space<hbm>> -> memref<1048576x32xf32, #tpu.memory_space<hbm>>
    tpu.wait_indirect_dma semaphore(%arg10 : memref<!tpu.dma_semaphore, #tpu.memory_space<semaphore_mem>>) src(%dma_wait3A_1028 : memref<1048576x32xf32, #tpu.memory_space<hbm>>) dst(%dma_wait3A_1023 : memref<512x32xf32, #tpu.memory_space<vmem>>)
    %mul3A_1029 = arith.constant 26 : i32
    %mul3A_1030 = arith.muli %add3A, %mul3A_1029 : i32
    %add3A_1031 = arith.constant 15 : i32
    %add3A_1032 = arith.addi %mul3A_1030, %add3A_1031 : i32
    %shift_right_arithmetic3A_1033 = arith.constant 5 : i32
    %shift_right_arithmetic3A_1034 = arith.shrsi %add3A_1032, %shift_right_arithmetic3A_1033 : i32
    %shift_right_arithmetic3A_1035 = arith.constant 3 : i32
    %shift_right_arithmetic3A_1036 = arith.shrsi %add3A_1032, %shift_right_arithmetic3A_1035 : i32
    %and3A_1037 = arith.constant 3 : i32
    %and3A_1038 = arith.andi %shift_right_arithmetic3A_1036, %and3A_1037 : i32
    %and3A_1039 = arith.constant 7 : i32
    %and3A_1040 = arith.andi %add3A_1032, %and3A_1039 : i32
    %mul3A_1041 = arith.constant 512 : i32
    %mul3A_1042 = arith.muli %and3A_1040, %mul3A_1041 : i32
    %multiple_of3A_1043 = tpu.assume_multiple %mul3A_1042, 8 : i32
    %mul3A_1044 = arith.constant 32 : i32
    %mul3A_1045 = arith.muli %and3A_1038, %mul3A_1044 : i32
    %multiple_of3A_1046 = tpu.assume_multiple %mul3A_1045, 8 : i32
    %dma_start3A_1047 = arith.constant 3 : i32
    %dma_start3A_1048 = arith.constant 0 : i32
    %dma_start3A_1049 = arith.constant 0 : i32
    %dma_start3A_1050 = tpu.memref_slice %arg6[%dma_start3A_1047, %dma_start3A_1048, %dma_start3A_1049] : memref<6x512x32xf32, #tpu.memory_space<vmem>> -> memref<1x512x32xf32, #tpu.memory_space<vmem>>
    %dma_start3A_1051 = tpu.memref_squeeze %dma_start3A_1050 : memref<1x512x32xf32, #tpu.memory_space<vmem>> -> memref<512x32xf32, #tpu.memory_space<vmem>>
    %dma_start3A_1052 = tpu.memref_slice %arg4[%shift_right_arithmetic3A_1034, %multiple_of3A_1043, %multiple_of3A_1046] : memref<26x4096x128xf32, #tpu.memory_space<hbm>> -> memref<1x512x32xf32, #tpu.memory_space<hbm>>
    %dma_start3A_1053 = tpu.memref_squeeze %dma_start3A_1052 : memref<1x512x32xf32, #tpu.memory_space<hbm>> -> memref<512x32xf32, #tpu.memory_space<hbm>>
    %dma_start3A_1054 = tpu.memref_slice %arg4[%shift_right_arithmetic3A_1034, %multiple_of3A_1043, %multiple_of3A_1046] : memref<26x4096x128xf32, #tpu.memory_space<hbm>> -> memref<1x512x32xf32, #tpu.memory_space<hbm>>
    %dma_start3A_1055 = tpu.memref_squeeze %dma_start3A_1054 : memref<1x512x32xf32, #tpu.memory_space<hbm>> -> memref<512x32xf32, #tpu.memory_space<hbm>>
    %dma_start3A_1056 = arith.constant 0 : i32
    %dma_start3A_1057 = arith.constant 0 : i32
    %dma_start3A_1058 = tpu.memref_slice %arg6[%dma_start3A_1047, %dma_start3A_1056, %dma_start3A_1057] : memref<6x512x32xf32, #tpu.memory_space<vmem>> -> memref<1x512x32xf32, #tpu.memory_space<vmem>>
    %dma_start3A_1059 = tpu.memref_squeeze %dma_start3A_1058 : memref<1x512x32xf32, #tpu.memory_space<vmem>> -> memref<512x32xf32, #tpu.memory_space<vmem>>
    tpu.enqueue_dma source(%dma_start3A_1059 : memref<512x32xf32, #tpu.memory_space<vmem>>) target(%dma_start3A_1055 : memref<512x32xf32, #tpu.memory_space<hbm>>) target_semaphore(%arg16 : memref<!tpu.dma_semaphore, #tpu.memory_space<semaphore_mem>>)
    %dma_wait3A_1060 = arith.constant 3 : i32
    %dma_wait3A_1061 = arith.constant 0 : i32
    %dma_wait3A_1062 = arith.constant 0 : i32
    %dma_wait3A_1063 = tpu.memref_slice %arg6[%dma_wait3A_1060, %dma_wait3A_1061, %dma_wait3A_1062] : memref<6x512x32xf32, #tpu.memory_space<vmem>> -> memref<1x512x32xf32, #tpu.memory_space<vmem>>
    %dma_wait3A_1064 = tpu.memref_squeeze %dma_wait3A_1063 : memref<1x512x32xf32, #tpu.memory_space<vmem>> -> memref<512x32xf32, #tpu.memory_space<vmem>>
    %dma_wait3A_1065 = tpu.memref_slice %arg4[%shift_right_arithmetic3A_1034, %multiple_of3A_1043, %multiple_of3A_1046] : memref<26x4096x128xf32, #tpu.memory_space<hbm>> -> memref<1x512x32xf32, #tpu.memory_space<hbm>>
    %dma_wait3A_1066 = tpu.memref_squeeze %dma_wait3A_1065 : memref<1x512x32xf32, #tpu.memory_space<hbm>> -> memref<512x32xf32, #tpu.memory_space<hbm>>
    %dma_wait3A_1067 = tpu.memref_slice %arg4[%shift_right_arithmetic3A_1034, %multiple_of3A_1043, %multiple_of3A_1046] : memref<26x4096x128xf32, #tpu.memory_space<hbm>> -> memref<1x512x32xf32, #tpu.memory_space<hbm>>
    %dma_wait3A_1068 = tpu.memref_squeeze %dma_wait3A_1067 : memref<1x512x32xf32, #tpu.memory_space<hbm>> -> memref<512x32xf32, #tpu.memory_space<hbm>>
    %dma_wait3A_1069 = arith.constant 0 : i32
    %dma_wait3A_1070 = arith.constant 0 : i32
    %dma_wait3A_1071 = tpu.memref_slice %arg6[%dma_wait3A_1060, %dma_wait3A_1069, %dma_wait3A_1070] : memref<6x512x32xf32, #tpu.memory_space<vmem>> -> memref<1x512x32xf32, #tpu.memory_space<vmem>>
    %dma_wait3A_1072 = tpu.memref_squeeze %dma_wait3A_1071 : memref<1x512x32xf32, #tpu.memory_space<vmem>> -> memref<512x32xf32, #tpu.memory_space<vmem>>
    tpu.wait_dma2 semaphore(%arg16 : memref<!tpu.dma_semaphore, #tpu.memory_space<semaphore_mem>>) src(%dma_wait3A_1072 : memref<512x32xf32, #tpu.memory_space<vmem>>) dst(%dma_wait3A_1068 : memref<512x32xf32, #tpu.memory_space<hbm>>)
    %dma_start3A_1073 = arith.constant 3 : i32
    %dma_start3A_1074 = arith.constant 0 : i32
    %dma_start3A_1075 = arith.constant 0 : i32
    %dma_start3A_1076 = tpu.memref_slice %arg6[%dma_start3A_1073, %dma_start3A_1074, %dma_start3A_1075] : memref<6x512x32xf32, #tpu.memory_space<vmem>> -> memref<1x512x32xf32, #tpu.memory_space<vmem>>
    %dma_start3A_1077 = tpu.memref_squeeze %dma_start3A_1076 : memref<1x512x32xf32, #tpu.memory_space<vmem>> -> memref<512x32xf32, #tpu.memory_space<vmem>>
    %dma_start3A_1078 = arith.constant 10752 : i32
    %dma_start3A_1079 = tpu.memref_slice %arg5[%dma_start3A_1078] : memref<13312xi32, #tpu.memory_space<vmem>> -> memref<512xi32, #tpu.memory_space<vmem>>
    %dma_start3A_1080 = arith.constant 0 : i32
    %dma_start3A_1081 = arith.constant 0 : i32
    %dma_start3A_1082 = tpu.memref_slice %arg3[%dma_start3A_1080, %dma_start3A_1081] : memref<1048576x32xf32, #tpu.memory_space<hbm>> -> memref<1048576x32xf32, #tpu.memory_space<hbm>>
    tpu.enqueue_indirect_dma source(%dma_start3A_1082 : memref<1048576x32xf32, #tpu.memory_space<hbm>>) target(%dma_start3A_1077 : memref<512x32xf32, #tpu.memory_space<vmem>>) offsets(%dma_start3A_1079 : memref<512xi32, #tpu.memory_space<vmem>>) semaphore(%arg10 : memref<!tpu.dma_semaphore, #tpu.memory_space<semaphore_mem>>)
    %dma_wait3A_1083 = arith.constant 4 : i32
    %dma_wait3A_1084 = arith.constant 0 : i32
    %dma_wait3A_1085 = arith.constant 0 : i32
    %dma_wait3A_1086 = tpu.memref_slice %arg6[%dma_wait3A_1083, %dma_wait3A_1084, %dma_wait3A_1085] : memref<6x512x32xf32, #tpu.memory_space<vmem>> -> memref<1x512x32xf32, #tpu.memory_space<vmem>>
    %dma_wait3A_1087 = tpu.memref_squeeze %dma_wait3A_1086 : memref<1x512x32xf32, #tpu.memory_space<vmem>> -> memref<512x32xf32, #tpu.memory_space<vmem>>
    %dma_wait3A_1088 = arith.constant 8192 : i32
    %dma_wait3A_1089 = tpu.memref_slice %arg5[%dma_wait3A_1088] : memref<13312xi32, #tpu.memory_space<vmem>> -> memref<512xi32, #tpu.memory_space<vmem>>
    %dma_wait3A_1090 = arith.constant 0 : i32
    %dma_wait3A_1091 = arith.constant 0 : i32
    %dma_wait3A_1092 = tpu.memref_slice %arg3[%dma_wait3A_1090, %dma_wait3A_1091] : memref<1048576x32xf32, #tpu.memory_space<hbm>> -> memref<1048576x32xf32, #tpu.memory_space<hbm>>
    tpu.wait_indirect_dma semaphore(%arg11 : memref<!tpu.dma_semaphore, #tpu.memory_space<semaphore_mem>>) src(%dma_wait3A_1092 : memref<1048576x32xf32, #tpu.memory_space<hbm>>) dst(%dma_wait3A_1087 : memref<512x32xf32, #tpu.memory_space<vmem>>)
    %mul3A_1093 = arith.constant 26 : i32
    %mul3A_1094 = arith.muli %add3A, %mul3A_1093 : i32
    %add3A_1095 = arith.constant 16 : i32
    %add3A_1096 = arith.addi %mul3A_1094, %add3A_1095 : i32
    %shift_right_arithmetic3A_1097 = arith.constant 5 : i32
    %shift_right_arithmetic3A_1098 = arith.shrsi %add3A_1096, %shift_right_arithmetic3A_1097 : i32
    %shift_right_arithmetic3A_1099 = arith.constant 3 : i32
    %shift_right_arithmetic3A_1100 = arith.shrsi %add3A_1096, %shift_right_arithmetic3A_1099 : i32
    %and3A_1101 = arith.constant 3 : i32
    %and3A_1102 = arith.andi %shift_right_arithmetic3A_1100, %and3A_1101 : i32
    %and3A_1103 = arith.constant 7 : i32
    %and3A_1104 = arith.andi %add3A_1096, %and3A_1103 : i32
    %mul3A_1105 = arith.constant 512 : i32
    %mul3A_1106 = arith.muli %and3A_1104, %mul3A_1105 : i32
    %multiple_of3A_1107 = tpu.assume_multiple %mul3A_1106, 8 : i32
    %mul3A_1108 = arith.constant 32 : i32
    %mul3A_1109 = arith.muli %and3A_1102, %mul3A_1108 : i32
    %multiple_of3A_1110 = tpu.assume_multiple %mul3A_1109, 8 : i32
    %dma_start3A_1111 = arith.constant 4 : i32
    %dma_start3A_1112 = arith.constant 0 : i32
    %dma_start3A_1113 = arith.constant 0 : i32
    %dma_start3A_1114 = tpu.memref_slice %arg6[%dma_start3A_1111, %dma_start3A_1112, %dma_start3A_1113] : memref<6x512x32xf32, #tpu.memory_space<vmem>> -> memref<1x512x32xf32, #tpu.memory_space<vmem>>
    %dma_start3A_1115 = tpu.memref_squeeze %dma_start3A_1114 : memref<1x512x32xf32, #tpu.memory_space<vmem>> -> memref<512x32xf32, #tpu.memory_space<vmem>>
    %dma_start3A_1116 = tpu.memref_slice %arg4[%shift_right_arithmetic3A_1098, %multiple_of3A_1107, %multiple_of3A_1110] : memref<26x4096x128xf32, #tpu.memory_space<hbm>> -> memref<1x512x32xf32, #tpu.memory_space<hbm>>
    %dma_start3A_1117 = tpu.memref_squeeze %dma_start3A_1116 : memref<1x512x32xf32, #tpu.memory_space<hbm>> -> memref<512x32xf32, #tpu.memory_space<hbm>>
    %dma_start3A_1118 = tpu.memref_slice %arg4[%shift_right_arithmetic3A_1098, %multiple_of3A_1107, %multiple_of3A_1110] : memref<26x4096x128xf32, #tpu.memory_space<hbm>> -> memref<1x512x32xf32, #tpu.memory_space<hbm>>
    %dma_start3A_1119 = tpu.memref_squeeze %dma_start3A_1118 : memref<1x512x32xf32, #tpu.memory_space<hbm>> -> memref<512x32xf32, #tpu.memory_space<hbm>>
    %dma_start3A_1120 = arith.constant 0 : i32
    %dma_start3A_1121 = arith.constant 0 : i32
    %dma_start3A_1122 = tpu.memref_slice %arg6[%dma_start3A_1111, %dma_start3A_1120, %dma_start3A_1121] : memref<6x512x32xf32, #tpu.memory_space<vmem>> -> memref<1x512x32xf32, #tpu.memory_space<vmem>>
    %dma_start3A_1123 = tpu.memref_squeeze %dma_start3A_1122 : memref<1x512x32xf32, #tpu.memory_space<vmem>> -> memref<512x32xf32, #tpu.memory_space<vmem>>
    tpu.enqueue_dma source(%dma_start3A_1123 : memref<512x32xf32, #tpu.memory_space<vmem>>) target(%dma_start3A_1119 : memref<512x32xf32, #tpu.memory_space<hbm>>) target_semaphore(%arg17 : memref<!tpu.dma_semaphore, #tpu.memory_space<semaphore_mem>>)
    %dma_wait3A_1124 = arith.constant 4 : i32
    %dma_wait3A_1125 = arith.constant 0 : i32
    %dma_wait3A_1126 = arith.constant 0 : i32
    %dma_wait3A_1127 = tpu.memref_slice %arg6[%dma_wait3A_1124, %dma_wait3A_1125, %dma_wait3A_1126] : memref<6x512x32xf32, #tpu.memory_space<vmem>> -> memref<1x512x32xf32, #tpu.memory_space<vmem>>
    %dma_wait3A_1128 = tpu.memref_squeeze %dma_wait3A_1127 : memref<1x512x32xf32, #tpu.memory_space<vmem>> -> memref<512x32xf32, #tpu.memory_space<vmem>>
    %dma_wait3A_1129 = tpu.memref_slice %arg4[%shift_right_arithmetic3A_1098, %multiple_of3A_1107, %multiple_of3A_1110] : memref<26x4096x128xf32, #tpu.memory_space<hbm>> -> memref<1x512x32xf32, #tpu.memory_space<hbm>>
    %dma_wait3A_1130 = tpu.memref_squeeze %dma_wait3A_1129 : memref<1x512x32xf32, #tpu.memory_space<hbm>> -> memref<512x32xf32, #tpu.memory_space<hbm>>
    %dma_wait3A_1131 = tpu.memref_slice %arg4[%shift_right_arithmetic3A_1098, %multiple_of3A_1107, %multiple_of3A_1110] : memref<26x4096x128xf32, #tpu.memory_space<hbm>> -> memref<1x512x32xf32, #tpu.memory_space<hbm>>
    %dma_wait3A_1132 = tpu.memref_squeeze %dma_wait3A_1131 : memref<1x512x32xf32, #tpu.memory_space<hbm>> -> memref<512x32xf32, #tpu.memory_space<hbm>>
    %dma_wait3A_1133 = arith.constant 0 : i32
    %dma_wait3A_1134 = arith.constant 0 : i32
    %dma_wait3A_1135 = tpu.memref_slice %arg6[%dma_wait3A_1124, %dma_wait3A_1133, %dma_wait3A_1134] : memref<6x512x32xf32, #tpu.memory_space<vmem>> -> memref<1x512x32xf32, #tpu.memory_space<vmem>>
    %dma_wait3A_1136 = tpu.memref_squeeze %dma_wait3A_1135 : memref<1x512x32xf32, #tpu.memory_space<vmem>> -> memref<512x32xf32, #tpu.memory_space<vmem>>
    tpu.wait_dma2 semaphore(%arg17 : memref<!tpu.dma_semaphore, #tpu.memory_space<semaphore_mem>>) src(%dma_wait3A_1136 : memref<512x32xf32, #tpu.memory_space<vmem>>) dst(%dma_wait3A_1132 : memref<512x32xf32, #tpu.memory_space<hbm>>)
    %dma_start3A_1137 = arith.constant 4 : i32
    %dma_start3A_1138 = arith.constant 0 : i32
    %dma_start3A_1139 = arith.constant 0 : i32
    %dma_start3A_1140 = tpu.memref_slice %arg6[%dma_start3A_1137, %dma_start3A_1138, %dma_start3A_1139] : memref<6x512x32xf32, #tpu.memory_space<vmem>> -> memref<1x512x32xf32, #tpu.memory_space<vmem>>
    %dma_start3A_1141 = tpu.memref_squeeze %dma_start3A_1140 : memref<1x512x32xf32, #tpu.memory_space<vmem>> -> memref<512x32xf32, #tpu.memory_space<vmem>>
    %dma_start3A_1142 = arith.constant 11264 : i32
    %dma_start3A_1143 = tpu.memref_slice %arg5[%dma_start3A_1142] : memref<13312xi32, #tpu.memory_space<vmem>> -> memref<512xi32, #tpu.memory_space<vmem>>
    %dma_start3A_1144 = arith.constant 0 : i32
    %dma_start3A_1145 = arith.constant 0 : i32
    %dma_start3A_1146 = tpu.memref_slice %arg3[%dma_start3A_1144, %dma_start3A_1145] : memref<1048576x32xf32, #tpu.memory_space<hbm>> -> memref<1048576x32xf32, #tpu.memory_space<hbm>>
    tpu.enqueue_indirect_dma source(%dma_start3A_1146 : memref<1048576x32xf32, #tpu.memory_space<hbm>>) target(%dma_start3A_1141 : memref<512x32xf32, #tpu.memory_space<vmem>>) offsets(%dma_start3A_1143 : memref<512xi32, #tpu.memory_space<vmem>>) semaphore(%arg11 : memref<!tpu.dma_semaphore, #tpu.memory_space<semaphore_mem>>)
    %dma_wait3A_1147 = arith.constant 5 : i32
    %dma_wait3A_1148 = arith.constant 0 : i32
    %dma_wait3A_1149 = arith.constant 0 : i32
    %dma_wait3A_1150 = tpu.memref_slice %arg6[%dma_wait3A_1147, %dma_wait3A_1148, %dma_wait3A_1149] : memref<6x512x32xf32, #tpu.memory_space<vmem>> -> memref<1x512x32xf32, #tpu.memory_space<vmem>>
    %dma_wait3A_1151 = tpu.memref_squeeze %dma_wait3A_1150 : memref<1x512x32xf32, #tpu.memory_space<vmem>> -> memref<512x32xf32, #tpu.memory_space<vmem>>
    %dma_wait3A_1152 = arith.constant 8704 : i32
    %dma_wait3A_1153 = tpu.memref_slice %arg5[%dma_wait3A_1152] : memref<13312xi32, #tpu.memory_space<vmem>> -> memref<512xi32, #tpu.memory_space<vmem>>
    %dma_wait3A_1154 = arith.constant 0 : i32
    %dma_wait3A_1155 = arith.constant 0 : i32
    %dma_wait3A_1156 = tpu.memref_slice %arg3[%dma_wait3A_1154, %dma_wait3A_1155] : memref<1048576x32xf32, #tpu.memory_space<hbm>> -> memref<1048576x32xf32, #tpu.memory_space<hbm>>
    tpu.wait_indirect_dma semaphore(%arg12 : memref<!tpu.dma_semaphore, #tpu.memory_space<semaphore_mem>>) src(%dma_wait3A_1156 : memref<1048576x32xf32, #tpu.memory_space<hbm>>) dst(%dma_wait3A_1151 : memref<512x32xf32, #tpu.memory_space<vmem>>)
    %mul3A_1157 = arith.constant 26 : i32
    %mul3A_1158 = arith.muli %add3A, %mul3A_1157 : i32
    %add3A_1159 = arith.constant 17 : i32
    %add3A_1160 = arith.addi %mul3A_1158, %add3A_1159 : i32
    %shift_right_arithmetic3A_1161 = arith.constant 5 : i32
    %shift_right_arithmetic3A_1162 = arith.shrsi %add3A_1160, %shift_right_arithmetic3A_1161 : i32
    %shift_right_arithmetic3A_1163 = arith.constant 3 : i32
    %shift_right_arithmetic3A_1164 = arith.shrsi %add3A_1160, %shift_right_arithmetic3A_1163 : i32
    %and3A_1165 = arith.constant 3 : i32
    %and3A_1166 = arith.andi %shift_right_arithmetic3A_1164, %and3A_1165 : i32
    %and3A_1167 = arith.constant 7 : i32
    %and3A_1168 = arith.andi %add3A_1160, %and3A_1167 : i32
    %mul3A_1169 = arith.constant 512 : i32
    %mul3A_1170 = arith.muli %and3A_1168, %mul3A_1169 : i32
    %multiple_of3A_1171 = tpu.assume_multiple %mul3A_1170, 8 : i32
    %mul3A_1172 = arith.constant 32 : i32
    %mul3A_1173 = arith.muli %and3A_1166, %mul3A_1172 : i32
    %multiple_of3A_1174 = tpu.assume_multiple %mul3A_1173, 8 : i32
    %dma_start3A_1175 = arith.constant 5 : i32
    %dma_start3A_1176 = arith.constant 0 : i32
    %dma_start3A_1177 = arith.constant 0 : i32
    %dma_start3A_1178 = tpu.memref_slice %arg6[%dma_start3A_1175, %dma_start3A_1176, %dma_start3A_1177] : memref<6x512x32xf32, #tpu.memory_space<vmem>> -> memref<1x512x32xf32, #tpu.memory_space<vmem>>
    %dma_start3A_1179 = tpu.memref_squeeze %dma_start3A_1178 : memref<1x512x32xf32, #tpu.memory_space<vmem>> -> memref<512x32xf32, #tpu.memory_space<vmem>>
    %dma_start3A_1180 = tpu.memref_slice %arg4[%shift_right_arithmetic3A_1162, %multiple_of3A_1171, %multiple_of3A_1174] : memref<26x4096x128xf32, #tpu.memory_space<hbm>> -> memref<1x512x32xf32, #tpu.memory_space<hbm>>
    %dma_start3A_1181 = tpu.memref_squeeze %dma_start3A_1180 : memref<1x512x32xf32, #tpu.memory_space<hbm>> -> memref<512x32xf32, #tpu.memory_space<hbm>>
    %dma_start3A_1182 = tpu.memref_slice %arg4[%shift_right_arithmetic3A_1162, %multiple_of3A_1171, %multiple_of3A_1174] : memref<26x4096x128xf32, #tpu.memory_space<hbm>> -> memref<1x512x32xf32, #tpu.memory_space<hbm>>
    %dma_start3A_1183 = tpu.memref_squeeze %dma_start3A_1182 : memref<1x512x32xf32, #tpu.memory_space<hbm>> -> memref<512x32xf32, #tpu.memory_space<hbm>>
    %dma_start3A_1184 = arith.constant 0 : i32
    %dma_start3A_1185 = arith.constant 0 : i32
    %dma_start3A_1186 = tpu.memref_slice %arg6[%dma_start3A_1175, %dma_start3A_1184, %dma_start3A_1185] : memref<6x512x32xf32, #tpu.memory_space<vmem>> -> memref<1x512x32xf32, #tpu.memory_space<vmem>>
    %dma_start3A_1187 = tpu.memref_squeeze %dma_start3A_1186 : memref<1x512x32xf32, #tpu.memory_space<vmem>> -> memref<512x32xf32, #tpu.memory_space<vmem>>
    tpu.enqueue_dma source(%dma_start3A_1187 : memref<512x32xf32, #tpu.memory_space<vmem>>) target(%dma_start3A_1183 : memref<512x32xf32, #tpu.memory_space<hbm>>) target_semaphore(%arg18 : memref<!tpu.dma_semaphore, #tpu.memory_space<semaphore_mem>>)
    %dma_wait3A_1188 = arith.constant 5 : i32
    %dma_wait3A_1189 = arith.constant 0 : i32
    %dma_wait3A_1190 = arith.constant 0 : i32
    %dma_wait3A_1191 = tpu.memref_slice %arg6[%dma_wait3A_1188, %dma_wait3A_1189, %dma_wait3A_1190] : memref<6x512x32xf32, #tpu.memory_space<vmem>> -> memref<1x512x32xf32, #tpu.memory_space<vmem>>
    %dma_wait3A_1192 = tpu.memref_squeeze %dma_wait3A_1191 : memref<1x512x32xf32, #tpu.memory_space<vmem>> -> memref<512x32xf32, #tpu.memory_space<vmem>>
    %dma_wait3A_1193 = tpu.memref_slice %arg4[%shift_right_arithmetic3A_1162, %multiple_of3A_1171, %multiple_of3A_1174] : memref<26x4096x128xf32, #tpu.memory_space<hbm>> -> memref<1x512x32xf32, #tpu.memory_space<hbm>>
    %dma_wait3A_1194 = tpu.memref_squeeze %dma_wait3A_1193 : memref<1x512x32xf32, #tpu.memory_space<hbm>> -> memref<512x32xf32, #tpu.memory_space<hbm>>
    %dma_wait3A_1195 = tpu.memref_slice %arg4[%shift_right_arithmetic3A_1162, %multiple_of3A_1171, %multiple_of3A_1174] : memref<26x4096x128xf32, #tpu.memory_space<hbm>> -> memref<1x512x32xf32, #tpu.memory_space<hbm>>
    %dma_wait3A_1196 = tpu.memref_squeeze %dma_wait3A_1195 : memref<1x512x32xf32, #tpu.memory_space<hbm>> -> memref<512x32xf32, #tpu.memory_space<hbm>>
    %dma_wait3A_1197 = arith.constant 0 : i32
    %dma_wait3A_1198 = arith.constant 0 : i32
    %dma_wait3A_1199 = tpu.memref_slice %arg6[%dma_wait3A_1188, %dma_wait3A_1197, %dma_wait3A_1198] : memref<6x512x32xf32, #tpu.memory_space<vmem>> -> memref<1x512x32xf32, #tpu.memory_space<vmem>>
    %dma_wait3A_1200 = tpu.memref_squeeze %dma_wait3A_1199 : memref<1x512x32xf32, #tpu.memory_space<vmem>> -> memref<512x32xf32, #tpu.memory_space<vmem>>
    tpu.wait_dma2 semaphore(%arg18 : memref<!tpu.dma_semaphore, #tpu.memory_space<semaphore_mem>>) src(%dma_wait3A_1200 : memref<512x32xf32, #tpu.memory_space<vmem>>) dst(%dma_wait3A_1196 : memref<512x32xf32, #tpu.memory_space<hbm>>)
    %dma_start3A_1201 = arith.constant 5 : i32
    %dma_start3A_1202 = arith.constant 0 : i32
    %dma_start3A_1203 = arith.constant 0 : i32
    %dma_start3A_1204 = tpu.memref_slice %arg6[%dma_start3A_1201, %dma_start3A_1202, %dma_start3A_1203] : memref<6x512x32xf32, #tpu.memory_space<vmem>> -> memref<1x512x32xf32, #tpu.memory_space<vmem>>
    %dma_start3A_1205 = tpu.memref_squeeze %dma_start3A_1204 : memref<1x512x32xf32, #tpu.memory_space<vmem>> -> memref<512x32xf32, #tpu.memory_space<vmem>>
    %dma_start3A_1206 = arith.constant 11776 : i32
    %dma_start3A_1207 = tpu.memref_slice %arg5[%dma_start3A_1206] : memref<13312xi32, #tpu.memory_space<vmem>> -> memref<512xi32, #tpu.memory_space<vmem>>
    %dma_start3A_1208 = arith.constant 0 : i32
    %dma_start3A_1209 = arith.constant 0 : i32
    %dma_start3A_1210 = tpu.memref_slice %arg3[%dma_start3A_1208, %dma_start3A_1209] : memref<1048576x32xf32, #tpu.memory_space<hbm>> -> memref<1048576x32xf32, #tpu.memory_space<hbm>>
    tpu.enqueue_indirect_dma source(%dma_start3A_1210 : memref<1048576x32xf32, #tpu.memory_space<hbm>>) target(%dma_start3A_1205 : memref<512x32xf32, #tpu.memory_space<vmem>>) offsets(%dma_start3A_1207 : memref<512xi32, #tpu.memory_space<vmem>>) semaphore(%arg12 : memref<!tpu.dma_semaphore, #tpu.memory_space<semaphore_mem>>)
    %dma_wait3A_1211 = arith.constant 0 : i32
    %dma_wait3A_1212 = arith.constant 0 : i32
    %dma_wait3A_1213 = arith.constant 0 : i32
    %dma_wait3A_1214 = tpu.memref_slice %arg6[%dma_wait3A_1211, %dma_wait3A_1212, %dma_wait3A_1213] : memref<6x512x32xf32, #tpu.memory_space<vmem>> -> memref<1x512x32xf32, #tpu.memory_space<vmem>>
    %dma_wait3A_1215 = tpu.memref_squeeze %dma_wait3A_1214 : memref<1x512x32xf32, #tpu.memory_space<vmem>> -> memref<512x32xf32, #tpu.memory_space<vmem>>
    %dma_wait3A_1216 = arith.constant 9216 : i32
    %dma_wait3A_1217 = tpu.memref_slice %arg5[%dma_wait3A_1216] : memref<13312xi32, #tpu.memory_space<vmem>> -> memref<512xi32, #tpu.memory_space<vmem>>
    %dma_wait3A_1218 = arith.constant 0 : i32
    %dma_wait3A_1219 = arith.constant 0 : i32
    %dma_wait3A_1220 = tpu.memref_slice %arg3[%dma_wait3A_1218, %dma_wait3A_1219] : memref<1048576x32xf32, #tpu.memory_space<hbm>> -> memref<1048576x32xf32, #tpu.memory_space<hbm>>
    tpu.wait_indirect_dma semaphore(%arg7 : memref<!tpu.dma_semaphore, #tpu.memory_space<semaphore_mem>>) src(%dma_wait3A_1220 : memref<1048576x32xf32, #tpu.memory_space<hbm>>) dst(%dma_wait3A_1215 : memref<512x32xf32, #tpu.memory_space<vmem>>)
    %mul3A_1221 = arith.constant 26 : i32
    %mul3A_1222 = arith.muli %add3A, %mul3A_1221 : i32
    %add3A_1223 = arith.constant 18 : i32
    %add3A_1224 = arith.addi %mul3A_1222, %add3A_1223 : i32
    %shift_right_arithmetic3A_1225 = arith.constant 5 : i32
    %shift_right_arithmetic3A_1226 = arith.shrsi %add3A_1224, %shift_right_arithmetic3A_1225 : i32
    %shift_right_arithmetic3A_1227 = arith.constant 3 : i32
    %shift_right_arithmetic3A_1228 = arith.shrsi %add3A_1224, %shift_right_arithmetic3A_1227 : i32
    %and3A_1229 = arith.constant 3 : i32
    %and3A_1230 = arith.andi %shift_right_arithmetic3A_1228, %and3A_1229 : i32
    %and3A_1231 = arith.constant 7 : i32
    %and3A_1232 = arith.andi %add3A_1224, %and3A_1231 : i32
    %mul3A_1233 = arith.constant 512 : i32
    %mul3A_1234 = arith.muli %and3A_1232, %mul3A_1233 : i32
    %multiple_of3A_1235 = tpu.assume_multiple %mul3A_1234, 8 : i32
    %mul3A_1236 = arith.constant 32 : i32
    %mul3A_1237 = arith.muli %and3A_1230, %mul3A_1236 : i32
    %multiple_of3A_1238 = tpu.assume_multiple %mul3A_1237, 8 : i32
    %dma_start3A_1239 = arith.constant 0 : i32
    %dma_start3A_1240 = arith.constant 0 : i32
    %dma_start3A_1241 = arith.constant 0 : i32
    %dma_start3A_1242 = tpu.memref_slice %arg6[%dma_start3A_1239, %dma_start3A_1240, %dma_start3A_1241] : memref<6x512x32xf32, #tpu.memory_space<vmem>> -> memref<1x512x32xf32, #tpu.memory_space<vmem>>
    %dma_start3A_1243 = tpu.memref_squeeze %dma_start3A_1242 : memref<1x512x32xf32, #tpu.memory_space<vmem>> -> memref<512x32xf32, #tpu.memory_space<vmem>>
    %dma_start3A_1244 = tpu.memref_slice %arg4[%shift_right_arithmetic3A_1226, %multiple_of3A_1235, %multiple_of3A_1238] : memref<26x4096x128xf32, #tpu.memory_space<hbm>> -> memref<1x512x32xf32, #tpu.memory_space<hbm>>
    %dma_start3A_1245 = tpu.memref_squeeze %dma_start3A_1244 : memref<1x512x32xf32, #tpu.memory_space<hbm>> -> memref<512x32xf32, #tpu.memory_space<hbm>>
    %dma_start3A_1246 = tpu.memref_slice %arg4[%shift_right_arithmetic3A_1226, %multiple_of3A_1235, %multiple_of3A_1238] : memref<26x4096x128xf32, #tpu.memory_space<hbm>> -> memref<1x512x32xf32, #tpu.memory_space<hbm>>
    %dma_start3A_1247 = tpu.memref_squeeze %dma_start3A_1246 : memref<1x512x32xf32, #tpu.memory_space<hbm>> -> memref<512x32xf32, #tpu.memory_space<hbm>>
    %dma_start3A_1248 = arith.constant 0 : i32
    %dma_start3A_1249 = arith.constant 0 : i32
    %dma_start3A_1250 = tpu.memref_slice %arg6[%dma_start3A_1239, %dma_start3A_1248, %dma_start3A_1249] : memref<6x512x32xf32, #tpu.memory_space<vmem>> -> memref<1x512x32xf32, #tpu.memory_space<vmem>>
    %dma_start3A_1251 = tpu.memref_squeeze %dma_start3A_1250 : memref<1x512x32xf32, #tpu.memory_space<vmem>> -> memref<512x32xf32, #tpu.memory_space<vmem>>
    tpu.enqueue_dma source(%dma_start3A_1251 : memref<512x32xf32, #tpu.memory_space<vmem>>) target(%dma_start3A_1247 : memref<512x32xf32, #tpu.memory_space<hbm>>) target_semaphore(%arg13 : memref<!tpu.dma_semaphore, #tpu.memory_space<semaphore_mem>>)
    %dma_wait3A_1252 = arith.constant 0 : i32
    %dma_wait3A_1253 = arith.constant 0 : i32
    %dma_wait3A_1254 = arith.constant 0 : i32
    %dma_wait3A_1255 = tpu.memref_slice %arg6[%dma_wait3A_1252, %dma_wait3A_1253, %dma_wait3A_1254] : memref<6x512x32xf32, #tpu.memory_space<vmem>> -> memref<1x512x32xf32, #tpu.memory_space<vmem>>
    %dma_wait3A_1256 = tpu.memref_squeeze %dma_wait3A_1255 : memref<1x512x32xf32, #tpu.memory_space<vmem>> -> memref<512x32xf32, #tpu.memory_space<vmem>>
    %dma_wait3A_1257 = tpu.memref_slice %arg4[%shift_right_arithmetic3A_1226, %multiple_of3A_1235, %multiple_of3A_1238] : memref<26x4096x128xf32, #tpu.memory_space<hbm>> -> memref<1x512x32xf32, #tpu.memory_space<hbm>>
    %dma_wait3A_1258 = tpu.memref_squeeze %dma_wait3A_1257 : memref<1x512x32xf32, #tpu.memory_space<hbm>> -> memref<512x32xf32, #tpu.memory_space<hbm>>
    %dma_wait3A_1259 = tpu.memref_slice %arg4[%shift_right_arithmetic3A_1226, %multiple_of3A_1235, %multiple_of3A_1238] : memref<26x4096x128xf32, #tpu.memory_space<hbm>> -> memref<1x512x32xf32, #tpu.memory_space<hbm>>
    %dma_wait3A_1260 = tpu.memref_squeeze %dma_wait3A_1259 : memref<1x512x32xf32, #tpu.memory_space<hbm>> -> memref<512x32xf32, #tpu.memory_space<hbm>>
    %dma_wait3A_1261 = arith.constant 0 : i32
    %dma_wait3A_1262 = arith.constant 0 : i32
    %dma_wait3A_1263 = tpu.memref_slice %arg6[%dma_wait3A_1252, %dma_wait3A_1261, %dma_wait3A_1262] : memref<6x512x32xf32, #tpu.memory_space<vmem>> -> memref<1x512x32xf32, #tpu.memory_space<vmem>>
    %dma_wait3A_1264 = tpu.memref_squeeze %dma_wait3A_1263 : memref<1x512x32xf32, #tpu.memory_space<vmem>> -> memref<512x32xf32, #tpu.memory_space<vmem>>
    tpu.wait_dma2 semaphore(%arg13 : memref<!tpu.dma_semaphore, #tpu.memory_space<semaphore_mem>>) src(%dma_wait3A_1264 : memref<512x32xf32, #tpu.memory_space<vmem>>) dst(%dma_wait3A_1260 : memref<512x32xf32, #tpu.memory_space<hbm>>)
    %dma_start3A_1265 = arith.constant 0 : i32
    %dma_start3A_1266 = arith.constant 0 : i32
    %dma_start3A_1267 = arith.constant 0 : i32
    %dma_start3A_1268 = tpu.memref_slice %arg6[%dma_start3A_1265, %dma_start3A_1266, %dma_start3A_1267] : memref<6x512x32xf32, #tpu.memory_space<vmem>> -> memref<1x512x32xf32, #tpu.memory_space<vmem>>
    %dma_start3A_1269 = tpu.memref_squeeze %dma_start3A_1268 : memref<1x512x32xf32, #tpu.memory_space<vmem>> -> memref<512x32xf32, #tpu.memory_space<vmem>>
    %dma_start3A_1270 = arith.constant 12288 : i32
    %dma_start3A_1271 = tpu.memref_slice %arg5[%dma_start3A_1270] : memref<13312xi32, #tpu.memory_space<vmem>> -> memref<512xi32, #tpu.memory_space<vmem>>
    %dma_start3A_1272 = arith.constant 0 : i32
    %dma_start3A_1273 = arith.constant 0 : i32
    %dma_start3A_1274 = tpu.memref_slice %arg3[%dma_start3A_1272, %dma_start3A_1273] : memref<1048576x32xf32, #tpu.memory_space<hbm>> -> memref<1048576x32xf32, #tpu.memory_space<hbm>>
    tpu.enqueue_indirect_dma source(%dma_start3A_1274 : memref<1048576x32xf32, #tpu.memory_space<hbm>>) target(%dma_start3A_1269 : memref<512x32xf32, #tpu.memory_space<vmem>>) offsets(%dma_start3A_1271 : memref<512xi32, #tpu.memory_space<vmem>>) semaphore(%arg7 : memref<!tpu.dma_semaphore, #tpu.memory_space<semaphore_mem>>)
    %dma_wait3A_1275 = arith.constant 1 : i32
    %dma_wait3A_1276 = arith.constant 0 : i32
    %dma_wait3A_1277 = arith.constant 0 : i32
    %dma_wait3A_1278 = tpu.memref_slice %arg6[%dma_wait3A_1275, %dma_wait3A_1276, %dma_wait3A_1277] : memref<6x512x32xf32, #tpu.memory_space<vmem>> -> memref<1x512x32xf32, #tpu.memory_space<vmem>>
    %dma_wait3A_1279 = tpu.memref_squeeze %dma_wait3A_1278 : memref<1x512x32xf32, #tpu.memory_space<vmem>> -> memref<512x32xf32, #tpu.memory_space<vmem>>
    %dma_wait3A_1280 = arith.constant 9728 : i32
    %dma_wait3A_1281 = tpu.memref_slice %arg5[%dma_wait3A_1280] : memref<13312xi32, #tpu.memory_space<vmem>> -> memref<512xi32, #tpu.memory_space<vmem>>
    %dma_wait3A_1282 = arith.constant 0 : i32
    %dma_wait3A_1283 = arith.constant 0 : i32
    %dma_wait3A_1284 = tpu.memref_slice %arg3[%dma_wait3A_1282, %dma_wait3A_1283] : memref<1048576x32xf32, #tpu.memory_space<hbm>> -> memref<1048576x32xf32, #tpu.memory_space<hbm>>
    tpu.wait_indirect_dma semaphore(%arg8 : memref<!tpu.dma_semaphore, #tpu.memory_space<semaphore_mem>>) src(%dma_wait3A_1284 : memref<1048576x32xf32, #tpu.memory_space<hbm>>) dst(%dma_wait3A_1279 : memref<512x32xf32, #tpu.memory_space<vmem>>)
    %mul3A_1285 = arith.constant 26 : i32
    %mul3A_1286 = arith.muli %add3A, %mul3A_1285 : i32
    %add3A_1287 = arith.constant 19 : i32
    %add3A_1288 = arith.addi %mul3A_1286, %add3A_1287 : i32
    %shift_right_arithmetic3A_1289 = arith.constant 5 : i32
    %shift_right_arithmetic3A_1290 = arith.shrsi %add3A_1288, %shift_right_arithmetic3A_1289 : i32
    %shift_right_arithmetic3A_1291 = arith.constant 3 : i32
    %shift_right_arithmetic3A_1292 = arith.shrsi %add3A_1288, %shift_right_arithmetic3A_1291 : i32
    %and3A_1293 = arith.constant 3 : i32
    %and3A_1294 = arith.andi %shift_right_arithmetic3A_1292, %and3A_1293 : i32
    %and3A_1295 = arith.constant 7 : i32
    %and3A_1296 = arith.andi %add3A_1288, %and3A_1295 : i32
    %mul3A_1297 = arith.constant 512 : i32
    %mul3A_1298 = arith.muli %and3A_1296, %mul3A_1297 : i32
    %multiple_of3A_1299 = tpu.assume_multiple %mul3A_1298, 8 : i32
    %mul3A_1300 = arith.constant 32 : i32
    %mul3A_1301 = arith.muli %and3A_1294, %mul3A_1300 : i32
    %multiple_of3A_1302 = tpu.assume_multiple %mul3A_1301, 8 : i32
    %dma_start3A_1303 = arith.constant 1 : i32
    %dma_start3A_1304 = arith.constant 0 : i32
    %dma_start3A_1305 = arith.constant 0 : i32
    %dma_start3A_1306 = tpu.memref_slice %arg6[%dma_start3A_1303, %dma_start3A_1304, %dma_start3A_1305] : memref<6x512x32xf32, #tpu.memory_space<vmem>> -> memref<1x512x32xf32, #tpu.memory_space<vmem>>
    %dma_start3A_1307 = tpu.memref_squeeze %dma_start3A_1306 : memref<1x512x32xf32, #tpu.memory_space<vmem>> -> memref<512x32xf32, #tpu.memory_space<vmem>>
    %dma_start3A_1308 = tpu.memref_slice %arg4[%shift_right_arithmetic3A_1290, %multiple_of3A_1299, %multiple_of3A_1302] : memref<26x4096x128xf32, #tpu.memory_space<hbm>> -> memref<1x512x32xf32, #tpu.memory_space<hbm>>
    %dma_start3A_1309 = tpu.memref_squeeze %dma_start3A_1308 : memref<1x512x32xf32, #tpu.memory_space<hbm>> -> memref<512x32xf32, #tpu.memory_space<hbm>>
    %dma_start3A_1310 = tpu.memref_slice %arg4[%shift_right_arithmetic3A_1290, %multiple_of3A_1299, %multiple_of3A_1302] : memref<26x4096x128xf32, #tpu.memory_space<hbm>> -> memref<1x512x32xf32, #tpu.memory_space<hbm>>
    %dma_start3A_1311 = tpu.memref_squeeze %dma_start3A_1310 : memref<1x512x32xf32, #tpu.memory_space<hbm>> -> memref<512x32xf32, #tpu.memory_space<hbm>>
    %dma_start3A_1312 = arith.constant 0 : i32
    %dma_start3A_1313 = arith.constant 0 : i32
    %dma_start3A_1314 = tpu.memref_slice %arg6[%dma_start3A_1303, %dma_start3A_1312, %dma_start3A_1313] : memref<6x512x32xf32, #tpu.memory_space<vmem>> -> memref<1x512x32xf32, #tpu.memory_space<vmem>>
    %dma_start3A_1315 = tpu.memref_squeeze %dma_start3A_1314 : memref<1x512x32xf32, #tpu.memory_space<vmem>> -> memref<512x32xf32, #tpu.memory_space<vmem>>
    tpu.enqueue_dma source(%dma_start3A_1315 : memref<512x32xf32, #tpu.memory_space<vmem>>) target(%dma_start3A_1311 : memref<512x32xf32, #tpu.memory_space<hbm>>) target_semaphore(%arg14 : memref<!tpu.dma_semaphore, #tpu.memory_space<semaphore_mem>>)
    %dma_wait3A_1316 = arith.constant 1 : i32
    %dma_wait3A_1317 = arith.constant 0 : i32
    %dma_wait3A_1318 = arith.constant 0 : i32
    %dma_wait3A_1319 = tpu.memref_slice %arg6[%dma_wait3A_1316, %dma_wait3A_1317, %dma_wait3A_1318] : memref<6x512x32xf32, #tpu.memory_space<vmem>> -> memref<1x512x32xf32, #tpu.memory_space<vmem>>
    %dma_wait3A_1320 = tpu.memref_squeeze %dma_wait3A_1319 : memref<1x512x32xf32, #tpu.memory_space<vmem>> -> memref<512x32xf32, #tpu.memory_space<vmem>>
    %dma_wait3A_1321 = tpu.memref_slice %arg4[%shift_right_arithmetic3A_1290, %multiple_of3A_1299, %multiple_of3A_1302] : memref<26x4096x128xf32, #tpu.memory_space<hbm>> -> memref<1x512x32xf32, #tpu.memory_space<hbm>>
    %dma_wait3A_1322 = tpu.memref_squeeze %dma_wait3A_1321 : memref<1x512x32xf32, #tpu.memory_space<hbm>> -> memref<512x32xf32, #tpu.memory_space<hbm>>
    %dma_wait3A_1323 = tpu.memref_slice %arg4[%shift_right_arithmetic3A_1290, %multiple_of3A_1299, %multiple_of3A_1302] : memref<26x4096x128xf32, #tpu.memory_space<hbm>> -> memref<1x512x32xf32, #tpu.memory_space<hbm>>
    %dma_wait3A_1324 = tpu.memref_squeeze %dma_wait3A_1323 : memref<1x512x32xf32, #tpu.memory_space<hbm>> -> memref<512x32xf32, #tpu.memory_space<hbm>>
    %dma_wait3A_1325 = arith.constant 0 : i32
    %dma_wait3A_1326 = arith.constant 0 : i32
    %dma_wait3A_1327 = tpu.memref_slice %arg6[%dma_wait3A_1316, %dma_wait3A_1325, %dma_wait3A_1326] : memref<6x512x32xf32, #tpu.memory_space<vmem>> -> memref<1x512x32xf32, #tpu.memory_space<vmem>>
    %dma_wait3A_1328 = tpu.memref_squeeze %dma_wait3A_1327 : memref<1x512x32xf32, #tpu.memory_space<vmem>> -> memref<512x32xf32, #tpu.memory_space<vmem>>
    tpu.wait_dma2 semaphore(%arg14 : memref<!tpu.dma_semaphore, #tpu.memory_space<semaphore_mem>>) src(%dma_wait3A_1328 : memref<512x32xf32, #tpu.memory_space<vmem>>) dst(%dma_wait3A_1324 : memref<512x32xf32, #tpu.memory_space<hbm>>)
    %dma_start3A_1329 = arith.constant 1 : i32
    %dma_start3A_1330 = arith.constant 0 : i32
    %dma_start3A_1331 = arith.constant 0 : i32
    %dma_start3A_1332 = tpu.memref_slice %arg6[%dma_start3A_1329, %dma_start3A_1330, %dma_start3A_1331] : memref<6x512x32xf32, #tpu.memory_space<vmem>> -> memref<1x512x32xf32, #tpu.memory_space<vmem>>
    %dma_start3A_1333 = tpu.memref_squeeze %dma_start3A_1332 : memref<1x512x32xf32, #tpu.memory_space<vmem>> -> memref<512x32xf32, #tpu.memory_space<vmem>>
    %dma_start3A_1334 = arith.constant 12800 : i32
    %dma_start3A_1335 = tpu.memref_slice %arg5[%dma_start3A_1334] : memref<13312xi32, #tpu.memory_space<vmem>> -> memref<512xi32, #tpu.memory_space<vmem>>
    %dma_start3A_1336 = arith.constant 0 : i32
    %dma_start3A_1337 = arith.constant 0 : i32
    %dma_start3A_1338 = tpu.memref_slice %arg3[%dma_start3A_1336, %dma_start3A_1337] : memref<1048576x32xf32, #tpu.memory_space<hbm>> -> memref<1048576x32xf32, #tpu.memory_space<hbm>>
    tpu.enqueue_indirect_dma source(%dma_start3A_1338 : memref<1048576x32xf32, #tpu.memory_space<hbm>>) target(%dma_start3A_1333 : memref<512x32xf32, #tpu.memory_space<vmem>>) offsets(%dma_start3A_1335 : memref<512xi32, #tpu.memory_space<vmem>>) semaphore(%arg8 : memref<!tpu.dma_semaphore, #tpu.memory_space<semaphore_mem>>)
    %dma_wait3A_1339 = arith.constant 2 : i32
    %dma_wait3A_1340 = arith.constant 0 : i32
    %dma_wait3A_1341 = arith.constant 0 : i32
    %dma_wait3A_1342 = tpu.memref_slice %arg6[%dma_wait3A_1339, %dma_wait3A_1340, %dma_wait3A_1341] : memref<6x512x32xf32, #tpu.memory_space<vmem>> -> memref<1x512x32xf32, #tpu.memory_space<vmem>>
    %dma_wait3A_1343 = tpu.memref_squeeze %dma_wait3A_1342 : memref<1x512x32xf32, #tpu.memory_space<vmem>> -> memref<512x32xf32, #tpu.memory_space<vmem>>
    %dma_wait3A_1344 = arith.constant 10240 : i32
    %dma_wait3A_1345 = tpu.memref_slice %arg5[%dma_wait3A_1344] : memref<13312xi32, #tpu.memory_space<vmem>> -> memref<512xi32, #tpu.memory_space<vmem>>
    %dma_wait3A_1346 = arith.constant 0 : i32
    %dma_wait3A_1347 = arith.constant 0 : i32
    %dma_wait3A_1348 = tpu.memref_slice %arg3[%dma_wait3A_1346, %dma_wait3A_1347] : memref<1048576x32xf32, #tpu.memory_space<hbm>> -> memref<1048576x32xf32, #tpu.memory_space<hbm>>
    tpu.wait_indirect_dma semaphore(%arg9 : memref<!tpu.dma_semaphore, #tpu.memory_space<semaphore_mem>>) src(%dma_wait3A_1348 : memref<1048576x32xf32, #tpu.memory_space<hbm>>) dst(%dma_wait3A_1343 : memref<512x32xf32, #tpu.memory_space<vmem>>)
    %mul3A_1349 = arith.constant 26 : i32
    %mul3A_1350 = arith.muli %add3A, %mul3A_1349 : i32
    %add3A_1351 = arith.constant 20 : i32
    %add3A_1352 = arith.addi %mul3A_1350, %add3A_1351 : i32
    %shift_right_arithmetic3A_1353 = arith.constant 5 : i32
    %shift_right_arithmetic3A_1354 = arith.shrsi %add3A_1352, %shift_right_arithmetic3A_1353 : i32
    %shift_right_arithmetic3A_1355 = arith.constant 3 : i32
    %shift_right_arithmetic3A_1356 = arith.shrsi %add3A_1352, %shift_right_arithmetic3A_1355 : i32
    %and3A_1357 = arith.constant 3 : i32
    %and3A_1358 = arith.andi %shift_right_arithmetic3A_1356, %and3A_1357 : i32
    %and3A_1359 = arith.constant 7 : i32
    %and3A_1360 = arith.andi %add3A_1352, %and3A_1359 : i32
    %mul3A_1361 = arith.constant 512 : i32
    %mul3A_1362 = arith.muli %and3A_1360, %mul3A_1361 : i32
    %multiple_of3A_1363 = tpu.assume_multiple %mul3A_1362, 8 : i32
    %mul3A_1364 = arith.constant 32 : i32
    %mul3A_1365 = arith.muli %and3A_1358, %mul3A_1364 : i32
    %multiple_of3A_1366 = tpu.assume_multiple %mul3A_1365, 8 : i32
    %dma_start3A_1367 = arith.constant 2 : i32
    %dma_start3A_1368 = arith.constant 0 : i32
    %dma_start3A_1369 = arith.constant 0 : i32
    %dma_start3A_1370 = tpu.memref_slice %arg6[%dma_start3A_1367, %dma_start3A_1368, %dma_start3A_1369] : memref<6x512x32xf32, #tpu.memory_space<vmem>> -> memref<1x512x32xf32, #tpu.memory_space<vmem>>
    %dma_start3A_1371 = tpu.memref_squeeze %dma_start3A_1370 : memref<1x512x32xf32, #tpu.memory_space<vmem>> -> memref<512x32xf32, #tpu.memory_space<vmem>>
    %dma_start3A_1372 = tpu.memref_slice %arg4[%shift_right_arithmetic3A_1354, %multiple_of3A_1363, %multiple_of3A_1366] : memref<26x4096x128xf32, #tpu.memory_space<hbm>> -> memref<1x512x32xf32, #tpu.memory_space<hbm>>
    %dma_start3A_1373 = tpu.memref_squeeze %dma_start3A_1372 : memref<1x512x32xf32, #tpu.memory_space<hbm>> -> memref<512x32xf32, #tpu.memory_space<hbm>>
    %dma_start3A_1374 = tpu.memref_slice %arg4[%shift_right_arithmetic3A_1354, %multiple_of3A_1363, %multiple_of3A_1366] : memref<26x4096x128xf32, #tpu.memory_space<hbm>> -> memref<1x512x32xf32, #tpu.memory_space<hbm>>
    %dma_start3A_1375 = tpu.memref_squeeze %dma_start3A_1374 : memref<1x512x32xf32, #tpu.memory_space<hbm>> -> memref<512x32xf32, #tpu.memory_space<hbm>>
    %dma_start3A_1376 = arith.constant 0 : i32
    %dma_start3A_1377 = arith.constant 0 : i32
    %dma_start3A_1378 = tpu.memref_slice %arg6[%dma_start3A_1367, %dma_start3A_1376, %dma_start3A_1377] : memref<6x512x32xf32, #tpu.memory_space<vmem>> -> memref<1x512x32xf32, #tpu.memory_space<vmem>>
    %dma_start3A_1379 = tpu.memref_squeeze %dma_start3A_1378 : memref<1x512x32xf32, #tpu.memory_space<vmem>> -> memref<512x32xf32, #tpu.memory_space<vmem>>
    tpu.enqueue_dma source(%dma_start3A_1379 : memref<512x32xf32, #tpu.memory_space<vmem>>) target(%dma_start3A_1375 : memref<512x32xf32, #tpu.memory_space<hbm>>) target_semaphore(%arg15 : memref<!tpu.dma_semaphore, #tpu.memory_space<semaphore_mem>>)
    %dma_wait3A_1380 = arith.constant 3 : i32
    %dma_wait3A_1381 = arith.constant 0 : i32
    %dma_wait3A_1382 = arith.constant 0 : i32
    %dma_wait3A_1383 = tpu.memref_slice %arg6[%dma_wait3A_1380, %dma_wait3A_1381, %dma_wait3A_1382] : memref<6x512x32xf32, #tpu.memory_space<vmem>> -> memref<1x512x32xf32, #tpu.memory_space<vmem>>
    %dma_wait3A_1384 = tpu.memref_squeeze %dma_wait3A_1383 : memref<1x512x32xf32, #tpu.memory_space<vmem>> -> memref<512x32xf32, #tpu.memory_space<vmem>>
    %dma_wait3A_1385 = arith.constant 10752 : i32
    %dma_wait3A_1386 = tpu.memref_slice %arg5[%dma_wait3A_1385] : memref<13312xi32, #tpu.memory_space<vmem>> -> memref<512xi32, #tpu.memory_space<vmem>>
    %dma_wait3A_1387 = arith.constant 0 : i32
    %dma_wait3A_1388 = arith.constant 0 : i32
    %dma_wait3A_1389 = tpu.memref_slice %arg3[%dma_wait3A_1387, %dma_wait3A_1388] : memref<1048576x32xf32, #tpu.memory_space<hbm>> -> memref<1048576x32xf32, #tpu.memory_space<hbm>>
    tpu.wait_indirect_dma semaphore(%arg10 : memref<!tpu.dma_semaphore, #tpu.memory_space<semaphore_mem>>) src(%dma_wait3A_1389 : memref<1048576x32xf32, #tpu.memory_space<hbm>>) dst(%dma_wait3A_1384 : memref<512x32xf32, #tpu.memory_space<vmem>>)
    %mul3A_1390 = arith.constant 26 : i32
    %mul3A_1391 = arith.muli %add3A, %mul3A_1390 : i32
    %add3A_1392 = arith.constant 21 : i32
    %add3A_1393 = arith.addi %mul3A_1391, %add3A_1392 : i32
    %shift_right_arithmetic3A_1394 = arith.constant 5 : i32
    %shift_right_arithmetic3A_1395 = arith.shrsi %add3A_1393, %shift_right_arithmetic3A_1394 : i32
    %shift_right_arithmetic3A_1396 = arith.constant 3 : i32
    %shift_right_arithmetic3A_1397 = arith.shrsi %add3A_1393, %shift_right_arithmetic3A_1396 : i32
    %and3A_1398 = arith.constant 3 : i32
    %and3A_1399 = arith.andi %shift_right_arithmetic3A_1397, %and3A_1398 : i32
    %and3A_1400 = arith.constant 7 : i32
    %and3A_1401 = arith.andi %add3A_1393, %and3A_1400 : i32
    %mul3A_1402 = arith.constant 512 : i32
    %mul3A_1403 = arith.muli %and3A_1401, %mul3A_1402 : i32
    %multiple_of3A_1404 = tpu.assume_multiple %mul3A_1403, 8 : i32
    %mul3A_1405 = arith.constant 32 : i32
    %mul3A_1406 = arith.muli %and3A_1399, %mul3A_1405 : i32
    %multiple_of3A_1407 = tpu.assume_multiple %mul3A_1406, 8 : i32
    %dma_start3A_1408 = arith.constant 3 : i32
    %dma_start3A_1409 = arith.constant 0 : i32
    %dma_start3A_1410 = arith.constant 0 : i32
    %dma_start3A_1411 = tpu.memref_slice %arg6[%dma_start3A_1408, %dma_start3A_1409, %dma_start3A_1410] : memref<6x512x32xf32, #tpu.memory_space<vmem>> -> memref<1x512x32xf32, #tpu.memory_space<vmem>>
    %dma_start3A_1412 = tpu.memref_squeeze %dma_start3A_1411 : memref<1x512x32xf32, #tpu.memory_space<vmem>> -> memref<512x32xf32, #tpu.memory_space<vmem>>
    %dma_start3A_1413 = tpu.memref_slice %arg4[%shift_right_arithmetic3A_1395, %multiple_of3A_1404, %multiple_of3A_1407] : memref<26x4096x128xf32, #tpu.memory_space<hbm>> -> memref<1x512x32xf32, #tpu.memory_space<hbm>>
    %dma_start3A_1414 = tpu.memref_squeeze %dma_start3A_1413 : memref<1x512x32xf32, #tpu.memory_space<hbm>> -> memref<512x32xf32, #tpu.memory_space<hbm>>
    %dma_start3A_1415 = tpu.memref_slice %arg4[%shift_right_arithmetic3A_1395, %multiple_of3A_1404, %multiple_of3A_1407] : memref<26x4096x128xf32, #tpu.memory_space<hbm>> -> memref<1x512x32xf32, #tpu.memory_space<hbm>>
    %dma_start3A_1416 = tpu.memref_squeeze %dma_start3A_1415 : memref<1x512x32xf32, #tpu.memory_space<hbm>> -> memref<512x32xf32, #tpu.memory_space<hbm>>
    %dma_start3A_1417 = arith.constant 0 : i32
    %dma_start3A_1418 = arith.constant 0 : i32
    %dma_start3A_1419 = tpu.memref_slice %arg6[%dma_start3A_1408, %dma_start3A_1417, %dma_start3A_1418] : memref<6x512x32xf32, #tpu.memory_space<vmem>> -> memref<1x512x32xf32, #tpu.memory_space<vmem>>
    %dma_start3A_1420 = tpu.memref_squeeze %dma_start3A_1419 : memref<1x512x32xf32, #tpu.memory_space<vmem>> -> memref<512x32xf32, #tpu.memory_space<vmem>>
    tpu.enqueue_dma source(%dma_start3A_1420 : memref<512x32xf32, #tpu.memory_space<vmem>>) target(%dma_start3A_1416 : memref<512x32xf32, #tpu.memory_space<hbm>>) target_semaphore(%arg16 : memref<!tpu.dma_semaphore, #tpu.memory_space<semaphore_mem>>)
    %dma_wait3A_1421 = arith.constant 4 : i32
    %dma_wait3A_1422 = arith.constant 0 : i32
    %dma_wait3A_1423 = arith.constant 0 : i32
    %dma_wait3A_1424 = tpu.memref_slice %arg6[%dma_wait3A_1421, %dma_wait3A_1422, %dma_wait3A_1423] : memref<6x512x32xf32, #tpu.memory_space<vmem>> -> memref<1x512x32xf32, #tpu.memory_space<vmem>>
    %dma_wait3A_1425 = tpu.memref_squeeze %dma_wait3A_1424 : memref<1x512x32xf32, #tpu.memory_space<vmem>> -> memref<512x32xf32, #tpu.memory_space<vmem>>
    %dma_wait3A_1426 = arith.constant 11264 : i32
    %dma_wait3A_1427 = tpu.memref_slice %arg5[%dma_wait3A_1426] : memref<13312xi32, #tpu.memory_space<vmem>> -> memref<512xi32, #tpu.memory_space<vmem>>
    %dma_wait3A_1428 = arith.constant 0 : i32
    %dma_wait3A_1429 = arith.constant 0 : i32
    %dma_wait3A_1430 = tpu.memref_slice %arg3[%dma_wait3A_1428, %dma_wait3A_1429] : memref<1048576x32xf32, #tpu.memory_space<hbm>> -> memref<1048576x32xf32, #tpu.memory_space<hbm>>
    tpu.wait_indirect_dma semaphore(%arg11 : memref<!tpu.dma_semaphore, #tpu.memory_space<semaphore_mem>>) src(%dma_wait3A_1430 : memref<1048576x32xf32, #tpu.memory_space<hbm>>) dst(%dma_wait3A_1425 : memref<512x32xf32, #tpu.memory_space<vmem>>)
    %mul3A_1431 = arith.constant 26 : i32
    %mul3A_1432 = arith.muli %add3A, %mul3A_1431 : i32
    %add3A_1433 = arith.constant 22 : i32
    %add3A_1434 = arith.addi %mul3A_1432, %add3A_1433 : i32
    %shift_right_arithmetic3A_1435 = arith.constant 5 : i32
    %shift_right_arithmetic3A_1436 = arith.shrsi %add3A_1434, %shift_right_arithmetic3A_1435 : i32
    %shift_right_arithmetic3A_1437 = arith.constant 3 : i32
    %shift_right_arithmetic3A_1438 = arith.shrsi %add3A_1434, %shift_right_arithmetic3A_1437 : i32
    %and3A_1439 = arith.constant 3 : i32
    %and3A_1440 = arith.andi %shift_right_arithmetic3A_1438, %and3A_1439 : i32
    %and3A_1441 = arith.constant 7 : i32
    %and3A_1442 = arith.andi %add3A_1434, %and3A_1441 : i32
    %mul3A_1443 = arith.constant 512 : i32
    %mul3A_1444 = arith.muli %and3A_1442, %mul3A_1443 : i32
    %multiple_of3A_1445 = tpu.assume_multiple %mul3A_1444, 8 : i32
    %mul3A_1446 = arith.constant 32 : i32
    %mul3A_1447 = arith.muli %and3A_1440, %mul3A_1446 : i32
    %multiple_of3A_1448 = tpu.assume_multiple %mul3A_1447, 8 : i32
    %dma_start3A_1449 = arith.constant 4 : i32
    %dma_start3A_1450 = arith.constant 0 : i32
    %dma_start3A_1451 = arith.constant 0 : i32
    %dma_start3A_1452 = tpu.memref_slice %arg6[%dma_start3A_1449, %dma_start3A_1450, %dma_start3A_1451] : memref<6x512x32xf32, #tpu.memory_space<vmem>> -> memref<1x512x32xf32, #tpu.memory_space<vmem>>
    %dma_start3A_1453 = tpu.memref_squeeze %dma_start3A_1452 : memref<1x512x32xf32, #tpu.memory_space<vmem>> -> memref<512x32xf32, #tpu.memory_space<vmem>>
    %dma_start3A_1454 = tpu.memref_slice %arg4[%shift_right_arithmetic3A_1436, %multiple_of3A_1445, %multiple_of3A_1448] : memref<26x4096x128xf32, #tpu.memory_space<hbm>> -> memref<1x512x32xf32, #tpu.memory_space<hbm>>
    %dma_start3A_1455 = tpu.memref_squeeze %dma_start3A_1454 : memref<1x512x32xf32, #tpu.memory_space<hbm>> -> memref<512x32xf32, #tpu.memory_space<hbm>>
    %dma_start3A_1456 = tpu.memref_slice %arg4[%shift_right_arithmetic3A_1436, %multiple_of3A_1445, %multiple_of3A_1448] : memref<26x4096x128xf32, #tpu.memory_space<hbm>> -> memref<1x512x32xf32, #tpu.memory_space<hbm>>
    %dma_start3A_1457 = tpu.memref_squeeze %dma_start3A_1456 : memref<1x512x32xf32, #tpu.memory_space<hbm>> -> memref<512x32xf32, #tpu.memory_space<hbm>>
    %dma_start3A_1458 = arith.constant 0 : i32
    %dma_start3A_1459 = arith.constant 0 : i32
    %dma_start3A_1460 = tpu.memref_slice %arg6[%dma_start3A_1449, %dma_start3A_1458, %dma_start3A_1459] : memref<6x512x32xf32, #tpu.memory_space<vmem>> -> memref<1x512x32xf32, #tpu.memory_space<vmem>>
    %dma_start3A_1461 = tpu.memref_squeeze %dma_start3A_1460 : memref<1x512x32xf32, #tpu.memory_space<vmem>> -> memref<512x32xf32, #tpu.memory_space<vmem>>
    tpu.enqueue_dma source(%dma_start3A_1461 : memref<512x32xf32, #tpu.memory_space<vmem>>) target(%dma_start3A_1457 : memref<512x32xf32, #tpu.memory_space<hbm>>) target_semaphore(%arg17 : memref<!tpu.dma_semaphore, #tpu.memory_space<semaphore_mem>>)
    %dma_wait3A_1462 = arith.constant 5 : i32
    %dma_wait3A_1463 = arith.constant 0 : i32
    %dma_wait3A_1464 = arith.constant 0 : i32
    %dma_wait3A_1465 = tpu.memref_slice %arg6[%dma_wait3A_1462, %dma_wait3A_1463, %dma_wait3A_1464] : memref<6x512x32xf32, #tpu.memory_space<vmem>> -> memref<1x512x32xf32, #tpu.memory_space<vmem>>
    %dma_wait3A_1466 = tpu.memref_squeeze %dma_wait3A_1465 : memref<1x512x32xf32, #tpu.memory_space<vmem>> -> memref<512x32xf32, #tpu.memory_space<vmem>>
    %dma_wait3A_1467 = arith.constant 11776 : i32
    %dma_wait3A_1468 = tpu.memref_slice %arg5[%dma_wait3A_1467] : memref<13312xi32, #tpu.memory_space<vmem>> -> memref<512xi32, #tpu.memory_space<vmem>>
    %dma_wait3A_1469 = arith.constant 0 : i32
    %dma_wait3A_1470 = arith.constant 0 : i32
    %dma_wait3A_1471 = tpu.memref_slice %arg3[%dma_wait3A_1469, %dma_wait3A_1470] : memref<1048576x32xf32, #tpu.memory_space<hbm>> -> memref<1048576x32xf32, #tpu.memory_space<hbm>>
    tpu.wait_indirect_dma semaphore(%arg12 : memref<!tpu.dma_semaphore, #tpu.memory_space<semaphore_mem>>) src(%dma_wait3A_1471 : memref<1048576x32xf32, #tpu.memory_space<hbm>>) dst(%dma_wait3A_1466 : memref<512x32xf32, #tpu.memory_space<vmem>>)
    %mul3A_1472 = arith.constant 26 : i32
    %mul3A_1473 = arith.muli %add3A, %mul3A_1472 : i32
    %add3A_1474 = arith.constant 23 : i32
    %add3A_1475 = arith.addi %mul3A_1473, %add3A_1474 : i32
    %shift_right_arithmetic3A_1476 = arith.constant 5 : i32
    %shift_right_arithmetic3A_1477 = arith.shrsi %add3A_1475, %shift_right_arithmetic3A_1476 : i32
    %shift_right_arithmetic3A_1478 = arith.constant 3 : i32
    %shift_right_arithmetic3A_1479 = arith.shrsi %add3A_1475, %shift_right_arithmetic3A_1478 : i32
    %and3A_1480 = arith.constant 3 : i32
    %and3A_1481 = arith.andi %shift_right_arithmetic3A_1479, %and3A_1480 : i32
    %and3A_1482 = arith.constant 7 : i32
    %and3A_1483 = arith.andi %add3A_1475, %and3A_1482 : i32
    %mul3A_1484 = arith.constant 512 : i32
    %mul3A_1485 = arith.muli %and3A_1483, %mul3A_1484 : i32
    %multiple_of3A_1486 = tpu.assume_multiple %mul3A_1485, 8 : i32
    %mul3A_1487 = arith.constant 32 : i32
    %mul3A_1488 = arith.muli %and3A_1481, %mul3A_1487 : i32
    %multiple_of3A_1489 = tpu.assume_multiple %mul3A_1488, 8 : i32
    %dma_start3A_1490 = arith.constant 5 : i32
    %dma_start3A_1491 = arith.constant 0 : i32
    %dma_start3A_1492 = arith.constant 0 : i32
    %dma_start3A_1493 = tpu.memref_slice %arg6[%dma_start3A_1490, %dma_start3A_1491, %dma_start3A_1492] : memref<6x512x32xf32, #tpu.memory_space<vmem>> -> memref<1x512x32xf32, #tpu.memory_space<vmem>>
    %dma_start3A_1494 = tpu.memref_squeeze %dma_start3A_1493 : memref<1x512x32xf32, #tpu.memory_space<vmem>> -> memref<512x32xf32, #tpu.memory_space<vmem>>
    %dma_start3A_1495 = tpu.memref_slice %arg4[%shift_right_arithmetic3A_1477, %multiple_of3A_1486, %multiple_of3A_1489] : memref<26x4096x128xf32, #tpu.memory_space<hbm>> -> memref<1x512x32xf32, #tpu.memory_space<hbm>>
    %dma_start3A_1496 = tpu.memref_squeeze %dma_start3A_1495 : memref<1x512x32xf32, #tpu.memory_space<hbm>> -> memref<512x32xf32, #tpu.memory_space<hbm>>
    %dma_start3A_1497 = tpu.memref_slice %arg4[%shift_right_arithmetic3A_1477, %multiple_of3A_1486, %multiple_of3A_1489] : memref<26x4096x128xf32, #tpu.memory_space<hbm>> -> memref<1x512x32xf32, #tpu.memory_space<hbm>>
    %dma_start3A_1498 = tpu.memref_squeeze %dma_start3A_1497 : memref<1x512x32xf32, #tpu.memory_space<hbm>> -> memref<512x32xf32, #tpu.memory_space<hbm>>
    %dma_start3A_1499 = arith.constant 0 : i32
    %dma_start3A_1500 = arith.constant 0 : i32
    %dma_start3A_1501 = tpu.memref_slice %arg6[%dma_start3A_1490, %dma_start3A_1499, %dma_start3A_1500] : memref<6x512x32xf32, #tpu.memory_space<vmem>> -> memref<1x512x32xf32, #tpu.memory_space<vmem>>
    %dma_start3A_1502 = tpu.memref_squeeze %dma_start3A_1501 : memref<1x512x32xf32, #tpu.memory_space<vmem>> -> memref<512x32xf32, #tpu.memory_space<vmem>>
    tpu.enqueue_dma source(%dma_start3A_1502 : memref<512x32xf32, #tpu.memory_space<vmem>>) target(%dma_start3A_1498 : memref<512x32xf32, #tpu.memory_space<hbm>>) target_semaphore(%arg18 : memref<!tpu.dma_semaphore, #tpu.memory_space<semaphore_mem>>)
    %dma_wait3A_1503 = arith.constant 0 : i32
    %dma_wait3A_1504 = arith.constant 0 : i32
    %dma_wait3A_1505 = arith.constant 0 : i32
    %dma_wait3A_1506 = tpu.memref_slice %arg6[%dma_wait3A_1503, %dma_wait3A_1504, %dma_wait3A_1505] : memref<6x512x32xf32, #tpu.memory_space<vmem>> -> memref<1x512x32xf32, #tpu.memory_space<vmem>>
    %dma_wait3A_1507 = tpu.memref_squeeze %dma_wait3A_1506 : memref<1x512x32xf32, #tpu.memory_space<vmem>> -> memref<512x32xf32, #tpu.memory_space<vmem>>
    %dma_wait3A_1508 = arith.constant 12288 : i32
    %dma_wait3A_1509 = tpu.memref_slice %arg5[%dma_wait3A_1508] : memref<13312xi32, #tpu.memory_space<vmem>> -> memref<512xi32, #tpu.memory_space<vmem>>
    %dma_wait3A_1510 = arith.constant 0 : i32
    %dma_wait3A_1511 = arith.constant 0 : i32
    %dma_wait3A_1512 = tpu.memref_slice %arg3[%dma_wait3A_1510, %dma_wait3A_1511] : memref<1048576x32xf32, #tpu.memory_space<hbm>> -> memref<1048576x32xf32, #tpu.memory_space<hbm>>
    tpu.wait_indirect_dma semaphore(%arg7 : memref<!tpu.dma_semaphore, #tpu.memory_space<semaphore_mem>>) src(%dma_wait3A_1512 : memref<1048576x32xf32, #tpu.memory_space<hbm>>) dst(%dma_wait3A_1507 : memref<512x32xf32, #tpu.memory_space<vmem>>)
    %mul3A_1513 = arith.constant 26 : i32
    %mul3A_1514 = arith.muli %add3A, %mul3A_1513 : i32
    %add3A_1515 = arith.constant 24 : i32
    %add3A_1516 = arith.addi %mul3A_1514, %add3A_1515 : i32
    %shift_right_arithmetic3A_1517 = arith.constant 5 : i32
    %shift_right_arithmetic3A_1518 = arith.shrsi %add3A_1516, %shift_right_arithmetic3A_1517 : i32
    %shift_right_arithmetic3A_1519 = arith.constant 3 : i32
    %shift_right_arithmetic3A_1520 = arith.shrsi %add3A_1516, %shift_right_arithmetic3A_1519 : i32
    %and3A_1521 = arith.constant 3 : i32
    %and3A_1522 = arith.andi %shift_right_arithmetic3A_1520, %and3A_1521 : i32
    %and3A_1523 = arith.constant 7 : i32
    %and3A_1524 = arith.andi %add3A_1516, %and3A_1523 : i32
    %mul3A_1525 = arith.constant 512 : i32
    %mul3A_1526 = arith.muli %and3A_1524, %mul3A_1525 : i32
    %multiple_of3A_1527 = tpu.assume_multiple %mul3A_1526, 8 : i32
    %mul3A_1528 = arith.constant 32 : i32
    %mul3A_1529 = arith.muli %and3A_1522, %mul3A_1528 : i32
    %multiple_of3A_1530 = tpu.assume_multiple %mul3A_1529, 8 : i32
    %dma_start3A_1531 = arith.constant 0 : i32
    %dma_start3A_1532 = arith.constant 0 : i32
    %dma_start3A_1533 = arith.constant 0 : i32
    %dma_start3A_1534 = tpu.memref_slice %arg6[%dma_start3A_1531, %dma_start3A_1532, %dma_start3A_1533] : memref<6x512x32xf32, #tpu.memory_space<vmem>> -> memref<1x512x32xf32, #tpu.memory_space<vmem>>
    %dma_start3A_1535 = tpu.memref_squeeze %dma_start3A_1534 : memref<1x512x32xf32, #tpu.memory_space<vmem>> -> memref<512x32xf32, #tpu.memory_space<vmem>>
    %dma_start3A_1536 = tpu.memref_slice %arg4[%shift_right_arithmetic3A_1518, %multiple_of3A_1527, %multiple_of3A_1530] : memref<26x4096x128xf32, #tpu.memory_space<hbm>> -> memref<1x512x32xf32, #tpu.memory_space<hbm>>
    %dma_start3A_1537 = tpu.memref_squeeze %dma_start3A_1536 : memref<1x512x32xf32, #tpu.memory_space<hbm>> -> memref<512x32xf32, #tpu.memory_space<hbm>>
    %dma_start3A_1538 = tpu.memref_slice %arg4[%shift_right_arithmetic3A_1518, %multiple_of3A_1527, %multiple_of3A_1530] : memref<26x4096x128xf32, #tpu.memory_space<hbm>> -> memref<1x512x32xf32, #tpu.memory_space<hbm>>
    %dma_start3A_1539 = tpu.memref_squeeze %dma_start3A_1538 : memref<1x512x32xf32, #tpu.memory_space<hbm>> -> memref<512x32xf32, #tpu.memory_space<hbm>>
    %dma_start3A_1540 = arith.constant 0 : i32
    %dma_start3A_1541 = arith.constant 0 : i32
    %dma_start3A_1542 = tpu.memref_slice %arg6[%dma_start3A_1531, %dma_start3A_1540, %dma_start3A_1541] : memref<6x512x32xf32, #tpu.memory_space<vmem>> -> memref<1x512x32xf32, #tpu.memory_space<vmem>>
    %dma_start3A_1543 = tpu.memref_squeeze %dma_start3A_1542 : memref<1x512x32xf32, #tpu.memory_space<vmem>> -> memref<512x32xf32, #tpu.memory_space<vmem>>
    tpu.enqueue_dma source(%dma_start3A_1543 : memref<512x32xf32, #tpu.memory_space<vmem>>) target(%dma_start3A_1539 : memref<512x32xf32, #tpu.memory_space<hbm>>) target_semaphore(%arg13 : memref<!tpu.dma_semaphore, #tpu.memory_space<semaphore_mem>>)
    %dma_wait3A_1544 = arith.constant 1 : i32
    %dma_wait3A_1545 = arith.constant 0 : i32
    %dma_wait3A_1546 = arith.constant 0 : i32
    %dma_wait3A_1547 = tpu.memref_slice %arg6[%dma_wait3A_1544, %dma_wait3A_1545, %dma_wait3A_1546] : memref<6x512x32xf32, #tpu.memory_space<vmem>> -> memref<1x512x32xf32, #tpu.memory_space<vmem>>
    %dma_wait3A_1548 = tpu.memref_squeeze %dma_wait3A_1547 : memref<1x512x32xf32, #tpu.memory_space<vmem>> -> memref<512x32xf32, #tpu.memory_space<vmem>>
    %dma_wait3A_1549 = arith.constant 12800 : i32
    %dma_wait3A_1550 = tpu.memref_slice %arg5[%dma_wait3A_1549] : memref<13312xi32, #tpu.memory_space<vmem>> -> memref<512xi32, #tpu.memory_space<vmem>>
    %dma_wait3A_1551 = arith.constant 0 : i32
    %dma_wait3A_1552 = arith.constant 0 : i32
    %dma_wait3A_1553 = tpu.memref_slice %arg3[%dma_wait3A_1551, %dma_wait3A_1552] : memref<1048576x32xf32, #tpu.memory_space<hbm>> -> memref<1048576x32xf32, #tpu.memory_space<hbm>>
    tpu.wait_indirect_dma semaphore(%arg8 : memref<!tpu.dma_semaphore, #tpu.memory_space<semaphore_mem>>) src(%dma_wait3A_1553 : memref<1048576x32xf32, #tpu.memory_space<hbm>>) dst(%dma_wait3A_1548 : memref<512x32xf32, #tpu.memory_space<vmem>>)
    %mul3A_1554 = arith.constant 26 : i32
    %mul3A_1555 = arith.muli %add3A, %mul3A_1554 : i32
    %add3A_1556 = arith.constant 25 : i32
    %add3A_1557 = arith.addi %mul3A_1555, %add3A_1556 : i32
    %shift_right_arithmetic3A_1558 = arith.constant 5 : i32
    %shift_right_arithmetic3A_1559 = arith.shrsi %add3A_1557, %shift_right_arithmetic3A_1558 : i32
    %shift_right_arithmetic3A_1560 = arith.constant 3 : i32
    %shift_right_arithmetic3A_1561 = arith.shrsi %add3A_1557, %shift_right_arithmetic3A_1560 : i32
    %and3A_1562 = arith.constant 3 : i32
    %and3A_1563 = arith.andi %shift_right_arithmetic3A_1561, %and3A_1562 : i32
    %and3A_1564 = arith.constant 7 : i32
    %and3A_1565 = arith.andi %add3A_1557, %and3A_1564 : i32
    %mul3A_1566 = arith.constant 512 : i32
    %mul3A_1567 = arith.muli %and3A_1565, %mul3A_1566 : i32
    %multiple_of3A_1568 = tpu.assume_multiple %mul3A_1567, 8 : i32
    %mul3A_1569 = arith.constant 32 : i32
    %mul3A_1570 = arith.muli %and3A_1563, %mul3A_1569 : i32
    %multiple_of3A_1571 = tpu.assume_multiple %mul3A_1570, 8 : i32
    %dma_start3A_1572 = arith.constant 1 : i32
    %dma_start3A_1573 = arith.constant 0 : i32
    %dma_start3A_1574 = arith.constant 0 : i32
    %dma_start3A_1575 = tpu.memref_slice %arg6[%dma_start3A_1572, %dma_start3A_1573, %dma_start3A_1574] : memref<6x512x32xf32, #tpu.memory_space<vmem>> -> memref<1x512x32xf32, #tpu.memory_space<vmem>>
    %dma_start3A_1576 = tpu.memref_squeeze %dma_start3A_1575 : memref<1x512x32xf32, #tpu.memory_space<vmem>> -> memref<512x32xf32, #tpu.memory_space<vmem>>
    %dma_start3A_1577 = tpu.memref_slice %arg4[%shift_right_arithmetic3A_1559, %multiple_of3A_1568, %multiple_of3A_1571] : memref<26x4096x128xf32, #tpu.memory_space<hbm>> -> memref<1x512x32xf32, #tpu.memory_space<hbm>>
    %dma_start3A_1578 = tpu.memref_squeeze %dma_start3A_1577 : memref<1x512x32xf32, #tpu.memory_space<hbm>> -> memref<512x32xf32, #tpu.memory_space<hbm>>
    %dma_start3A_1579 = tpu.memref_slice %arg4[%shift_right_arithmetic3A_1559, %multiple_of3A_1568, %multiple_of3A_1571] : memref<26x4096x128xf32, #tpu.memory_space<hbm>> -> memref<1x512x32xf32, #tpu.memory_space<hbm>>
    %dma_start3A_1580 = tpu.memref_squeeze %dma_start3A_1579 : memref<1x512x32xf32, #tpu.memory_space<hbm>> -> memref<512x32xf32, #tpu.memory_space<hbm>>
    %dma_start3A_1581 = arith.constant 0 : i32
    %dma_start3A_1582 = arith.constant 0 : i32
    %dma_start3A_1583 = tpu.memref_slice %arg6[%dma_start3A_1572, %dma_start3A_1581, %dma_start3A_1582] : memref<6x512x32xf32, #tpu.memory_space<vmem>> -> memref<1x512x32xf32, #tpu.memory_space<vmem>>
    %dma_start3A_1584 = tpu.memref_squeeze %dma_start3A_1583 : memref<1x512x32xf32, #tpu.memory_space<vmem>> -> memref<512x32xf32, #tpu.memory_space<vmem>>
    tpu.enqueue_dma source(%dma_start3A_1584 : memref<512x32xf32, #tpu.memory_space<vmem>>) target(%dma_start3A_1580 : memref<512x32xf32, #tpu.memory_space<hbm>>) target_semaphore(%arg14 : memref<!tpu.dma_semaphore, #tpu.memory_space<semaphore_mem>>)
    %dma_wait3A_1585 = arith.constant 2 : i32
    %dma_wait3A_1586 = arith.constant 0 : i32
    %dma_wait3A_1587 = arith.constant 0 : i32
    %dma_wait3A_1588 = tpu.memref_slice %arg6[%dma_wait3A_1585, %dma_wait3A_1586, %dma_wait3A_1587] : memref<6x512x32xf32, #tpu.memory_space<vmem>> -> memref<1x512x32xf32, #tpu.memory_space<vmem>>
    %dma_wait3A_1589 = tpu.memref_squeeze %dma_wait3A_1588 : memref<1x512x32xf32, #tpu.memory_space<vmem>> -> memref<512x32xf32, #tpu.memory_space<vmem>>
    %dma_wait3A_1590 = tpu.memref_slice %arg4[%shift_right_arithmetic3A_1354, %multiple_of3A_1363, %multiple_of3A_1366] : memref<26x4096x128xf32, #tpu.memory_space<hbm>> -> memref<1x512x32xf32, #tpu.memory_space<hbm>>
    %dma_wait3A_1591 = tpu.memref_squeeze %dma_wait3A_1590 : memref<1x512x32xf32, #tpu.memory_space<hbm>> -> memref<512x32xf32, #tpu.memory_space<hbm>>
    %dma_wait3A_1592 = tpu.memref_slice %arg4[%shift_right_arithmetic3A_1354, %multiple_of3A_1363, %multiple_of3A_1366] : memref<26x4096x128xf32, #tpu.memory_space<hbm>> -> memref<1x512x32xf32, #tpu.memory_space<hbm>>
    %dma_wait3A_1593 = tpu.memref_squeeze %dma_wait3A_1592 : memref<1x512x32xf32, #tpu.memory_space<hbm>> -> memref<512x32xf32, #tpu.memory_space<hbm>>
    %dma_wait3A_1594 = arith.constant 0 : i32
    %dma_wait3A_1595 = arith.constant 0 : i32
    %dma_wait3A_1596 = tpu.memref_slice %arg6[%dma_wait3A_1585, %dma_wait3A_1594, %dma_wait3A_1595] : memref<6x512x32xf32, #tpu.memory_space<vmem>> -> memref<1x512x32xf32, #tpu.memory_space<vmem>>
    %dma_wait3A_1597 = tpu.memref_squeeze %dma_wait3A_1596 : memref<1x512x32xf32, #tpu.memory_space<vmem>> -> memref<512x32xf32, #tpu.memory_space<vmem>>
    tpu.wait_dma2 semaphore(%arg15 : memref<!tpu.dma_semaphore, #tpu.memory_space<semaphore_mem>>) src(%dma_wait3A_1597 : memref<512x32xf32, #tpu.memory_space<vmem>>) dst(%dma_wait3A_1593 : memref<512x32xf32, #tpu.memory_space<hbm>>)
    %dma_wait3A_1598 = arith.constant 3 : i32
    %dma_wait3A_1599 = arith.constant 0 : i32
    %dma_wait3A_1600 = arith.constant 0 : i32
    %dma_wait3A_1601 = tpu.memref_slice %arg6[%dma_wait3A_1598, %dma_wait3A_1599, %dma_wait3A_1600] : memref<6x512x32xf32, #tpu.memory_space<vmem>> -> memref<1x512x32xf32, #tpu.memory_space<vmem>>
    %dma_wait3A_1602 = tpu.memref_squeeze %dma_wait3A_1601 : memref<1x512x32xf32, #tpu.memory_space<vmem>> -> memref<512x32xf32, #tpu.memory_space<vmem>>
    %dma_wait3A_1603 = tpu.memref_slice %arg4[%shift_right_arithmetic3A_1395, %multiple_of3A_1404, %multiple_of3A_1407] : memref<26x4096x128xf32, #tpu.memory_space<hbm>> -> memref<1x512x32xf32, #tpu.memory_space<hbm>>
    %dma_wait3A_1604 = tpu.memref_squeeze %dma_wait3A_1603 : memref<1x512x32xf32, #tpu.memory_space<hbm>> -> memref<512x32xf32, #tpu.memory_space<hbm>>
    %dma_wait3A_1605 = tpu.memref_slice %arg4[%shift_right_arithmetic3A_1395, %multiple_of3A_1404, %multiple_of3A_1407] : memref<26x4096x128xf32, #tpu.memory_space<hbm>> -> memref<1x512x32xf32, #tpu.memory_space<hbm>>
    %dma_wait3A_1606 = tpu.memref_squeeze %dma_wait3A_1605 : memref<1x512x32xf32, #tpu.memory_space<hbm>> -> memref<512x32xf32, #tpu.memory_space<hbm>>
    %dma_wait3A_1607 = arith.constant 0 : i32
    %dma_wait3A_1608 = arith.constant 0 : i32
    %dma_wait3A_1609 = tpu.memref_slice %arg6[%dma_wait3A_1598, %dma_wait3A_1607, %dma_wait3A_1608] : memref<6x512x32xf32, #tpu.memory_space<vmem>> -> memref<1x512x32xf32, #tpu.memory_space<vmem>>
    %dma_wait3A_1610 = tpu.memref_squeeze %dma_wait3A_1609 : memref<1x512x32xf32, #tpu.memory_space<vmem>> -> memref<512x32xf32, #tpu.memory_space<vmem>>
    tpu.wait_dma2 semaphore(%arg16 : memref<!tpu.dma_semaphore, #tpu.memory_space<semaphore_mem>>) src(%dma_wait3A_1610 : memref<512x32xf32, #tpu.memory_space<vmem>>) dst(%dma_wait3A_1606 : memref<512x32xf32, #tpu.memory_space<hbm>>)
    %dma_wait3A_1611 = arith.constant 4 : i32
    %dma_wait3A_1612 = arith.constant 0 : i32
    %dma_wait3A_1613 = arith.constant 0 : i32
    %dma_wait3A_1614 = tpu.memref_slice %arg6[%dma_wait3A_1611, %dma_wait3A_1612, %dma_wait3A_1613] : memref<6x512x32xf32, #tpu.memory_space<vmem>> -> memref<1x512x32xf32, #tpu.memory_space<vmem>>
    %dma_wait3A_1615 = tpu.memref_squeeze %dma_wait3A_1614 : memref<1x512x32xf32, #tpu.memory_space<vmem>> -> memref<512x32xf32, #tpu.memory_space<vmem>>
    %dma_wait3A_1616 = tpu.memref_slice %arg4[%shift_right_arithmetic3A_1436, %multiple_of3A_1445, %multiple_of3A_1448] : memref<26x4096x128xf32, #tpu.memory_space<hbm>> -> memref<1x512x32xf32, #tpu.memory_space<hbm>>
    %dma_wait3A_1617 = tpu.memref_squeeze %dma_wait3A_1616 : memref<1x512x32xf32, #tpu.memory_space<hbm>> -> memref<512x32xf32, #tpu.memory_space<hbm>>
    %dma_wait3A_1618 = tpu.memref_slice %arg4[%shift_right_arithmetic3A_1436, %multiple_of3A_1445, %multiple_of3A_1448] : memref<26x4096x128xf32, #tpu.memory_space<hbm>> -> memref<1x512x32xf32, #tpu.memory_space<hbm>>
    %dma_wait3A_1619 = tpu.memref_squeeze %dma_wait3A_1618 : memref<1x512x32xf32, #tpu.memory_space<hbm>> -> memref<512x32xf32, #tpu.memory_space<hbm>>
    %dma_wait3A_1620 = arith.constant 0 : i32
    %dma_wait3A_1621 = arith.constant 0 : i32
    %dma_wait3A_1622 = tpu.memref_slice %arg6[%dma_wait3A_1611, %dma_wait3A_1620, %dma_wait3A_1621] : memref<6x512x32xf32, #tpu.memory_space<vmem>> -> memref<1x512x32xf32, #tpu.memory_space<vmem>>
    %dma_wait3A_1623 = tpu.memref_squeeze %dma_wait3A_1622 : memref<1x512x32xf32, #tpu.memory_space<vmem>> -> memref<512x32xf32, #tpu.memory_space<vmem>>
    tpu.wait_dma2 semaphore(%arg17 : memref<!tpu.dma_semaphore, #tpu.memory_space<semaphore_mem>>) src(%dma_wait3A_1623 : memref<512x32xf32, #tpu.memory_space<vmem>>) dst(%dma_wait3A_1619 : memref<512x32xf32, #tpu.memory_space<hbm>>)
    %dma_wait3A_1624 = arith.constant 5 : i32
    %dma_wait3A_1625 = arith.constant 0 : i32
    %dma_wait3A_1626 = arith.constant 0 : i32
    %dma_wait3A_1627 = tpu.memref_slice %arg6[%dma_wait3A_1624, %dma_wait3A_1625, %dma_wait3A_1626] : memref<6x512x32xf32, #tpu.memory_space<vmem>> -> memref<1x512x32xf32, #tpu.memory_space<vmem>>
    %dma_wait3A_1628 = tpu.memref_squeeze %dma_wait3A_1627 : memref<1x512x32xf32, #tpu.memory_space<vmem>> -> memref<512x32xf32, #tpu.memory_space<vmem>>
    %dma_wait3A_1629 = tpu.memref_slice %arg4[%shift_right_arithmetic3A_1477, %multiple_of3A_1486, %multiple_of3A_1489] : memref<26x4096x128xf32, #tpu.memory_space<hbm>> -> memref<1x512x32xf32, #tpu.memory_space<hbm>>
    %dma_wait3A_1630 = tpu.memref_squeeze %dma_wait3A_1629 : memref<1x512x32xf32, #tpu.memory_space<hbm>> -> memref<512x32xf32, #tpu.memory_space<hbm>>
    %dma_wait3A_1631 = tpu.memref_slice %arg4[%shift_right_arithmetic3A_1477, %multiple_of3A_1486, %multiple_of3A_1489] : memref<26x4096x128xf32, #tpu.memory_space<hbm>> -> memref<1x512x32xf32, #tpu.memory_space<hbm>>
    %dma_wait3A_1632 = tpu.memref_squeeze %dma_wait3A_1631 : memref<1x512x32xf32, #tpu.memory_space<hbm>> -> memref<512x32xf32, #tpu.memory_space<hbm>>
    %dma_wait3A_1633 = arith.constant 0 : i32
    %dma_wait3A_1634 = arith.constant 0 : i32
    %dma_wait3A_1635 = tpu.memref_slice %arg6[%dma_wait3A_1624, %dma_wait3A_1633, %dma_wait3A_1634] : memref<6x512x32xf32, #tpu.memory_space<vmem>> -> memref<1x512x32xf32, #tpu.memory_space<vmem>>
    %dma_wait3A_1636 = tpu.memref_squeeze %dma_wait3A_1635 : memref<1x512x32xf32, #tpu.memory_space<vmem>> -> memref<512x32xf32, #tpu.memory_space<vmem>>
    tpu.wait_dma2 semaphore(%arg18 : memref<!tpu.dma_semaphore, #tpu.memory_space<semaphore_mem>>) src(%dma_wait3A_1636 : memref<512x32xf32, #tpu.memory_space<vmem>>) dst(%dma_wait3A_1632 : memref<512x32xf32, #tpu.memory_space<hbm>>)
    %dma_wait3A_1637 = arith.constant 0 : i32
    %dma_wait3A_1638 = arith.constant 0 : i32
    %dma_wait3A_1639 = arith.constant 0 : i32
    %dma_wait3A_1640 = tpu.memref_slice %arg6[%dma_wait3A_1637, %dma_wait3A_1638, %dma_wait3A_1639] : memref<6x512x32xf32, #tpu.memory_space<vmem>> -> memref<1x512x32xf32, #tpu.memory_space<vmem>>
    %dma_wait3A_1641 = tpu.memref_squeeze %dma_wait3A_1640 : memref<1x512x32xf32, #tpu.memory_space<vmem>> -> memref<512x32xf32, #tpu.memory_space<vmem>>
    %dma_wait3A_1642 = tpu.memref_slice %arg4[%shift_right_arithmetic3A_1518, %multiple_of3A_1527, %multiple_of3A_1530] : memref<26x4096x128xf32, #tpu.memory_space<hbm>> -> memref<1x512x32xf32, #tpu.memory_space<hbm>>
    %dma_wait3A_1643 = tpu.memref_squeeze %dma_wait3A_1642 : memref<1x512x32xf32, #tpu.memory_space<hbm>> -> memref<512x32xf32, #tpu.memory_space<hbm>>
    %dma_wait3A_1644 = tpu.memref_slice %arg4[%shift_right_arithmetic3A_1518, %multiple_of3A_1527, %multiple_of3A_1530] : memref<26x4096x128xf32, #tpu.memory_space<hbm>> -> memref<1x512x32xf32, #tpu.memory_space<hbm>>
    %dma_wait3A_1645 = tpu.memref_squeeze %dma_wait3A_1644 : memref<1x512x32xf32, #tpu.memory_space<hbm>> -> memref<512x32xf32, #tpu.memory_space<hbm>>
    %dma_wait3A_1646 = arith.constant 0 : i32
    %dma_wait3A_1647 = arith.constant 0 : i32
    %dma_wait3A_1648 = tpu.memref_slice %arg6[%dma_wait3A_1637, %dma_wait3A_1646, %dma_wait3A_1647] : memref<6x512x32xf32, #tpu.memory_space<vmem>> -> memref<1x512x32xf32, #tpu.memory_space<vmem>>
    %dma_wait3A_1649 = tpu.memref_squeeze %dma_wait3A_1648 : memref<1x512x32xf32, #tpu.memory_space<vmem>> -> memref<512x32xf32, #tpu.memory_space<vmem>>
    tpu.wait_dma2 semaphore(%arg13 : memref<!tpu.dma_semaphore, #tpu.memory_space<semaphore_mem>>) src(%dma_wait3A_1649 : memref<512x32xf32, #tpu.memory_space<vmem>>) dst(%dma_wait3A_1645 : memref<512x32xf32, #tpu.memory_space<hbm>>)
    %dma_wait3A_1650 = arith.constant 1 : i32
    %dma_wait3A_1651 = arith.constant 0 : i32
    %dma_wait3A_1652 = arith.constant 0 : i32
    %dma_wait3A_1653 = tpu.memref_slice %arg6[%dma_wait3A_1650, %dma_wait3A_1651, %dma_wait3A_1652] : memref<6x512x32xf32, #tpu.memory_space<vmem>> -> memref<1x512x32xf32, #tpu.memory_space<vmem>>
    %dma_wait3A_1654 = tpu.memref_squeeze %dma_wait3A_1653 : memref<1x512x32xf32, #tpu.memory_space<vmem>> -> memref<512x32xf32, #tpu.memory_space<vmem>>
    %dma_wait3A_1655 = tpu.memref_slice %arg4[%shift_right_arithmetic3A_1559, %multiple_of3A_1568, %multiple_of3A_1571] : memref<26x4096x128xf32, #tpu.memory_space<hbm>> -> memref<1x512x32xf32, #tpu.memory_space<hbm>>
    %dma_wait3A_1656 = tpu.memref_squeeze %dma_wait3A_1655 : memref<1x512x32xf32, #tpu.memory_space<hbm>> -> memref<512x32xf32, #tpu.memory_space<hbm>>
    %dma_wait3A_1657 = tpu.memref_slice %arg4[%shift_right_arithmetic3A_1559, %multiple_of3A_1568, %multiple_of3A_1571] : memref<26x4096x128xf32, #tpu.memory_space<hbm>> -> memref<1x512x32xf32, #tpu.memory_space<hbm>>
    %dma_wait3A_1658 = tpu.memref_squeeze %dma_wait3A_1657 : memref<1x512x32xf32, #tpu.memory_space<hbm>> -> memref<512x32xf32, #tpu.memory_space<hbm>>
    %dma_wait3A_1659 = arith.constant 0 : i32
    %dma_wait3A_1660 = arith.constant 0 : i32
    %dma_wait3A_1661 = tpu.memref_slice %arg6[%dma_wait3A_1650, %dma_wait3A_1659, %dma_wait3A_1660] : memref<6x512x32xf32, #tpu.memory_space<vmem>> -> memref<1x512x32xf32, #tpu.memory_space<vmem>>
    %dma_wait3A_1662 = tpu.memref_squeeze %dma_wait3A_1661 : memref<1x512x32xf32, #tpu.memory_space<vmem>> -> memref<512x32xf32, #tpu.memory_space<vmem>>
    tpu.wait_dma2 semaphore(%arg14 : memref<!tpu.dma_semaphore, #tpu.memory_space<semaphore_mem>>) src(%dma_wait3A_1662 : memref<512x32xf32, #tpu.memory_space<vmem>>) dst(%dma_wait3A_1658 : memref<512x32xf32, #tpu.memory_space<hbm>>)
    return
  }
}

module attributes {stable_mosaic.version = 14 : i64} {
  func.func @body(%arg0: i32, %arg1: memref<32x65536xf32, #tpu.memory_space<vmem>>, %arg2: memref<16384x128xf32, #tpu.memory_space<vmem>>) attributes {dimension_semantics = [#tpu.dimension_semantics<arbitrary>], iteration_bounds = array<i64: 16>, scalar_prefetch = 0 : i64, scratch_operands = 0 : i64, tpu.core_type = #tpu.core_type<tc>, window_params = [{transform_indices = @transform_0, window_bounds = array<i64: 32, 65536>}, {transform_indices = @transform_1, window_bounds = array<i64: 16384, 128>}]} {
    %get3A = arith.constant 0 : index
    %get3A_0 = arith.constant 0 : index
    %get3A_1 = vector.load %arg1[%get3A, %get3A_0] : memref<32x65536xf32, #tpu.memory_space<vmem>>, vector<32x65536xf32>
    %slice3A = vector.extract_strided_slice %get3A_1 {offsets = [0, 0], sizes = [32, 16384], strides = [1, 1]} : vector<32x65536xf32> to vector<32x16384xf32>
    %slice3A_2 = vector.extract_strided_slice %get3A_1 {offsets = [0, 16384], sizes = [32, 16384], strides = [1, 1]} : vector<32x65536xf32> to vector<32x16384xf32>
    %slice3A_3 = vector.extract_strided_slice %get3A_1 {offsets = [0, 32768], sizes = [32, 16384], strides = [1, 1]} : vector<32x65536xf32> to vector<32x16384xf32>
    %slice3A_4 = vector.extract_strided_slice %get3A_1 {offsets = [0, 49152], sizes = [32, 16384], strides = [1, 1]} : vector<32x65536xf32> to vector<32x16384xf32>
    %concatenate3A = tpu.concatenate %slice3A, %slice3A_2, %slice3A_3, %slice3A_4 in 0 : vector<32x16384xf32>, vector<32x16384xf32>, vector<32x16384xf32>, vector<32x16384xf32> -> vector<128x16384xf32>
    %transpose3A = tpu.transpose %concatenate3A, [1, 0] : vector<128x16384xf32> -> vector<16384x128xf32>
    %swap3A = arith.constant 0 : index
    %swap3A_5 = arith.constant 0 : index
    %swap3A_6 = vector.load %arg2[%swap3A, %swap3A_5] : memref<16384x128xf32, #tpu.memory_space<vmem>>, vector<16384x128xf32>
    tpu.vector_store %arg2[%swap3A, %swap3A_5], %transpose3A {strides = array<i32>} : memref<16384x128xf32, #tpu.memory_space<vmem>>, vector<16384x128xf32>,
    return
  }
  func.func @transform_0(%arg0: i32) -> (i32, i32) {
    %c0_i32 = arith.constant 0 : i32
    %c0_i32_0 = arith.constant 0 : i32
    return %c0_i32, %arg0 : i32, i32
  }
  func.func @transform_1(%arg0: i32) -> (i32, i32) {
    %c0_i32 = arith.constant 0 : i32
    %c0_i32_0 = arith.constant 0 : i32
    return %arg0, %c0_i32 : i32, i32
  }
}

module attributes {stable_mosaic.version = 14 : i64} {
  func.func @body(%arg0: i32, %arg1: memref<8192x128xf32, #tpu.memory_space<vmem>>, %arg2: memref<2x32x16384xf32, #tpu.memory_space<vmem>>) attributes {dimension_semantics = [#tpu.dimension_semantics<arbitrary>], iteration_bounds = array<i64: 13>, scalar_prefetch = 0 : i64, scratch_operands = 0 : i64, tpu.core_type = #tpu.core_type<tc>, window_params = [{transform_indices = @transform_0, window_bounds = array<i64: 8192, 128>}, {transform_indices = @transform_1, window_bounds = array<i64: 2, 32, 16384>}]} {
    %get3A = arith.constant 0 : index
    %get3A_0 = arith.constant 0 : index
    %get3A_1 = vector.load %arg1[%get3A, %get3A_0] : memref<8192x128xf32, #tpu.memory_space<vmem>>, vector<4096x128xf32>
    %transpose3A = tpu.transpose %get3A_1, [1, 0] : vector<4096x128xf32> -> vector<128x4096xf32>
    %slice3A = vector.extract_strided_slice %transpose3A {offsets = [0, 0], sizes = [32, 4096], strides = [1, 1]} : vector<128x4096xf32> to vector<32x4096xf32>
    %slice3A_2 = vector.extract_strided_slice %transpose3A {offsets = [32, 0], sizes = [32, 4096], strides = [1, 1]} : vector<128x4096xf32> to vector<32x4096xf32>
    %slice3A_3 = vector.extract_strided_slice %transpose3A {offsets = [64, 0], sizes = [32, 4096], strides = [1, 1]} : vector<128x4096xf32> to vector<32x4096xf32>
    %slice3A_4 = vector.extract_strided_slice %transpose3A {offsets = [96, 0], sizes = [32, 4096], strides = [1, 1]} : vector<128x4096xf32> to vector<32x4096xf32>
    %concatenate3A = tpu.concatenate %slice3A, %slice3A_2, %slice3A_3, %slice3A_4 in 1 : vector<32x4096xf32>, vector<32x4096xf32>, vector<32x4096xf32>, vector<32x4096xf32> -> vector<32x16384xf32>
    %swap3A = arith.constant 0 : index
    %swap3A_5 = arith.constant 0 : index
    %swap3A_6 = arith.constant 0 : index
    %swap3A_7 = vector.load %arg2[%swap3A, %swap3A_5, %swap3A_6] : memref<2x32x16384xf32, #tpu.memory_space<vmem>>, vector<1x32x16384xf32>
    %swap3A_8 = vector.shape_cast %swap3A_7 : vector<1x32x16384xf32> to vector<32x16384xf32>
    %swap3A_9 = vector.shape_cast %concatenate3A : vector<32x16384xf32> to vector<1x32x16384xf32>
    tpu.vector_store %arg2[%swap3A, %swap3A_5, %swap3A_6], %swap3A_9 {strides = array<i32>} : memref<2x32x16384xf32, #tpu.memory_space<vmem>>, vector<1x32x16384xf32>,
    %get3A_10 = arith.constant 4096 : index
    %get3A_11 = arith.constant 0 : index
    %get3A_12 = vector.load %arg1[%get3A_10, %get3A_11] : memref<8192x128xf32, #tpu.memory_space<vmem>>, vector<4096x128xf32>
    %transpose3A_13 = tpu.transpose %get3A_12, [1, 0] : vector<4096x128xf32> -> vector<128x4096xf32>
    %slice3A_14 = vector.extract_strided_slice %transpose3A_13 {offsets = [0, 0], sizes = [32, 4096], strides = [1, 1]} : vector<128x4096xf32> to vector<32x4096xf32>
    %slice3A_15 = vector.extract_strided_slice %transpose3A_13 {offsets = [32, 0], sizes = [32, 4096], strides = [1, 1]} : vector<128x4096xf32> to vector<32x4096xf32>
    %slice3A_16 = vector.extract_strided_slice %transpose3A_13 {offsets = [64, 0], sizes = [32, 4096], strides = [1, 1]} : vector<128x4096xf32> to vector<32x4096xf32>
    %slice3A_17 = vector.extract_strided_slice %transpose3A_13 {offsets = [96, 0], sizes = [32, 4096], strides = [1, 1]} : vector<128x4096xf32> to vector<32x4096xf32>
    %concatenate3A_18 = tpu.concatenate %slice3A_14, %slice3A_15, %slice3A_16, %slice3A_17 in 1 : vector<32x4096xf32>, vector<32x4096xf32>, vector<32x4096xf32>, vector<32x4096xf32> -> vector<32x16384xf32>
    %swap3A_19 = arith.constant 1 : index
    %swap3A_20 = arith.constant 0 : index
    %swap3A_21 = arith.constant 0 : index
    %swap3A_22 = vector.load %arg2[%swap3A_19, %swap3A_20, %swap3A_21] : memref<2x32x16384xf32, #tpu.memory_space<vmem>>, vector<1x32x16384xf32>
    %swap3A_23 = vector.shape_cast %swap3A_22 : vector<1x32x16384xf32> to vector<32x16384xf32>
    %swap3A_24 = vector.shape_cast %concatenate3A_18 : vector<32x16384xf32> to vector<1x32x16384xf32>
    tpu.vector_store %arg2[%swap3A_19, %swap3A_20, %swap3A_21], %swap3A_24 {strides = array<i32>} : memref<2x32x16384xf32, #tpu.memory_space<vmem>>, vector<1x32x16384xf32>,
    return
  }
  func.func @transform_0(%arg0: i32) -> (i32, i32) {
    %c0_i32 = arith.constant 0 : i32
    %c0_i32_0 = arith.constant 0 : i32
    return %arg0, %c0_i32 : i32, i32
  }
  func.func @transform_1(%arg0: i32) -> (i32, i32, i32) {
    %c0_i32 = arith.constant 0 : i32
    %c0_i32_0 = arith.constant 0 : i32
    %c0_i32_1 = arith.constant 0 : i32
    return %arg0, %c0_i32, %c0_i32_0 : i32, i32, i32
  }
}

</mosaic_0001>

<sc_bundles>
// kernel: kernel.5.cloned.1.call-start
scs
__scs_entry_jumppad:
0x0: {  	(pc) =	sbr.rel $0x88, $3  }
0x1: {  	(tag) =	ssettag $0x0;
	lr =	simm.s32 $0x1  }
0x2: {  	[smem:$0x3F9F] =	sst lr;
	_ =	strace $0xD0000000  }
0x3: {  	_ = 	snop  }
0x4: {  	_ = 	snop  }
0x5: {  	_ = 	snop  }
0x6: {  	_ = 	snop  }
0x7: {  	_ = 	snop  }
__scs_overlays_trampoline_lowered:
0x8: {  	[smem:$0x3FAE] =	sst s0  }
0x9: {  	[smem:$0x3FAF] =	sst s1  }
0xa: {  	[smem:$0x3FB0] =	sst s2  }
0xb: {  	[smem:$0x3FB1] =	sst s3  }
0xc: {  	[smem:$0x3FB2] =	sst s4  }
0xd: {  	[smem:$0x3FB3] =	sst s5  }
0xe: {  	[smem:$0x3FB4] =	sst s6  }
0xf: {  	[smem:$0x3FB5] =	sst s7  }
0x10: {  	[smem:$0x3FB6] =	sst s8  }
0x11: {  	[smem:$0x3FB7] =	sst s9;
	s0 =	simm.s32 @!p0 $0x0  }
0x12: {  	s1 =	sld [smem:$0x3F9D];
	s0 =	simm.s32 @p0 $0x1  }
0x13: {  	[smem:$0x3FB8] =	sst s0;
	s0 =	simm.s32 @!p1 $0x0  }
0x14: {  	s2 =	sld [smem:$0x3F9C];
	s0 =	simm.s32 @p1 $0x1  }
0x15: {  	[smem:$0x3FB9] =	sst s0;
	s0 =	simm.s32 @!p2 $0x0  }
0x16: {  	s3 =	sld [smem:$0x3FDB];
	s0 =	simm.s32 @p2 $0x1  }
0x17: {  	s4 =	simm.s32 $0x1BF5;
	[smem:$0x3FBB] =	sst s0  }
0x18: {  	s0 =	sld [smem:$0x3F9E];
	_ =	swait.ge [sflag:s4], $0x0  }
0x19: {  	s7 =	sld [smem:$0x3F9F]  }
0x1a: {  	s8 =	sadd.s32 $0xFFFFE003, lr  }
0x1b: {  	s9 =	sadd.s32 $0xFFFFFEF7, lr;
	s5 =	simm.s32 $0xFFFFFFFF;
	p2 =	slt.u32 s8, $0xFFFFF086  }
0x1c: {  	p1 =	slt.u32 s9, $0xF7A;
	s5 =	simm.s32 @!p2 $0x0  }
0x1d: {  	s5 =	simm.s32 @p1 $0x1;
	p0 =	seq.s32 s7, s2  }
0x1e: {  	s7 =	smul.u32 @!p0 $0xF7A, s2;
	p2 =	seq.s32 @!p0 s5, $0x0  }
0x1f: {  	s9 =	smul.u32 $0xF7A, s1;
	s8 =	simm.s32 @!p0 $0x1BF5;
	p2 =	por !p2, p0  }
0x20: {  	[sflag:s8] =	ssyncset.s32 @!p0 $0xFFFFF086;
	s6 =	sadd.s32 @!p0 s3, s7;
	s7 =	simm.s32 @!p0 $0x108  }
0x21: {  	s3 =	sadd.s32 s3, s9;
	s6 =	sadd.s32 @!p0 $0x88, s6;
	s7 =	simm.s32 @p2 $0x1082  }
0x22: {  	[simem:s7], [sflag:s8] =	dma.local @!p0 [hbm:s6], $0xF7A  }
0x23: {  	s9 =	sor.u32 $0xD0000000, s2;
	s6 =	simm.s32 $0x108;
	_ =	swait.ge @!p0 [sflag:s8], $0x0  }
0x24: {  	s3 =	sadd.s32 $0x88, s3;
	s6 =	simm.s32 @!p1 $0x1082;
	[sflag:s4] =	ssyncset.s32 $0xFFFFF086  }
0x25: {  	[simem:s6], [sflag:s4] =	dma.local [hbm:s3], $0xF7A  }
0x26: {  	[smem:$0x3F9F] =	sst s1;
	(tag) =	ssettag s2;
	_ =	strace s9  }
0x27: {  	s1 =	sld [smem:$0x3FAF]  }
0x28: {  	s2 =	sld [smem:$0x3FB0]  }
0x29: {  	s4 =	sld [smem:$0x3FB2]  }
0x2a: {  	p0 =	seq.s32 s5, $0x0;
	s5 =	sld [smem:$0x3FB3]  }
0x2b: {  	s6 =	sld [smem:$0x3FB4]  }
0x2c: {  	s7 =	sld [smem:$0x3FB5]  }
0x2d: {  	s3 =	simm.s32 $0x108;
	s8 =	sld [smem:$0x3FB6]  }
0x2e: {  	s3 =	simm.s32 @!p0 $0x1082;
	s9 =	sld [smem:$0x3FB7]  }
0x2f: {  	lr =	sadd.s32 s0, s3;
	s0 =	sld [smem:$0x3FAE]  }
0x30: {  	s3 =	sld [smem:$0x3FB1]  }
0x31: {  	[smem:$0x3FBA] =	sst s10  }
0x32: {  	s10 =	sld [smem:$0x3FB8];
	_ =	sdelay $0x3  }
0x33: {  	p0 =	seq.s32 s10, $0x1;
	s10 =	sld [smem:$0x3FBA];
	_ =	sdelay $0x3  }
0x34: {  	[smem:$0x3FBA] =	sst s10  }
0x35: {  	s10 =	sld [smem:$0x3FB9];
	_ =	sdelay $0x3  }
0x36: {  	p1 =	seq.s32 s10, $0x1;
	s10 =	sld [smem:$0x3FBA];
	_ =	sdelay $0x3  }
0x37: {  	[smem:$0x3FBA] =	sst s10  }
0x38: {  	s10 =	sld [smem:$0x3FBB]  }
0x39: {  	_ = 	snop;
	(pc) =	sbr.ind lr, $3  }
0x3a: {  	_ = 	snop  }
0x3b: {  	_ = 	snop  }
0x3c: {  	p2 =	seq.s32 s10, $0x1;
	s10 =	sld [smem:$0x3FBA]  }
0x3d: {  	_ =	shalt  }
0x3e: {  	_ =	shalt  }
0x3f: {  	_ =	shalt  }
0x40: {  	_ =	shalt  }
0x41: {  	_ =	shalt  }
0x42: {  	_ =	shalt  }
0x43: {  	_ =	shalt  }
0x44: {  	_ =	shalt  }
0x45: {  	_ =	shalt  }
0x46: {  	_ =	shalt  }
0x47: {  	_ =	shalt  }
0x48: {  	_ =	shalt  }
0x49: {  	_ =	shalt  }
0x4a: {  	_ =	shalt  }
0x4b: {  	_ =	shalt  }
0x4c: {  	_ =	shalt  }
0x4d: {  	_ =	shalt  }
0x4e: {  	_ =	shalt  }
0x4f: {  	_ =	shalt  }
0x50: {  	_ =	shalt  }
0x51: {  	_ =	shalt  }
0x52: {  	_ =	shalt  }
0x53: {  	_ =	shalt  }
0x54: {  	_ =	shalt  }
0x55: {  	_ =	shalt  }
0x56: {  	_ =	shalt  }
0x57: {  	_ =	shalt  }
0x58: {  	_ =	shalt  }
0x59: {  	_ =	shalt  }
0x5a: {  	_ =	shalt  }
0x5b: {  	_ =	shalt  }
0x5c: {  	_ =	shalt  }
0x5d: {  	_ =	shalt  }
0x5e: {  	_ =	shalt  }
0x5f: {  	_ =	shalt  }
0x60: {  	_ =	shalt  }
0x61: {  	_ =	shalt  }
0x62: {  	_ =	shalt  }
0x63: {  	_ =	shalt  }
0x64: {  	_ =	shalt  }
0x65: {  	_ =	shalt  }
0x66: {  	_ =	shalt  }
0x67: {  	_ =	shalt  }
0x68: {  	_ =	shalt  }
0x69: {  	_ =	shalt  }
0x6a: {  	_ =	shalt  }
0x6b: {  	_ =	shalt  }
0x6c: {  	_ =	shalt  }
0x6d: {  	_ =	shalt  }
0x6e: {  	_ =	shalt  }
0x6f: {  	_ =	shalt  }
0x70: {  	_ =	shalt  }
0x71: {  	_ =	shalt  }
0x72: {  	_ =	shalt  }
0x73: {  	_ =	shalt  }
0x74: {  	_ =	shalt  }
0x75: {  	_ =	shalt  }
0x76: {  	_ =	shalt  }
0x77: {  	_ =	shalt  }
0x78: {  	_ =	shalt  }
0x79: {  	_ =	shalt  }
0x7a: {  	_ =	shalt  }
0x7b: {  	_ =	shalt  }
0x7c: {  	_ =	shalt  }
0x7d: {  	_ =	shalt  }
0x7e: {  	_ =	shalt  }
0x7f: {  	_ =	shalt  }
0x80: {  	_ =	shalt  }
0x81: {  	_ =	shalt  }
0x82: {  	_ =	shalt  }
0x83: {  	_ =	shalt  }
0x84: {  	_ =	shalt  }
0x85: {  	_ =	shalt  }
0x86: {  	_ =	shalt  }
0x87: {  	_ =	shalt  }
.Lfunc_end0:
.L_simem_size_0:
called_computation_lowered:
.L_overlay_start_0:
0x88: {  	s2 =	sld [smem:$0x3FD9]  }
0x89: {  	s3 =	sld [smem:$0x3FFE];
	_ =	sdelay $0x1  }
0x8a: {  	s1 =	srdreg.scid  }
0x8b: {  	s0 =	sand.u32 $0x1, s1  }
0x8c: {  	s17 =	sshll.u32 s0, $0xA;
	s2 =	sadd.s32 s3, s2  }
0x8d: {  	s2 =	sadd.s32 s2, s17  }
0x8e: {  	[smem:$0x3FC6] =	sst s2  }
0x8f: {  	_ = 	snop  }
0x90: {  	s2 =	sld [smem:$0x3FD0];
	(tm) =	ssettm $0x1  }
0x91: {  	s18 =	sld [smem:$0x3FFB];
	_ =	sdelay $0x3  }
0x92: {  	_ =	strace s18  }
0x93: {  	s3 =	sld [smem:$0x3FFC];
	_ =	sdelay $0x3  }
0x94: {  	_ =	strace s3  }
0x95: {  	s3 =	sld [smem:$0x3FFD];
	_ =	sdelay $0x3  }
0x96: {  	_ =	strace s3  }
0x97: {  	_ =	strace $0x8FFFFFFF  }
0x98: {  	s19 =	sld [smem:$0x3FDB];
	_ =	sdelay $0x1  }
0x99: {  	s4 =	simm.s32 $_scs_section_size  }
0x9a: {  	s5 =	simm.s32 $_size__tile_overlayer_lowered;
	s6 =	simm.s32 $_tile_overlayer_lowered  }
0x9b: {  	s22 =	simm.s32 $0x1BFF;
	s21 =	sshll.u32 s6, $0x1;
	s3 =	sadd.s32 s4, s19  }
0x9c: {  	s7 =	simm.s32 $0x0;
	s20 =	sshll.u32 s5, $0x1;
	s5 =	sadd.s32 s21, s3  }
0x9d: {  	[timem:s7], [sflag:s22] =	dma.local [hbm:s5], s20  }
0x9e: {  	_ =	swait.ge [sflag:s22], s20  }
0x9f: {  	s4 =	ssub.s32 $0x0, s20;
	[sflag:s22] =	ssyncset.done $0x0  }
0xa0: {  	[sflag:s22] =	ssyncadd.s32 s4;
	_ =	sdelay $0x1  }
0xa1: {  	s23 =	simm.s32 $0x1B8B  }
0xa2: {  	_ =	swait.ge [sflag:s23], $0x1  }
0xa3: {  	[sflag:s23] =	ssyncset.done $0x0  }
0xa4: {  	s25 =	simm.s32 $0x1B8E;
	s24 =	sld [smem:$0x3FFE];
	[sflag:s23] =	ssyncadd.s32 $0xFFFFFFFF  }
0xa5: {  	s26 =	simm.s32 $execute0_lowered;
	[smem:$0x3FD2] =	sst s25  }
0xa6: {  	s5 =	sshll.u32 s26, $0x1;
	_ =	strace $0x80000046;
	[dreg:$0x1] =	wrdreg $0xFFFFFFFF  }
0xa7: {  	s28 =	simm.s32 $_size_execute0_lowered;
	s3 =	sadd.s32 s3, s5;
	[dreg:$0x0] =	wrdreg $0x0  }
0xa8: {  	s5 =	sshll.u32 s28, $0x1;
	[dreg:$0x2] =	wrdreg s3  }
0xa9: {  	[dreg:$0x3] =	wrdreg s5  }
0xaa: {  	[dreg:$0x4] =	wrdreg $0xC0  }
0xab: {  	_ =	task [dreg:s7], $0x5FFFF  }
0xac: {  	[dreg:$0x1] =	wrdreg $0xFFFFFFFF  }
0xad: {  	[dreg:$0x0] =	wrdreg $0x60  }
0xae: {  	[dreg:$0x2] =	wrdreg s2  }
0xaf: {  	[dreg:$0x3] =	wrdreg s24  }
0xb0: {  	[dreg:$0x4] =	wrdreg $0x9  }
0xb1: {  	_ =	task.clear_ibuf [dreg:s7], $0x5FFFF;
	_ =	strace $0x90000046  }
0xb2: {  	s29 =	simm.s32 $0x9;
	_ =	strace $0x80000048  }
0xb3: {  	_ =	swait.ge [sflag:s29], $0x1  }
0xb4: {  	[sflag:s29] =	ssyncadd.s32 $0xFFFFFFFF  }
0xb5: {  	_ =	strace $0x90000048  }
0xb6: {  	_ =	sfence  }
0xb7: {  	s30 =	sld [smem:$0x0];
	_ =	sdelay $0x2  }
0xb8: {  	s31 =	sshll.u32 s1, $0xD;
	s1 =	sshrl.u32 s1, $0x2  }
0xb9: {  	s3 =	sand.u32 $0x4000, s31;
	s1 =	sadd.s32 s1, s30  }
0xba: {  	s0 =	sor.u32 s3, s0;
	s1 =	sshll.u32 s1, $0x11  }
0xbb: {  	s0 =	sor.u32 s1, s0  }
0xbc: {  	s0 =	sadd.s32 $0x8F2B, s0  }
0xbd: {  	[sflag:s0] =	ssyncadd.remote.s32 $0x1  }
0xbe: {  	_ =	sfence.sel $0xFFFF  }
0xbf: {  	[dreg:$0x0] =	wrdreg $0xFFFFFFFF;
	(pc) =	sbr.abs _section_cstart, $3  }
0xc0: {  	[dreg:$0x1] =	wrdreg $0xFFFFFFFF  }
0xc1: {  	_ =	task.clear_ibuf [dreg:s7], $0x2FFFF;
	_ =	strace $0x9FFFFFFF  }
0xc2: {  	(tm) =	ssettm $0x7FFFFFFF  }
0xc3: {  	_ =	shalt  }
tec
execute0_lowered:
.L_overlay_start_1:
0x0: {  	(tag) =	ssettag $0x1  }
0x1: {  	s1 =	rddreg [dreg:$0x0]  }
0x2: {  	s0 =	rddreg [dreg:$0x1]  }
0x3: {  	s26 =	rddreg [dreg:$0x2]  }
0x4: {  	s2 =	srdreg.scid;
	s5 =	stileid.u32;
	s3 =	simm.s32 $0x0  }
0x5: {  	s31 =	simm.s32 $0xD;
	s4 =	sand.u32 $0x1, s2;
	s23 =	sshll.u32 s5, $0x1  }
0x6: {  	p0 =	por $0x0, $0x0;
	s30 =	simm.s32 $0x2E00;
	s7 =	sor.u32 s4, s23  }
0x7: {  	s29 =	simm.s32 $0x3000;
	s28 =	simm.s32 $0x3200;
	s9 =	smul.u32 $0x68000, s7  }
0x8: {  	[smem:$0x7FF] =	sst s3;
	s2 =	sadd.s32 $0x400, s0;
	s24 =	smul.u32 $0x68, s7  }
0x9: {  	s0 =	sadd.s32 $0x400400, s0;
	s5 =	ssub.s32 $0x2, s4;
	s8 =	smul.u32 $0x1A, s7  }
0xa: {  	s6 =	sshrl.u32 s5, $0x1;
	s10 =	smul.u32 $0x680, s7;
	s7 =	sshll.u32 s7, $0x11  }
0xb: {  	_ =	strace $0x80000047;
	s7 =	sand.u32 $0x60000, s7;
	s5 =	ssub.s32 s5, s6  }
0xc: {  	s6 =	simm.s32 $0x400;
	s4 =	sor.u32 s24, s9;
	s25 =	sadd.s32 $0x2, s8  }
0xd: {  	s1 =	sadd.s32 s1, s10;
	s13 =	sadd.s32 $0x3, s8;
	s16 =	sadd.s32 $0x4, s8  }
0xe: {  	s19 =	sadd.s32 $0x5, s8;
	[dreg:$0x1d] =	wrdreg s6;
	s6 =	simm.s32 $0x3400  }
0xf: {  	s4 =	sand.u32 $0xF80060, s4;
	s11 =	sshll.u32 s25, $0xE;
	s12 =	sshll.u32 s25, $0x10  }
0x10: {  	s9 =	sshll.u32 s25, $0x2;
	[dreg:$0x3] =	wrdreg s1;
	s14 =	sshll.u32 s13, $0xE  }
0x11: {  	s15 =	sshll.u32 s13, $0x10;
	s17 =	sshll.u32 s16, $0xE;
	s18 =	sshll.u32 s16, $0x10  }
0x12: {  	s20 =	sshll.u32 s19, $0xE;
	s25 =	sadd.s32 $0x6, s8;
	s4 =	sor.u32 s7, s4  }
0x13: {  	s11 =	sand.u32 $0x1F80000, s11;
	s12 =	sand.u32 $0x60000, s12;
	s9 =	sand.u32 $0x60, s9  }
0x14: {  	s1 =	sand.u32 $0x1F80000, s14;
	s10 =	sand.u32 $0x70000, s15;
	s15 =	sadd.s32 $0x8, s8  }
0x15: {  	s4 =	sshrl.u32 s4, $0x3;
	s11 =	sor.u32 s12, s11;
	s1 =	sor.u32 s10, s1  }
0x16: {  	s10 =	sshll.u32 s16, $0x2;
	s4 =	sadd.s32 s0, s4;
	s9 =	sor.u32 s9, s11  }
0x17: {  	s16 =	sshll.u32 s15, $0xE;
	s11 =	sadd.s32 $0x2000, s4;
	s9 =	sshrl.u32 s9, $0x3  }
0x18: {  	s10 =	sand.u32 $0x60, s10;
	[dreg:$0x4] =	wrdreg s11;
	s12 =	sadd.s32 s0, s9  }
0x19: {  	s9 =	sshll.u32 s13, $0x2;
	s11 =	sand.u32 $0x60000, s18;
	s13 =	sshll.u32 s19, $0x10  }
0x1a: {  	[dreg:$0x5] =	wrdreg s12;
	s9 =	sand.u32 $0x60, s9;
	s12 =	sand.u32 $0x1F80000, s20  }
0x1b: {  	s13 =	sand.u32 $0x70000, s13;
	s20 =	sadd.s32 $0x9, s8;
	s1 =	sor.u32 s9, s1  }
0x1c: {  	s9 =	sand.u32 $0x1F80000, s17;
	s21 =	sor.u32 s13, s12;
	s12 =	sadd.s32 $0x7, s8  }
0x1d: {  	s1 =	sshrl.u32 s1, $0x3;
	s9 =	sor.u32 s11, s9;
	s11 =	sshll.u32 s19, $0x2  }
0x1e: {  	s13 =	sshll.u32 s12, $0xE;
	s14 =	sshll.u32 s12, $0x10;
	s9 =	sor.u32 s10, s9  }
0x1f: {  	s11 =	sand.u32 $0x60, s11;
	s1 =	sadd.s32 s0, s1;
	s9 =	sshrl.u32 s9, $0x3  }
0x20: {  	s10 =	sor.u32 s11, s21;
	[dreg:$0x6] =	wrdreg s1;
	s11 =	sshll.u32 s25, $0x10  }
0x21: {  	s21 =	sshll.u32 s20, $0xE;
	s22 =	sadd.s32 s0, s9;
	s23 =	sshrl.u32 s10, $0x3  }
0x22: {  	s10 =	sshll.u32 s25, $0xE;
	s9 =	sshll.u32 s25, $0x2;
	[dreg:$0x7] =	wrdreg s22  }
0x23: {  	s24 =	sadd.s32 s0, s23;
	s1 =	sand.u32 $0x1F80000, s10;
	s10 =	sand.u32 $0x60000, s11  }
0x24: {  	s9 =	sand.u32 $0x60, s9;
	s11 =	sand.u32 $0x70000, s14;
	s22 =	sshll.u32 s20, $0x10  }
0x25: {  	s23 =	sadd.s32 $0xA, s8;
	[dreg:$0x8] =	wrdreg s24;
	s1 =	sor.u32 s10, s1  }
0x26: {  	s10 =	sshll.u32 s12, $0x2;
	s24 =	sshll.u32 s23, $0xE;
	s25 =	sshll.u32 s23, $0x10  }
0x27: {  	s1 =	sor.u32 s9, s1;
	s9 =	sand.u32 $0x1F80000, s13;
	s10 =	sand.u32 $0x60, s10  }
0x28: {  	s12 =	sand.u32 $0x1F80000, s24;
	s13 =	sand.u32 $0x60000, s25;
	s1 =	sshrl.u32 s1, $0x3  }
0x29: {  	s9 =	sor.u32 s11, s9;
	s11 =	sand.u32 $0x70000, s22;
	s13 =	sor.u32 s13, s12  }
0x2a: {  	s1 =	sadd.s32 s0, s1;
	s9 =	sor.u32 s10, s9;
	s10 =	sshll.u32 s15, $0x2  }
0x2b: {  	s9 =	sshrl.u32 s9, $0x3;
	[dreg:$0x9] =	wrdreg s1;
	s18 =	sor.u32 s16, s10  }
0x2c: {  	s10 =	sand.u32 $0x1F80000, s21;
	s17 =	sadd.s32 s0, s9;
	s19 =	sand.u32 $0x7FF80060, s18  }
0x2d: {  	s10 =	sor.u32 s11, s10;
	s9 =	sshll.u32 s20, $0x2;
	s11 =	sshll.u32 s23, $0x2  }
0x2e: {  	s20 =	sadd.s32 $0xC, s8;
	s23 =	sadd.s32 $0xD, s8;
	[dreg:$0xa] =	wrdreg s17  }
0x2f: {  	s1 =	sor.u32 s7, s19;
	s9 =	sand.u32 $0x60, s9;
	s11 =	sand.u32 $0x60, s11  }
0x30: {  	s17 =	sadd.s32 $0xB, s8;
	s21 =	sshll.u32 s20, $0xE;
	s22 =	sshll.u32 s20, $0x10  }
0x31: {  	s24 =	sshll.u32 s23, $0xE;
	s25 =	sshll.u32 s23, $0x10;
	s1 =	sshrl.u32 s1, $0x3  }
0x32: {  	s9 =	sor.u32 s9, s10;
	s10 =	sor.u32 s11, s13;
	s18 =	sshll.u32 s17, $0xE  }
0x33: {  	s19 =	sshll.u32 s17, $0x10;
	s11 =	sand.u32 $0x60000, s22;
	s12 =	sand.u32 $0x1F80000, s24  }
0x34: {  	s13 =	sand.u32 $0x70000, s25;
	s24 =	sadd.s32 $0x10, s8;
	s1 =	sadd.s32 s0, s1  }
0x35: {  	s9 =	sshrl.u32 s9, $0x3;
	s15 =	sshrl.u32 s10, $0x3;
	s10 =	sand.u32 $0x70000, s19  }
0x36: {  	s25 =	sshll.u32 s24, $0xE;
	[dreg:$0xb] =	wrdreg s1;
	s14 =	sadd.s32 s0, s9  }
0x37: {  	s16 =	sadd.s32 s0, s15;
	s1 =	sand.u32 $0x1F80000, s18;
	[dreg:$0xc] =	wrdreg s14  }
0x38: {  	s9 =	sshll.u32 s17, $0x2;
	s18 =	sadd.s32 $0xE, s8;
	[dreg:$0xd] =	wrdreg s16  }
0x39: {  	s1 =	sor.u32 s10, s1;
	s9 =	sand.u32 $0x60, s9;
	s10 =	sshll.u32 s20, $0x2  }
0x3a: {  	s14 =	sor.u32 s13, s12;
	s19 =	sshll.u32 s18, $0xE;
	s20 =	sshll.u32 s18, $0x10  }
0x3b: {  	s12 =	sshll.u32 s24, $0x2;
	s1 =	sor.u32 s9, s1;
	s9 =	sand.u32 $0x1F80000, s21  }
0x3c: {  	s10 =	sand.u32 $0x60, s10;
	s21 =	sadd.s32 $0xF, s8;
	s12 =	sor.u32 s25, s12  }
0x3d: {  	s1 =	sshrl.u32 s1, $0x3;
	s9 =	sor.u32 s11, s9;
	s11 =	sshll.u32 s23, $0x2  }
0x3e: {  	s22 =	sshll.u32 s21, $0xE;
	s23 =	sshll.u32 s21, $0x10;
	s13 =	sand.u32 $0x7FF80060, s12  }
0x3f: {  	s9 =	sor.u32 s10, s9;
	s11 =	sand.u32 $0x60, s11;
	s1 =	sadd.s32 s0, s1  }
0x40: {  	s9 =	sshrl.u32 s9, $0x3;
	s10 =	sor.u32 s11, s14;
	[dreg:$0xe] =	wrdreg s1  }
0x41: {  	s1 =	sand.u32 $0x1F80000, s19;
	s11 =	sand.u32 $0x70000, s23;
	s23 =	sadd.s32 $0x13, s8  }
0x42: {  	s15 =	sadd.s32 s0, s9;
	s16 =	sshrl.u32 s10, $0x3;
	s10 =	sand.u32 $0x60000, s20  }
0x43: {  	s9 =	sshll.u32 s18, $0x2;
	s20 =	sadd.s32 $0x12, s8;
	s24 =	sshll.u32 s23, $0xE  }
0x44: {  	s25 =	sshll.u32 s23, $0x10;
	[dreg:$0xf] =	wrdreg s15;
	s17 =	sadd.s32 s0, s16  }
0x45: {  	s1 =	sor.u32 s10, s1;
	s9 =	sand.u32 $0x60, s9;
	s10 =	sshll.u32 s21, $0x2  }
0x46: {  	s21 =	sshll.u32 s20, $0xE;
	s12 =	sand.u32 $0x1F80000, s24;
	[dreg:$0x10] =	wrdreg s17  }
0x47: {  	s1 =	sor.u32 s9, s1;
	s9 =	sand.u32 $0x1F80000, s22;
	s10 =	sand.u32 $0x60, s10  }
0x48: {  	s17 =	sadd.s32 $0x11, s8;
	s22 =	sshll.u32 s20, $0x10;
	s9 =	sor.u32 s11, s9  }
0x49: {  	s1 =	sshrl.u32 s1, $0x3;
	s18 =	sshll.u32 s17, $0xE;
	s19 =	sshll.u32 s17, $0x10  }
0x4a: {  	s11 =	sand.u32 $0x60000, s22;
	s9 =	sor.u32 s10, s9;
	s1 =	sadd.s32 s0, s1  }
0x4b: {  	s10 =	sor.u32 s7, s13;
	s13 =	sand.u32 $0x70000, s25;
	s9 =	sshrl.u32 s9, $0x3  }
0x4c: {  	[dreg:$0x11] =	wrdreg s1;
	s15 =	sshrl.u32 s10, $0x3;
	s1 =	sand.u32 $0x1F80000, s18  }
0x4d: {  	s10 =	sand.u32 $0x70000, s19;
	s13 =	sor.u32 s13, s12;
	s14 =	sadd.s32 s0, s9  }
0x4e: {  	s16 =	sadd.s32 s0, s15;
	s9 =	sshll.u32 s17, $0x2;
	s1 =	sor.u32 s10, s1  }
0x4f: {  	s10 =	sshll.u32 s20, $0x2;
	s17 =	sadd.s32 $0x14, s8;
	[dreg:$0x12] =	wrdreg s14  }
0x50: {  	s20 =	sadd.s32 $0x15, s8;
	[dreg:$0x13] =	wrdreg s16;
	s9 =	sand.u32 $0x60, s9  }
0x51: {  	s10 =	sand.u32 $0x60, s10;
	s18 =	sshll.u32 s17, $0xE;
	s19 =	sshll.u32 s17, $0x10  }
0x52: {  	s22 =	sshll.u32 s20, $0x10;
	s1 =	sor.u32 s9, s1;
	s9 =	sand.u32 $0x1F80000, s21  }
0x53: {  	s21 =	sshll.u32 s20, $0xE;
	s1 =	sshrl.u32 s1, $0x3;
	s9 =	sor.u32 s11, s9  }
0x54: {  	s11 =	sshll.u32 s23, $0x2;
	s23 =	sadd.s32 $0x16, s8;
	s9 =	sor.u32 s10, s9  }
0x55: {  	s11 =	sand.u32 $0x60, s11;
	s1 =	sadd.s32 s0, s1;
	s24 =	sshll.u32 s23, $0xE  }
0x56: {  	s25 =	sshll.u32 s23, $0x10;
	s9 =	sshrl.u32 s9, $0x3;
	s10 =	sor.u32 s11, s13  }
0x57: {  	[dreg:$0x14] =	wrdreg s1;
	s1 =	sand.u32 $0x1F80000, s18;
	s11 =	sand.u32 $0x70000, s22  }
0x58: {  	s12 =	sand.u32 $0x1F80000, s24;
	s13 =	sand.u32 $0x60000, s25;
	s14 =	sadd.s32 s0, s9  }
0x59: {  	s15 =	sshrl.u32 s10, $0x3;
	s10 =	sand.u32 $0x60000, s19;
	s9 =	sshll.u32 s17, $0x2  }
0x5a: {  	s12 =	sor.u32 s13, s12;
	s19 =	sadd.s32 $0x18, s8;
	[dreg:$0x15] =	wrdreg s14  }
0x5b: {  	s16 =	sadd.s32 s0, s15;
	s1 =	sor.u32 s10, s1;
	s9 =	sand.u32 $0x60, s9  }
0x5c: {  	s10 =	sshll.u32 s20, $0x2;
	s20 =	sshll.u32 s19, $0xE;
	[dreg:$0x16] =	wrdreg s16  }
0x5d: {  	s1 =	sor.u32 s9, s1;
	s9 =	sand.u32 $0x1F80000, s21;
	s10 =	sand.u32 $0x60, s10  }
0x5e: {  	s16 =	sadd.s32 $0x17, s8;
	s8 =	sadd.s32 $0x19, s8;
	s1 =	sshrl.u32 s1, $0x3  }
0x5f: {  	s9 =	sor.u32 s11, s9;
	s11 =	sshll.u32 s23, $0x2;
	s17 =	sshll.u32 s16, $0xE  }
0x60: {  	s18 =	sshll.u32 s16, $0x10;
	s21 =	sshll.u32 s8, $0xE;
	s22 =	sshll.u32 s8, $0x10  }
0x61: {  	s8 =	sshll.u32 s8, $0x2;
	s9 =	sor.u32 s10, s9;
	s11 =	sand.u32 $0x60, s11  }
0x62: {  	s1 =	sadd.s32 s0, s1;
	s8 =	sand.u32 $0x60, s8;
	s9 =	sshrl.u32 s9, $0x3  }
0x63: {  	s10 =	sor.u32 s11, s12;
	[dreg:$0x17] =	wrdreg s1;
	s1 =	sand.u32 $0x1F80000, s17  }
0x64: {  	s11 =	sand.u32 $0x70000, s22;
	s12 =	simm.s32 $0x1000;
	s17 =	simm.s32 $0x1200  }
0x65: {  	s22 =	simm.s32 $0x1C00;
	s13 =	sadd.s32 s0, s9;
	s14 =	sshrl.u32 s10, $0x3  }
0x66: {  	s10 =	sand.u32 $0x70000, s18;
	s9 =	sshll.u32 s16, $0x2;
	[smem:$0x7F0] =	sst s12  }
0x67: {  	s16 =	simm.s32 $0xB400;
	s12 =	simm.s32 $0x17400;
	[smem:$0x7F1] =	sst s17  }
0x68: {  	s18 =	simm.s32 $0x1400;
	s17 =	simm.s32 $0x2;
	[smem:$0x7F6] =	sst s22  }
0x69: {  	s22 =	simm.s32 $0x3;
	[dreg:$0x18] =	wrdreg s13;
	s15 =	sadd.s32 s0, s14  }
0x6a: {  	s1 =	sor.u32 s10, s1;
	s9 =	sand.u32 $0x60, s9;
	s10 =	sshll.u32 s19, $0x2  }
0x6b: {  	s13 =	simm.s32 $0x200;
	s14 =	simm.s32 $0x13400;
	[smem:$0x7F2] =	sst s18  }
0x6c: {  	s19 =	simm.s32 $0x1600;
	s18 =	simm.s32 $0x9;
	[dreg:$0x19] =	wrdreg s15  }
0x6d: {  	s1 =	sor.u32 s9, s1;
	s9 =	sor.u32 s20, s10;
	s10 =	sand.u32 $0x1F80000, s21  }
0x6e: {  	s15 =	simm.s32 $0xF400;
	[smem:$0x7F3] =	sst s19;
	s20 =	simm.s32 $0x1800  }
0x6f: {  	s21 =	simm.s32 $0x1A00;
	s19 =	simm.s32 $0x2400;
	s1 =	sshrl.u32 s1, $0x3  }
0x70: {  	s9 =	sand.u32 $0x7FF80060, s9;
	s23 =	sor.u32 s11, s10;
	[smem:$0x7F4] =	sst s20  }
0x71: {  	s10 =	simm.s32 $0xC00;
	s11 =	simm.s32 $0xE00;
	[smem:$0x7F5] =	sst s21  }
0x72: {  	[smem:$0x7FA] =	sst s19;
	s20 =	simm.s32 $0x2600;
	s19 =	simm.s32 $0xA  }
0x73: {  	s21 =	simm.s32 $0x2800;
	s7 =	sor.u32 s7, s9;
	[smem:$0x7EE] =	sst s10  }
0x74: {  	s1 =	sadd.s32 s0, s1;
	s8 =	sor.u32 s8, s23;
	[smem:$0x7EF] =	sst s11  }
0x75: {  	s9 =	simm.s32 $0xA00;
	s10 =	simm.s32 $0x1;
	[smem:$0x7FB] =	sst s20  }
0x76: {  	s11 =	simm.s32 $0x80;
	s23 =	simm.s32 $0x1E00;
	[smem:$0x7FC] =	sst s21  }
0x77: {  	s20 =	simm.s32 $0xB;
	s21 =	simm.s32 $0xC;
	[dreg:$0x1a] =	wrdreg s1  }
0x78: {  	s7 =	sshrl.u32 s7, $0x3;
	s25 =	sshrl.u32 s8, $0x3;
	[smem:$0x7ED] =	sst s9  }
0x79: {  	s8 =	simm.s32 $0x800;
	s9 =	simm.s32 $0x20;
	[smem:$0x7F7] =	sst s23  }
0x7a: {  	s1 =	rddreg [dreg:$0x3];
	s24 =	sadd.s32 s0, s7;
	s0 =	sadd.s32 s0, s25  }
0x7b: {  	s23 =	simm.s32 $0x4;
	[dreg:$0x1c] =	wrdreg s0;
	s0 =	smax.u32 s5, $0x1  }
0x7c: {  	s7 =	simm.s32 $0x600;
	[dreg:$0x1f] =	wrdreg s8;
	p1 =	sne.s32 s0, $0x1  }
.Ltmp0:
0x7d: {  	s8 =	simm.s32 $0x8;
	[dreg:$0x1b] =	wrdreg s24;
	(pc) =	sbr.rel @!p1 .LBB2_1-.Ltmp0, $4  }
0x7e: {  	s25 =	simm.s32 $0x2200;
	[dreg:$0x1e] =	wrdreg s7;
	s5 =	simm.s32 $0x7400  }
0x7f: {  	s7 =	simm.s32 $0x7;
	s24 =	simm.s32 $0x2000;
	[smem:$0x7F9] =	sst s25  }
0x80: {  	s25 =	simm.s32 $0x2A00;
	[smem:$0x7F8] =	sst s24;
	s24 =	simm.s32 $0x5  }
0x81: {  	[smem:$0x7FD] =	sst s25;
	s0 =	sadd.s32 $0xFFFFFFFF, s0;
	s25 =	simm.s32 $0x6  }
0x82: {  	[tilespmem:s3], [sflag:$0xD] =	stream.linear.gather [hbm4b:s1+s3], $0x3400, $0x38;
	[tilespmem:$0x1B400] =	vst v63  }
0x83: {  	_ =	swait.ge [sflag:s31], $0x3400  }
0x84: {  	[sflag:s31] =	ssyncset.done $0x0  }
0x85: {  	[sflag:s31] =	ssyncadd.s32 $0xFFFFCC00  }
0x86: {  	[tilespmem:s6], [sflag:$0x1] =	stream.indirect.gather [hbm4b:s2+s13], $0x20, s3, s13, $0xb8;
	[tilespmem:$0x1B400] =	vst v63  }
0x87: {  	s1 =	rddreg [dreg:$0x1d]  }
0x88: {  	[tilespmem:s5], [sflag:$0x2] =	stream.indirect.gather [hbm4b:s2+s13], $0x20, s13, s13, $0xb8;
	[tilespmem:$0x1B400] =	vst v63  }
0x89: {  	s26 =	smov.u32 s0;
	s0 =	rddreg [dreg:$0x1e]  }
0x8a: {  	[tilespmem:s16], [sflag:$0x3] =	stream.indirect.gather [hbm4b:s2+s13], $0x20, s1, s13, $0xb8;
	[tilespmem:$0x1B400] =	vst v63  }
0x8b: {  	s1 =	rddreg [dreg:$0x1f]  }
0x8c: {  	[tilespmem:s15], [sflag:$0x4] =	stream.indirect.gather [hbm4b:s2+s13], $0x20, s0, s13, $0xb8;
	[tilespmem:$0x1B400] =	vst v63  }
0x8d: {  	s0 =	sld [smem:$0x7ED]  }
0x8e: {  	[tilespmem:s14], [sflag:$0x5] =	stream.indirect.gather [hbm4b:s2+s13], $0x20, s1, s13, $0xb8;
	[tilespmem:$0x1B400] =	vst v63  }
0x8f: {  	_ = 	snop  }
0x90: {  	[tilespmem:s12], [sflag:$0x6] =	stream.indirect.gather [hbm4b:s2+s13], $0x20, s0, s13, $0xb8;
	[tilespmem:$0x1B400] =	vst v63  }
0x91: {  	_ =	swait.ge [sflag:s10], $0x4000  }
0x92: {  	[sflag:s10] =	ssyncset.done $0x0  }
0x93: {  	[sflag:s10] =	ssyncadd.s32 $0xFFFFC000  }
0x94: {  	[hbm4b:s4+s9] =	stream.strided.scatter [tilespmem:s6], [sflag:$0x7], $0x4000, s11, s9, $0x38;
	[tilespmem:$0x1B400] =	vst v63  }
0x95: {  	_ =	swait.ge [sflag:s7], $0x4000  }
0x96: {  	s1 =	sld [smem:$0x7EE]  }
0x97: {  	[sflag:s7] =	ssyncset.done $0x0  }
0x98: {  	[sflag:s7] =	ssyncadd.s32 $0xFFFFC000  }
0x99: {  	[tilespmem:s6], [sflag:$0x1] =	stream.indirect.gather [hbm4b:s2+s13], $0x20, s1, s13, $0xb8;
	[tilespmem:$0x1B400] =	vst v63  }
0x9a: {  	_ =	swait.ge [sflag:s17], $0x4000  }
0x9b: {  	[sflag:s17] =	ssyncset.done $0x0  }
0x9c: {  	s1 =	rddreg [dreg:$0x4];
	[sflag:s17] =	ssyncadd.s32 $0xFFFFC000  }
0x9d: {  	[hbm4b:s1+s9] =	stream.strided.scatter [tilespmem:s5], [sflag:$0x8], $0x4000, s11, s9, $0x38;
	[tilespmem:$0x1B400] =	vst v63  }
0x9e: {  	_ =	swait.ge [sflag:s8], $0x4000  }
0x9f: {  	s1 =	sld [smem:$0x7EF]  }
0xa0: {  	[sflag:s8] =	ssyncset.done $0x0  }
0xa1: {  	[sflag:s8] =	ssyncadd.s32 $0xFFFFC000  }
0xa2: {  	[tilespmem:s5], [sflag:$0x2] =	stream.indirect.gather [hbm4b:s2+s13], $0x20, s1, s13, $0xb8;
	[tilespmem:$0x1B400] =	vst v63  }
0xa3: {  	_ =	swait.ge [sflag:s22], $0x4000  }
0xa4: {  	[sflag:s22] =	ssyncset.done $0x0  }
0xa5: {  	s1 =	rddreg [dreg:$0x5];
	[sflag:s22] =	ssyncadd.s32 $0xFFFFC000  }
0xa6: {  	[hbm4b:s1+s9] =	stream.strided.scatter [tilespmem:s16], [sflag:$0x9], $0x4000, s11, s9, $0x38;
	[tilespmem:$0x1B400] =	vst v63  }
0xa7: {  	_ =	swait.ge [sflag:s18], $0x4000  }
0xa8: {  	s1 =	sld [smem:$0x7F0]  }
0xa9: {  	[sflag:s18] =	ssyncset.done $0x0  }
0xaa: {  	[sflag:s18] =	ssyncadd.s32 $0xFFFFC000  }
0xab: {  	[tilespmem:s16], [sflag:$0x3] =	stream.indirect.gather [hbm4b:s2+s13], $0x20, s1, s13, $0xb8;
	[tilespmem:$0x1B400] =	vst v63  }
0xac: {  	_ =	swait.ge [sflag:s23], $0x4000  }
0xad: {  	[sflag:s23] =	ssyncset.done $0x0  }
0xae: {  	s1 =	rddreg [dreg:$0x6];
	[sflag:s23] =	ssyncadd.s32 $0xFFFFC000  }
0xaf: {  	[hbm4b:s1+s9] =	stream.strided.scatter [tilespmem:s15], [sflag:$0xA], $0x4000, s11, s9, $0x38;
	[tilespmem:$0x1B400] =	vst v63  }
0xb0: {  	_ =	swait.ge [sflag:s19], $0x4000  }
0xb1: {  	s1 =	sld [smem:$0x7F1]  }
0xb2: {  	[sflag:s19] =	ssyncset.done $0x0  }
0xb3: {  	[sflag:s19] =	ssyncadd.s32 $0xFFFFC000  }
0xb4: {  	[tilespmem:s15], [sflag:$0x4] =	stream.indirect.gather [hbm4b:s2+s13], $0x20, s1, s13, $0xb8;
	[tilespmem:$0x1B400] =	vst v63  }
0xb5: {  	_ =	swait.ge [sflag:s24], $0x4000  }
0xb6: {  	[sflag:s24] =	ssyncset.done $0x0  }
0xb7: {  	s1 =	rddreg [dreg:$0x7];
	[sflag:s24] =	ssyncadd.s32 $0xFFFFC000  }
0xb8: {  	[hbm4b:s1+s9] =	stream.strided.scatter [tilespmem:s14], [sflag:$0xB], $0x4000, s11, s9, $0x38;
	[tilespmem:$0x1B400] =	vst v63  }
0xb9: {  	_ =	swait.ge [sflag:s20], $0x4000  }
0xba: {  	s1 =	sld [smem:$0x7F2]  }
0xbb: {  	[sflag:s20] =	ssyncset.done $0x0  }
0xbc: {  	[sflag:s20] =	ssyncadd.s32 $0xFFFFC000  }
0xbd: {  	[tilespmem:s14], [sflag:$0x5] =	stream.indirect.gather [hbm4b:s2+s13], $0x20, s1, s13, $0xb8;
	[tilespmem:$0x1B400] =	vst v63  }
0xbe: {  	_ =	swait.ge [sflag:s25], $0x4000  }
0xbf: {  	[sflag:s25] =	ssyncset.done $0x0  }
0xc0: {  	s1 =	rddreg [dreg:$0x8];
	[sflag:s25] =	ssyncadd.s32 $0xFFFFC000  }
0xc1: {  	[hbm4b:s1+s9] =	stream.strided.scatter [tilespmem:s12], [sflag:$0xC], $0x4000, s11, s9, $0x38;
	[tilespmem:$0x1B400] =	vst v63  }
0xc2: {  	_ =	swait.ge [sflag:s21], $0x4000  }
0xc3: {  	s1 =	sld [smem:$0x7F3]  }
0xc4: {  	[sflag:s21] =	ssyncset.done $0x0  }
0xc5: {  	[sflag:s21] =	ssyncadd.s32 $0xFFFFC000  }
0xc6: {  	[tilespmem:s12], [sflag:$0x6] =	stream.indirect.gather [hbm4b:s2+s13], $0x20, s1, s13, $0xb8;
	[tilespmem:$0x1B400] =	vst v63  }
0xc7: {  	_ =	swait.ge [sflag:s10], $0x4000  }
0xc8: {  	[sflag:s10] =	ssyncset.done $0x0  }
0xc9: {  	s1 =	rddreg [dreg:$0x9];
	[sflag:s10] =	ssyncadd.s32 $0xFFFFC000  }
0xca: {  	[hbm4b:s1+s9] =	stream.strided.scatter [tilespmem:s6], [sflag:$0x7], $0x4000, s11, s9, $0x38;
	[tilespmem:$0x1B400] =	vst v63  }
0xcb: {  	_ =	swait.ge [sflag:s7], $0x4000  }
0xcc: {  	s1 =	sld [smem:$0x7F4]  }
0xcd: {  	[sflag:s7] =	ssyncset.done $0x0  }
0xce: {  	[sflag:s7] =	ssyncadd.s32 $0xFFFFC000  }
0xcf: {  	[tilespmem:s6], [sflag:$0x1] =	stream.indirect.gather [hbm4b:s2+s13], $0x20, s1, s13, $0xb8;
	[tilespmem:$0x1B400] =	vst v63  }
0xd0: {  	_ =	swait.ge [sflag:s17], $0x4000  }
0xd1: {  	[sflag:s17] =	ssyncset.done $0x0  }
0xd2: {  	s1 =	rddreg [dreg:$0xa];
	[sflag:s17] =	ssyncadd.s32 $0xFFFFC000  }
0xd3: {  	[hbm4b:s1+s9] =	stream.strided.scatter [tilespmem:s5], [sflag:$0x8], $0x4000, s11, s9, $0x38;
	[tilespmem:$0x1B400] =	vst v63  }
0xd4: {  	_ =	swait.ge [sflag:s8], $0x4000  }
0xd5: {  	s1 =	sld [smem:$0x7F5]  }
0xd6: {  	[sflag:s8] =	ssyncset.done $0x0  }
0xd7: {  	[sflag:s8] =	ssyncadd.s32 $0xFFFFC000  }
0xd8: {  	[tilespmem:s5], [sflag:$0x2] =	stream.indirect.gather [hbm4b:s2+s13], $0x20, s1, s13, $0xb8;
	[tilespmem:$0x1B400] =	vst v63  }
0xd9: {  	_ =	swait.ge [sflag:s22], $0x4000  }
0xda: {  	[sflag:s22] =	ssyncset.done $0x0  }
0xdb: {  	s1 =	rddreg [dreg:$0xb];
	[sflag:s22] =	ssyncadd.s32 $0xFFFFC000  }
0xdc: {  	[hbm4b:s1+s9] =	stream.strided.scatter [tilespmem:s16], [sflag:$0x9], $0x4000, s11, s9, $0x38;
	[tilespmem:$0x1B400] =	vst v63  }
0xdd: {  	_ =	swait.ge [sflag:s18], $0x4000  }
0xde: {  	s1 =	sld [smem:$0x7F6]  }
0xdf: {  	[sflag:s18] =	ssyncset.done $0x0  }
0xe0: {  	[sflag:s18] =	ssyncadd.s32 $0xFFFFC000  }
0xe1: {  	[tilespmem:s16], [sflag:$0x3] =	stream.indirect.gather [hbm4b:s2+s13], $0x20, s1, s13, $0xb8;
	[tilespmem:$0x1B400] =	vst v63  }
0xe2: {  	_ =	swait.ge [sflag:s23], $0x4000  }
0xe3: {  	[sflag:s23] =	ssyncset.done $0x0  }
0xe4: {  	s1 =	rddreg [dreg:$0xc];
	[sflag:s23] =	ssyncadd.s32 $0xFFFFC000  }
0xe5: {  	[hbm4b:s1+s9] =	stream.strided.scatter [tilespmem:s15], [sflag:$0xA], $0x4000, s11, s9, $0x38;
	[tilespmem:$0x1B400] =	vst v63  }
0xe6: {  	_ =	swait.ge [sflag:s19], $0x4000  }
0xe7: {  	s1 =	sld [smem:$0x7F7]  }
0xe8: {  	[sflag:s19] =	ssyncset.done $0x0  }
0xe9: {  	[sflag:s19] =	ssyncadd.s32 $0xFFFFC000  }
0xea: {  	[tilespmem:s15], [sflag:$0x4] =	stream.indirect.gather [hbm4b:s2+s13], $0x20, s1, s13, $0xb8;
	[tilespmem:$0x1B400] =	vst v63  }
0xeb: {  	_ =	swait.ge [sflag:s24], $0x4000  }
0xec: {  	[sflag:s24] =	ssyncset.done $0x0  }
0xed: {  	s1 =	rddreg [dreg:$0xd];
	[sflag:s24] =	ssyncadd.s32 $0xFFFFC000  }
0xee: {  	[hbm4b:s1+s9] =	stream.strided.scatter [tilespmem:s14], [sflag:$0xB], $0x4000, s11, s9, $0x38;
	[tilespmem:$0x1B400] =	vst v63  }
0xef: {  	_ =	swait.ge [sflag:s20], $0x4000  }
0xf0: {  	s1 =	sld [smem:$0x7F8]  }
0xf1: {  	[sflag:s20] =	ssyncset.done $0x0  }
0xf2: {  	[sflag:s20] =	ssyncadd.s32 $0xFFFFC000  }
0xf3: {  	[tilespmem:s14], [sflag:$0x5] =	stream.indirect.gather [hbm4b:s2+s13], $0x20, s1, s13, $0xb8;
	[tilespmem:$0x1B400] =	vst v63  }
0xf4: {  	_ =	swait.ge [sflag:s25], $0x4000  }
0xf5: {  	[sflag:s25] =	ssyncset.done $0x0  }
0xf6: {  	s1 =	rddreg [dreg:$0xe];
	[sflag:s25] =	ssyncadd.s32 $0xFFFFC000  }
0xf7: {  	[hbm4b:s1+s9] =	stream.strided.scatter [tilespmem:s12], [sflag:$0xC], $0x4000, s11, s9, $0x38;
	[tilespmem:$0x1B400] =	vst v63  }
0xf8: {  	_ =	swait.ge [sflag:s21], $0x4000  }
0xf9: {  	s1 =	sld [smem:$0x7F9]  }
0xfa: {  	[sflag:s21] =	ssyncset.done $0x0  }
0xfb: {  	[sflag:s21] =	ssyncadd.s32 $0xFFFFC000  }
0xfc: {  	[tilespmem:s12], [sflag:$0x6] =	stream.indirect.gather [hbm4b:s2+s13], $0x20, s1, s13, $0xb8;
	[tilespmem:$0x1B400] =	vst v63  }
0xfd: {  	_ =	swait.ge [sflag:s10], $0x4000  }
0xfe: {  	[sflag:s10] =	ssyncset.done $0x0  }
0xff: {  	s1 =	rddreg [dreg:$0xf];
	[sflag:s10] =	ssyncadd.s32 $0xFFFFC000  }
0x100: {  	[hbm4b:s1+s9] =	stream.strided.scatter [tilespmem:s6], [sflag:$0x7], $0x4000, s11, s9, $0x38;
	[tilespmem:$0x1B400] =	vst v63  }
0x101: {  	_ =	swait.ge [sflag:s7], $0x4000  }
0x102: {  	s1 =	sld [smem:$0x7FA]  }
0x103: {  	[sflag:s7] =	ssyncset.done $0x0  }
0x104: {  	[sflag:s7] =	ssyncadd.s32 $0xFFFFC000  }
0x105: {  	[tilespmem:s6], [sflag:$0x1] =	stream.indirect.gather [hbm4b:s2+s13], $0x20, s1, s13, $0xb8;
	[tilespmem:$0x1B400] =	vst v63  }
0x106: {  	_ =	swait.ge [sflag:s17], $0x4000  }
0x107: {  	[sflag:s17] =	ssyncset.done $0x0  }
0x108: {  	s1 =	rddreg [dreg:$0x10];
	[sflag:s17] =	ssyncadd.s32 $0xFFFFC000  }
0x109: {  	[hbm4b:s1+s9] =	stream.strided.scatter [tilespmem:s5], [sflag:$0x8], $0x4000, s11, s9, $0x38;
	[tilespmem:$0x1B400] =	vst v63  }
0x10a: {  	_ =	swait.ge [sflag:s8], $0x4000  }
0x10b: {  	s1 =	sld [smem:$0x7FB]  }
0x10c: {  	[sflag:s8] =	ssyncset.done $0x0  }
0x10d: {  	[sflag:s8] =	ssyncadd.s32 $0xFFFFC000  }
0x10e: {  	[tilespmem:s5], [sflag:$0x2] =	stream.indirect.gather [hbm4b:s2+s13], $0x20, s1, s13, $0xb8;
	[tilespmem:$0x1B400] =	vst v63  }
0x10f: {  	_ =	swait.ge [sflag:s22], $0x4000  }
0x110: {  	[sflag:s22] =	ssyncset.done $0x0  }
0x111: {  	s1 =	rddreg [dreg:$0x11];
	[sflag:s22] =	ssyncadd.s32 $0xFFFFC000  }
0x112: {  	[hbm4b:s1+s9] =	stream.strided.scatter [tilespmem:s16], [sflag:$0x9], $0x4000, s11, s9, $0x38;
	[tilespmem:$0x1B400] =	vst v63  }
0x113: {  	_ =	swait.ge [sflag:s18], $0x4000  }
0x114: {  	s1 =	sld [smem:$0x7FC]  }
0x115: {  	[sflag:s18] =	ssyncset.done $0x0  }
0x116: {  	[sflag:s18] =	ssyncadd.s32 $0xFFFFC000  }
0x117: {  	[tilespmem:s16], [sflag:$0x3] =	stream.indirect.gather [hbm4b:s2+s13], $0x20, s1, s13, $0xb8;
	[tilespmem:$0x1B400] =	vst v63  }
0x118: {  	_ =	swait.ge [sflag:s23], $0x4000  }
0x119: {  	[sflag:s23] =	ssyncset.done $0x0  }
0x11a: {  	s1 =	rddreg [dreg:$0x12];
	[sflag:s23] =	ssyncadd.s32 $0xFFFFC000  }
0x11b: {  	[hbm4b:s1+s9] =	stream.strided.scatter [tilespmem:s15], [sflag:$0xA], $0x4000, s11, s9, $0x38;
	[tilespmem:$0x1B400] =	vst v63  }
0x11c: {  	_ =	swait.ge [sflag:s19], $0x4000  }
0x11d: {  	s1 =	sld [smem:$0x7FD]  }
0x11e: {  	[sflag:s19] =	ssyncset.done $0x0  }
0x11f: {  	[sflag:s19] =	ssyncadd.s32 $0xFFFFC000  }
0x120: {  	[tilespmem:s15], [sflag:$0x4] =	stream.indirect.gather [hbm4b:s2+s13], $0x20, s1, s13, $0xb8;
	[tilespmem:$0x1B400] =	vst v63  }
0x121: {  	_ =	swait.ge [sflag:s24], $0x4000  }
0x122: {  	[sflag:s24] =	ssyncset.done $0x0  }
0x123: {  	s1 =	rddreg [dreg:$0x13];
	[sflag:s24] =	ssyncadd.s32 $0xFFFFC000  }
0x124: {  	[hbm4b:s1+s9] =	stream.strided.scatter [tilespmem:s14], [sflag:$0xB], $0x4000, s11, s9, $0x38;
	[tilespmem:$0x1B400] =	vst v63  }
0x125: {  	_ =	swait.ge [sflag:s20], $0x4000  }
0x126: {  	[sflag:s20] =	ssyncset.done $0x0  }
0x127: {  	s1 =	simm.s32 $0x2C00;
	[sflag:s20] =	ssyncadd.s32 $0xFFFFC000  }
0x128: {  	[tilespmem:s14], [sflag:$0x5] =	stream.indirect.gather [hbm4b:s2+s13], $0x20, s1, s13, $0xb8;
	[tilespmem:$0x1B400] =	vst v63  }
0x129: {  	_ =	swait.ge [sflag:s25], $0x4000  }
0x12a: {  	[sflag:s25] =	ssyncset.done $0x0  }
0x12b: {  	s1 =	rddreg [dreg:$0x14];
	[sflag:s25] =	ssyncadd.s32 $0xFFFFC000  }
0x12c: {  	[hbm4b:s1+s9] =	stream.strided.scatter [tilespmem:s12], [sflag:$0xC], $0x4000, s11, s9, $0x38;
	[tilespmem:$0x1B400] =	vst v63  }
0x12d: {  	_ =	swait.ge [sflag:s21], $0x4000  }
0x12e: {  	[sflag:s21] =	ssyncset.done $0x0  }
0x12f: {  	[sflag:s21] =	ssyncadd.s32 $0xFFFFC000  }
0x130: {  	[tilespmem:s12], [sflag:$0x6] =	stream.indirect.gather [hbm4b:s2+s13], $0x20, s30, s13, $0xb8;
	[tilespmem:$0x1B400] =	vst v63  }
0x131: {  	_ =	swait.ge [sflag:s10], $0x4000  }
0x132: {  	[sflag:s10] =	ssyncset.done $0x0  }
0x133: {  	s1 =	rddreg [dreg:$0x15];
	[sflag:s10] =	ssyncadd.s32 $0xFFFFC000  }
0x134: {  	[hbm4b:s1+s9] =	stream.strided.scatter [tilespmem:s6], [sflag:$0x7], $0x4000, s11, s9, $0x38;
	[tilespmem:$0x1B400] =	vst v63  }
0x135: {  	_ =	swait.ge [sflag:s7], $0x4000  }
0x136: {  	[sflag:s7] =	ssyncset.done $0x0  }
0x137: {  	[sflag:s7] =	ssyncadd.s32 $0xFFFFC000  }
0x138: {  	[tilespmem:s6], [sflag:$0x1] =	stream.indirect.gather [hbm4b:s2+s13], $0x20, s29, s13, $0xb8;
	[tilespmem:$0x1B400] =	vst v63  }
0x139: {  	_ =	swait.ge [sflag:s17], $0x4000  }
0x13a: {  	[sflag:s17] =	ssyncset.done $0x0  }
0x13b: {  	s1 =	rddreg [dreg:$0x16];
	[sflag:s17] =	ssyncadd.s32 $0xFFFFC000  }
0x13c: {  	[hbm4b:s1+s9] =	stream.strided.scatter [tilespmem:s5], [sflag:$0x8], $0x4000, s11, s9, $0x38;
	[tilespmem:$0x1B400] =	vst v63  }
0x13d: {  	_ =	swait.ge [sflag:s8], $0x4000  }
0x13e: {  	[sflag:s8] =	ssyncset.done $0x0  }
0x13f: {  	[sflag:s8] =	ssyncadd.s32 $0xFFFFC000  }
0x140: {  	[tilespmem:s5], [sflag:$0x2] =	stream.indirect.gather [hbm4b:s2+s13], $0x20, s28, s13, $0xb8;
	[tilespmem:$0x1B400] =	vst v63  }
0x141: {  	_ =	swait.ge [sflag:s22], $0x4000  }
0x142: {  	[sflag:s22] =	ssyncset.done $0x0  }
0x143: {  	s1 =	rddreg [dreg:$0x17];
	[sflag:s22] =	ssyncadd.s32 $0xFFFFC000  }
0x144: {  	[hbm4b:s1+s9] =	stream.strided.scatter [tilespmem:s16], [sflag:$0x9], $0x4000, s11, s9, $0x38;
	[tilespmem:$0x1B400] =	vst v63  }
0x145: {  	_ =	swait.ge [sflag:s23], $0x4000  }
0x146: {  	[sflag:s23] =	ssyncset.done $0x0  }
0x147: {  	s1 =	rddreg [dreg:$0x18];
	[sflag:s23] =	ssyncadd.s32 $0xFFFFC000  }
0x148: {  	[hbm4b:s1+s9] =	stream.strided.scatter [tilespmem:s15], [sflag:$0xA], $0x4000, s11, s9, $0x38;
	[tilespmem:$0x1B400] =	vst v63  }
0x149: {  	_ =	swait.ge [sflag:s24], $0x4000  }
0x14a: {  	[sflag:s24] =	ssyncset.done $0x0  }
0x14b: {  	s1 =	rddreg [dreg:$0x19];
	[sflag:s24] =	ssyncadd.s32 $0xFFFFC000  }
0x14c: {  	[hbm4b:s1+s9] =	stream.strided.scatter [tilespmem:s14], [sflag:$0xB], $0x4000, s11, s9, $0x38;
	[tilespmem:$0x1B400] =	vst v63  }
0x14d: {  	_ =	swait.ge [sflag:s25], $0x4000  }
0x14e: {  	[sflag:s25] =	ssyncset.done $0x0  }
0x14f: {  	s1 =	rddreg [dreg:$0x1a];
	[sflag:s25] =	ssyncadd.s32 $0xFFFFC000  }
0x150: {  	[hbm4b:s1+s9] =	stream.strided.scatter [tilespmem:s12], [sflag:$0xC], $0x4000, s11, s9, $0x38;
	[tilespmem:$0x1B400] =	vst v63  }
0x151: {  	_ =	swait.ge [sflag:s10], $0x4000  }
0x152: {  	[sflag:s10] =	ssyncset.done $0x0  }
0x153: {  	s1 =	rddreg [dreg:$0x1b];
	[sflag:s10] =	ssyncadd.s32 $0xFFFFC000  }
0x154: {  	[hbm4b:s1+s9] =	stream.strided.scatter [tilespmem:s6], [sflag:$0x7], $0x4000, s11, s9, $0x38;
	[tilespmem:$0x1B400] =	vst v63  }
0x155: {  	_ =	swait.ge [sflag:s17], $0x4000  }
0x156: {  	[sflag:s17] =	ssyncset.done $0x0  }
0x157: {  	s1 =	rddreg [dreg:$0x1c];
	[sflag:s17] =	ssyncadd.s32 $0xFFFFC000  }
0x158: {  	[hbm4b:s1+s9] =	stream.strided.scatter [tilespmem:s5], [sflag:$0x8], $0x4000, s11, s9, $0x38;
	[tilespmem:$0x1B400] =	vst v63  }
0x159: {  	_ =	swait.ge [sflag:s18], $0x4000  }
0x15a: {  	[sflag:s18] =	ssyncset.done $0x0  }
0x15b: {  	[sflag:s18] =	ssyncadd.s32 $0xFFFFC000  }
0x15c: {  	_ =	swait.ge [sflag:s19], $0x4000  }
0x15d: {  	[sflag:s19] =	ssyncset.done $0x0  }
0x15e: {  	[sflag:s19] =	ssyncadd.s32 $0xFFFFC000  }
0x15f: {  	_ =	swait.ge [sflag:s20], $0x4000  }
0x160: {  	[sflag:s20] =	ssyncset.done $0x0  }
0x161: {  	[sflag:s20] =	ssyncadd.s32 $0xFFFFC000  }
0x162: {  	_ =	swait.ge [sflag:s21], $0x4000  }
0x163: {  	[sflag:s21] =	ssyncset.done $0x0  }
0x164: {  	p1 =	sne.s32 s26, $0x1;
	[sflag:s21] =	ssyncadd.s32 $0xFFFFC000  }
.Ltmp1:
0x165: {  	_ =	swait.ge [sflag:s7], $0x4000;
	(pc) =	sbr.rel @!p1 .LBB2_3-.Ltmp1, $4  }
0x166: {  	[sflag:s7] =	ssyncset.done $0x0  }
0x167: {  	[sflag:s7] =	ssyncadd.s32 $0xFFFFC000  }
0x168: {  	p0 =	por $0x1, $0x1;
	_ =	swait.ge [sflag:s8], $0x4000  }
0x169: {  	s0 =	sadd.s32 $0xFFFFFFFF, s26;
	s1 =	rddreg [dreg:$0x3];
	[sflag:s8] =	ssyncset.done $0x0  }
.LBB2_4:
0x16a: {  	[sflag:s8] =	ssyncadd.s32 $0xFFFFC000  }
0x16b: {  	[tilespmem:s3], [sflag:$0xD] =	stream.linear.gather [hbm4b:s1+s3], $0x3400, $0x38;
	[tilespmem:$0x1B400] =	vst v63  }
0x16c: {  	_ =	swait.ge [sflag:s31], $0x3400  }
0x16d: {  	[sflag:s31] =	ssyncset.done $0x0  }
0x16e: {  	[sflag:s31] =	ssyncadd.s32 $0xFFFFCC00  }
0x16f: {  	[tilespmem:s6], [sflag:$0x1] =	stream.indirect.gather [hbm4b:s2+s13], $0x20, s3, s13, $0xb8;
	[tilespmem:$0x1B400] =	vst v63  }
0x170: {  	s1 =	rddreg [dreg:$0x1d]  }
0x171: {  	[tilespmem:s5], [sflag:$0x2] =	stream.indirect.gather [hbm4b:s2+s13], $0x20, s13, s13, $0xb8;
	[tilespmem:$0x1B400] =	vst v63  }
0x172: {  	s26 =	rddreg [dreg:$0x1e]  }
0x173: {  	[tilespmem:s16], [sflag:$0x3] =	stream.indirect.gather [hbm4b:s2+s13], $0x20, s1, s13, $0xb8;
	[tilespmem:$0x1B400] =	vst v63  }
0x174: {  	s1 =	rddreg [dreg:$0x1f]  }
0x175: {  	[tilespmem:s15], [sflag:$0x4] =	stream.indirect.gather [hbm4b:s2+s13], $0x20, s26, s13, $0xb8;
	[tilespmem:$0x1B400] =	vst v63  }
0x176: {  	s26 =	sld [smem:$0x7ED]  }
0x177: {  	[tilespmem:s14], [sflag:$0x5] =	stream.indirect.gather [hbm4b:s2+s13], $0x20, s1, s13, $0xb8;
	[tilespmem:$0x1B400] =	vst v63  }
0x178: {  	_ = 	snop  }
0x179: {  	[tilespmem:s12], [sflag:$0x6] =	stream.indirect.gather [hbm4b:s2+s13], $0x20, s26, s13, $0xb8;
	[tilespmem:$0x1B400] =	vst v63  }
0x17a: {  	_ =	swait.ge [sflag:s10], $0x4000  }
0x17b: {  	[sflag:s10] =	ssyncset.done $0x0  }
0x17c: {  	[sflag:s10] =	ssyncadd.s32 $0xFFFFC000  }
0x17d: {  	[hbm4b:s4+s9] =	stream.strided.scatter [tilespmem:s6], [sflag:$0x7], $0x4000, s11, s9, $0x38;
	[tilespmem:$0x1B400] =	vst v63  }
0x17e: {  	_ =	swait.ge [sflag:s7], $0x4000  }
0x17f: {  	s26 =	sld [smem:$0x7EE]  }
0x180: {  	[sflag:s7] =	ssyncset.done $0x0  }
0x181: {  	[sflag:s7] =	ssyncadd.s32 $0xFFFFC000  }
0x182: {  	[tilespmem:s6], [sflag:$0x1] =	stream.indirect.gather [hbm4b:s2+s13], $0x20, s26, s13, $0xb8;
	[tilespmem:$0x1B400] =	vst v63  }
0x183: {  	_ =	swait.ge [sflag:s17], $0x4000  }
0x184: {  	[sflag:s17] =	ssyncset.done $0x0  }
0x185: {  	s26 =	rddreg [dreg:$0x4];
	[sflag:s17] =	ssyncadd.s32 $0xFFFFC000  }
0x186: {  	[hbm4b:s26+s9] =	stream.strided.scatter [tilespmem:s5], [sflag:$0x8], $0x4000, s11, s9, $0x38;
	[tilespmem:$0x1B400] =	vst v63  }
0x187: {  	_ =	swait.ge [sflag:s8], $0x4000  }
0x188: {  	s26 =	sld [smem:$0x7EF]  }
0x189: {  	[sflag:s8] =	ssyncset.done $0x0  }
0x18a: {  	[sflag:s8] =	ssyncadd.s32 $0xFFFFC000  }
0x18b: {  	[tilespmem:s5], [sflag:$0x2] =	stream.indirect.gather [hbm4b:s2+s13], $0x20, s26, s13, $0xb8;
	[tilespmem:$0x1B400] =	vst v63  }
0x18c: {  	_ =	swait.ge [sflag:s22], $0x4000  }
0x18d: {  	[sflag:s22] =	ssyncset.done $0x0  }
0x18e: {  	s26 =	rddreg [dreg:$0x5];
	[sflag:s22] =	ssyncadd.s32 $0xFFFFC000  }
0x18f: {  	[hbm4b:s26+s9] =	stream.strided.scatter [tilespmem:s16], [sflag:$0x9], $0x4000, s11, s9, $0x38;
	[tilespmem:$0x1B400] =	vst v63  }
0x190: {  	_ =	swait.ge [sflag:s18], $0x4000  }
0x191: {  	s26 =	sld [smem:$0x7F0]  }
0x192: {  	[sflag:s18] =	ssyncset.done $0x0  }
0x193: {  	[sflag:s18] =	ssyncadd.s32 $0xFFFFC000  }
0x194: {  	[tilespmem:s16], [sflag:$0x3] =	stream.indirect.gather [hbm4b:s2+s13], $0x20, s26, s13, $0xb8;
	[tilespmem:$0x1B400] =	vst v63  }
0x195: {  	_ =	swait.ge [sflag:s23], $0x4000  }
0x196: {  	[sflag:s23] =	ssyncset.done $0x0  }
0x197: {  	s26 =	rddreg [dreg:$0x6];
	[sflag:s23] =	ssyncadd.s32 $0xFFFFC000  }
0x198: {  	[hbm4b:s26+s9] =	stream.strided.scatter [tilespmem:s15], [sflag:$0xA], $0x4000, s11, s9, $0x38;
	[tilespmem:$0x1B400] =	vst v63  }
0x199: {  	_ =	swait.ge [sflag:s19], $0x4000  }
0x19a: {  	s26 =	sld [smem:$0x7F1]  }
0x19b: {  	[sflag:s19] =	ssyncset.done $0x0  }
0x19c: {  	[sflag:s19] =	ssyncadd.s32 $0xFFFFC000  }
0x19d: {  	[tilespmem:s15], [sflag:$0x4] =	stream.indirect.gather [hbm4b:s2+s13], $0x20, s26, s13, $0xb8;
	[tilespmem:$0x1B400] =	vst v63  }
0x19e: {  	_ =	swait.ge [sflag:s24], $0x4000  }
0x19f: {  	[sflag:s24] =	ssyncset.done $0x0  }
0x1a0: {  	s26 =	rddreg [dreg:$0x7];
	[sflag:s24] =	ssyncadd.s32 $0xFFFFC000  }
0x1a1: {  	[hbm4b:s26+s9] =	stream.strided.scatter [tilespmem:s14], [sflag:$0xB], $0x4000, s11, s9, $0x38;
	[tilespmem:$0x1B400] =	vst v63  }
0x1a2: {  	_ =	swait.ge [sflag:s20], $0x4000  }
0x1a3: {  	s26 =	sld [smem:$0x7F2]  }
0x1a4: {  	[sflag:s20] =	ssyncset.done $0x0  }
0x1a5: {  	[sflag:s20] =	ssyncadd.s32 $0xFFFFC000  }
0x1a6: {  	[tilespmem:s14], [sflag:$0x5] =	stream.indirect.gather [hbm4b:s2+s13], $0x20, s26, s13, $0xb8;
	[tilespmem:$0x1B400] =	vst v63  }
0x1a7: {  	_ =	swait.ge [sflag:s25], $0x4000  }
0x1a8: {  	[sflag:s25] =	ssyncset.done $0x0  }
0x1a9: {  	s26 =	rddreg [dreg:$0x8];
	[sflag:s25] =	ssyncadd.s32 $0xFFFFC000  }
0x1aa: {  	[hbm4b:s26+s9] =	stream.strided.scatter [tilespmem:s12], [sflag:$0xC], $0x4000, s11, s9, $0x38;
	[tilespmem:$0x1B400] =	vst v63  }
0x1ab: {  	_ =	swait.ge [sflag:s21], $0x4000  }
0x1ac: {  	s26 =	sld [smem:$0x7F3]  }
0x1ad: {  	[sflag:s21] =	ssyncset.done $0x0  }
0x1ae: {  	[sflag:s21] =	ssyncadd.s32 $0xFFFFC000  }
0x1af: {  	[tilespmem:s12], [sflag:$0x6] =	stream.indirect.gather [hbm4b:s2+s13], $0x20, s26, s13, $0xb8;
	[tilespmem:$0x1B400] =	vst v63  }
0x1b0: {  	_ =	swait.ge [sflag:s10], $0x4000  }
0x1b1: {  	[sflag:s10] =	ssyncset.done $0x0  }
0x1b2: {  	s26 =	rddreg [dreg:$0x9];
	[sflag:s10] =	ssyncadd.s32 $0xFFFFC000  }
0x1b3: {  	[hbm4b:s26+s9] =	stream.strided.scatter [tilespmem:s6], [sflag:$0x7], $0x4000, s11, s9, $0x38;
	[tilespmem:$0x1B400] =	vst v63  }
0x1b4: {  	_ =	swait.ge [sflag:s7], $0x4000  }
0x1b5: {  	s26 =	sld [smem:$0x7F4]  }
0x1b6: {  	[sflag:s7] =	ssyncset.done $0x0  }
0x1b7: {  	[sflag:s7] =	ssyncadd.s32 $0xFFFFC000  }
0x1b8: {  	[tilespmem:s6], [sflag:$0x1] =	stream.indirect.gather [hbm4b:s2+s13], $0x20, s26, s13, $0xb8;
	[tilespmem:$0x1B400] =	vst v63  }
0x1b9: {  	_ =	swait.ge [sflag:s17], $0x4000  }
0x1ba: {  	[sflag:s17] =	ssyncset.done $0x0  }
0x1bb: {  	s26 =	rddreg [dreg:$0xa];
	[sflag:s17] =	ssyncadd.s32 $0xFFFFC000  }
0x1bc: {  	[hbm4b:s26+s9] =	stream.strided.scatter [tilespmem:s5], [sflag:$0x8], $0x4000, s11, s9, $0x38;
	[tilespmem:$0x1B400] =	vst v63  }
0x1bd: {  	_ =	swait.ge [sflag:s8], $0x4000  }
0x1be: {  	s26 =	sld [smem:$0x7F5]  }
0x1bf: {  	[sflag:s8] =	ssyncset.done $0x0  }
0x1c0: {  	[sflag:s8] =	ssyncadd.s32 $0xFFFFC000  }
0x1c1: {  	[tilespmem:s5], [sflag:$0x2] =	stream.indirect.gather [hbm4b:s2+s13], $0x20, s26, s13, $0xb8;
	[tilespmem:$0x1B400] =	vst v63  }
0x1c2: {  	_ =	swait.ge [sflag:s22], $0x4000  }
0x1c3: {  	[sflag:s22] =	ssyncset.done $0x0  }
0x1c4: {  	s26 =	rddreg [dreg:$0xb];
	[sflag:s22] =	ssyncadd.s32 $0xFFFFC000  }
0x1c5: {  	[hbm4b:s26+s9] =	stream.strided.scatter [tilespmem:s16], [sflag:$0x9], $0x4000, s11, s9, $0x38;
	[tilespmem:$0x1B400] =	vst v63  }
0x1c6: {  	_ =	swait.ge [sflag:s18], $0x4000  }
0x1c7: {  	s26 =	sld [smem:$0x7F6]  }
0x1c8: {  	[sflag:s18] =	ssyncset.done $0x0  }
0x1c9: {  	[sflag:s18] =	ssyncadd.s32 $0xFFFFC000  }
0x1ca: {  	[tilespmem:s16], [sflag:$0x3] =	stream.indirect.gather [hbm4b:s2+s13], $0x20, s26, s13, $0xb8;
	[tilespmem:$0x1B400] =	vst v63  }
0x1cb: {  	_ =	swait.ge [sflag:s23], $0x4000  }
0x1cc: {  	[sflag:s23] =	ssyncset.done $0x0  }
0x1cd: {  	s26 =	rddreg [dreg:$0xc];
	[sflag:s23] =	ssyncadd.s32 $0xFFFFC000  }
0x1ce: {  	[hbm4b:s26+s9] =	stream.strided.scatter [tilespmem:s15], [sflag:$0xA], $0x4000, s11, s9, $0x38;
	[tilespmem:$0x1B400] =	vst v63  }
0x1cf: {  	_ =	swait.ge [sflag:s19], $0x4000  }
0x1d0: {  	s26 =	sld [smem:$0x7F7]  }
0x1d1: {  	[sflag:s19] =	ssyncset.done $0x0  }
0x1d2: {  	[sflag:s19] =	ssyncadd.s32 $0xFFFFC000  }
0x1d3: {  	[tilespmem:s15], [sflag:$0x4] =	stream.indirect.gather [hbm4b:s2+s13], $0x20, s26, s13, $0xb8;
	[tilespmem:$0x1B400] =	vst v63  }
0x1d4: {  	_ =	swait.ge [sflag:s24], $0x4000  }
0x1d5: {  	[sflag:s24] =	ssyncset.done $0x0  }
0x1d6: {  	s26 =	rddreg [dreg:$0xd];
	[sflag:s24] =	ssyncadd.s32 $0xFFFFC000  }
0x1d7: {  	[hbm4b:s26+s9] =	stream.strided.scatter [tilespmem:s14], [sflag:$0xB], $0x4000, s11, s9, $0x38;
	[tilespmem:$0x1B400] =	vst v63  }
0x1d8: {  	_ =	swait.ge [sflag:s20], $0x4000  }
0x1d9: {  	s26 =	sld [smem:$0x7F8]  }
0x1da: {  	[sflag:s20] =	ssyncset.done $0x0  }
0x1db: {  	[sflag:s20] =	ssyncadd.s32 $0xFFFFC000  }
0x1dc: {  	[tilespmem:s14], [sflag:$0x5] =	stream.indirect.gather [hbm4b:s2+s13], $0x20, s26, s13, $0xb8;
	[tilespmem:$0x1B400] =	vst v63  }
0x1dd: {  	_ =	swait.ge [sflag:s25], $0x4000  }
0x1de: {  	[sflag:s25] =	ssyncset.done $0x0  }
0x1df: {  	s26 =	rddreg [dreg:$0xe];
	[sflag:s25] =	ssyncadd.s32 $0xFFFFC000  }
0x1e0: {  	[hbm4b:s26+s9] =	stream.strided.scatter [tilespmem:s12], [sflag:$0xC], $0x4000, s11, s9, $0x38;
	[tilespmem:$0x1B400] =	vst v63  }
0x1e1: {  	_ =	swait.ge [sflag:s21], $0x4000  }
0x1e2: {  	s26 =	sld [smem:$0x7F9]  }
0x1e3: {  	[sflag:s21] =	ssyncset.done $0x0  }
0x1e4: {  	[sflag:s21] =	ssyncadd.s32 $0xFFFFC000  }
0x1e5: {  	[tilespmem:s12], [sflag:$0x6] =	stream.indirect.gather [hbm4b:s2+s13], $0x20, s26, s13, $0xb8;
	[tilespmem:$0x1B400] =	vst v63  }
0x1e6: {  	_ =	swait.ge [sflag:s10], $0x4000  }
0x1e7: {  	[sflag:s10] =	ssyncset.done $0x0  }
0x1e8: {  	s26 =	rddreg [dreg:$0xf];
	[sflag:s10] =	ssyncadd.s32 $0xFFFFC000  }
0x1e9: {  	[hbm4b:s26+s9] =	stream.strided.scatter [tilespmem:s6], [sflag:$0x7], $0x4000, s11, s9, $0x38;
	[tilespmem:$0x1B400] =	vst v63  }
0x1ea: {  	_ =	swait.ge [sflag:s7], $0x4000  }
0x1eb: {  	s26 =	sld [smem:$0x7FA]  }
0x1ec: {  	[sflag:s7] =	ssyncset.done $0x0  }
0x1ed: {  	[sflag:s7] =	ssyncadd.s32 $0xFFFFC000  }
0x1ee: {  	[tilespmem:s6], [sflag:$0x1] =	stream.indirect.gather [hbm4b:s2+s13], $0x20, s26, s13, $0xb8;
	[tilespmem:$0x1B400] =	vst v63  }
0x1ef: {  	_ =	swait.ge [sflag:s17], $0x4000  }
0x1f0: {  	[sflag:s17] =	ssyncset.done $0x0  }
0x1f1: {  	s26 =	rddreg [dreg:$0x10];
	[sflag:s17] =	ssyncadd.s32 $0xFFFFC000  }
0x1f2: {  	[hbm4b:s26+s9] =	stream.strided.scatter [tilespmem:s5], [sflag:$0x8], $0x4000, s11, s9, $0x38;
	[tilespmem:$0x1B400] =	vst v63  }
0x1f3: {  	_ =	swait.ge [sflag:s8], $0x4000  }
0x1f4: {  	s26 =	sld [smem:$0x7FB]  }
0x1f5: {  	[sflag:s8] =	ssyncset.done $0x0  }
0x1f6: {  	[sflag:s8] =	ssyncadd.s32 $0xFFFFC000  }
0x1f7: {  	[tilespmem:s5], [sflag:$0x2] =	stream.indirect.gather [hbm4b:s2+s13], $0x20, s26, s13, $0xb8;
	[tilespmem:$0x1B400] =	vst v63  }
0x1f8: {  	_ =	swait.ge [sflag:s22], $0x4000  }
0x1f9: {  	[sflag:s22] =	ssyncset.done $0x0  }
0x1fa: {  	s26 =	rddreg [dreg:$0x11];
	[sflag:s22] =	ssyncadd.s32 $0xFFFFC000  }
0x1fb: {  	[hbm4b:s26+s9] =	stream.strided.scatter [tilespmem:s16], [sflag:$0x9], $0x4000, s11, s9, $0x38;
	[tilespmem:$0x1B400] =	vst v63  }
0x1fc: {  	_ =	swait.ge [sflag:s18], $0x4000  }
0x1fd: {  	s26 =	sld [smem:$0x7FC]  }
0x1fe: {  	[sflag:s18] =	ssyncset.done $0x0  }
0x1ff: {  	[sflag:s18] =	ssyncadd.s32 $0xFFFFC000  }
0x200: {  	[tilespmem:s16], [sflag:$0x3] =	stream.indirect.gather [hbm4b:s2+s13], $0x20, s26, s13, $0xb8;
	[tilespmem:$0x1B400] =	vst v63  }
0x201: {  	_ =	swait.ge [sflag:s23], $0x4000  }
0x202: {  	[sflag:s23] =	ssyncset.done $0x0  }
0x203: {  	s26 =	rddreg [dreg:$0x12];
	[sflag:s23] =	ssyncadd.s32 $0xFFFFC000  }
0x204: {  	[hbm4b:s26+s9] =	stream.strided.scatter [tilespmem:s15], [sflag:$0xA], $0x4000, s11, s9, $0x38;
	[tilespmem:$0x1B400] =	vst v63  }
0x205: {  	_ =	swait.ge [sflag:s19], $0x4000  }
0x206: {  	s26 =	sld [smem:$0x7FD]  }
0x207: {  	[sflag:s19] =	ssyncset.done $0x0  }
0x208: {  	[sflag:s19] =	ssyncadd.s32 $0xFFFFC000  }
0x209: {  	[tilespmem:s15], [sflag:$0x4] =	stream.indirect.gather [hbm4b:s2+s13], $0x20, s26, s13, $0xb8;
	[tilespmem:$0x1B400] =	vst v63  }
0x20a: {  	_ =	swait.ge [sflag:s24], $0x4000  }
0x20b: {  	[sflag:s24] =	ssyncset.done $0x0  }
0x20c: {  	s26 =	rddreg [dreg:$0x13];
	[sflag:s24] =	ssyncadd.s32 $0xFFFFC000  }
0x20d: {  	[hbm4b:s26+s9] =	stream.strided.scatter [tilespmem:s14], [sflag:$0xB], $0x4000, s11, s9, $0x38;
	[tilespmem:$0x1B400] =	vst v63  }
0x20e: {  	_ =	swait.ge [sflag:s20], $0x4000  }
0x20f: {  	[sflag:s20] =	ssyncset.done $0x0  }
0x210: {  	s26 =	simm.s32 $0x2C00;
	[sflag:s20] =	ssyncadd.s32 $0xFFFFC000  }
0x211: {  	[tilespmem:s14], [sflag:$0x5] =	stream.indirect.gather [hbm4b:s2+s13], $0x20, s26, s13, $0xb8;
	[tilespmem:$0x1B400] =	vst v63  }
0x212: {  	_ =	swait.ge [sflag:s25], $0x4000  }
0x213: {  	[sflag:s25] =	ssyncset.done $0x0  }
0x214: {  	s26 =	rddreg [dreg:$0x14];
	[sflag:s25] =	ssyncadd.s32 $0xFFFFC000  }
0x215: {  	[hbm4b:s26+s9] =	stream.strided.scatter [tilespmem:s12], [sflag:$0xC], $0x4000, s11, s9, $0x38;
	[tilespmem:$0x1B400] =	vst v63  }
0x216: {  	_ =	swait.ge [sflag:s21], $0x4000  }
0x217: {  	[sflag:s21] =	ssyncset.done $0x0  }
0x218: {  	[sflag:s21] =	ssyncadd.s32 $0xFFFFC000  }
0x219: {  	[tilespmem:s12], [sflag:$0x6] =	stream.indirect.gather [hbm4b:s2+s13], $0x20, s30, s13, $0xb8;
	[tilespmem:$0x1B400] =	vst v63  }
0x21a: {  	_ =	swait.ge [sflag:s10], $0x4000  }
0x21b: {  	[sflag:s10] =	ssyncset.done $0x0  }
0x21c: {  	s26 =	rddreg [dreg:$0x15];
	[sflag:s10] =	ssyncadd.s32 $0xFFFFC000  }
0x21d: {  	[hbm4b:s26+s9] =	stream.strided.scatter [tilespmem:s6], [sflag:$0x7], $0x4000, s11, s9, $0x38;
	[tilespmem:$0x1B400] =	vst v63  }
0x21e: {  	_ =	swait.ge [sflag:s7], $0x4000  }
0x21f: {  	[sflag:s7] =	ssyncset.done $0x0  }
0x220: {  	[sflag:s7] =	ssyncadd.s32 $0xFFFFC000  }
0x221: {  	[tilespmem:s6], [sflag:$0x1] =	stream.indirect.gather [hbm4b:s2+s13], $0x20, s29, s13, $0xb8;
	[tilespmem:$0x1B400] =	vst v63  }
0x222: {  	_ =	swait.ge [sflag:s17], $0x4000  }
0x223: {  	[sflag:s17] =	ssyncset.done $0x0  }
0x224: {  	s26 =	rddreg [dreg:$0x16];
	[sflag:s17] =	ssyncadd.s32 $0xFFFFC000  }
0x225: {  	[hbm4b:s26+s9] =	stream.strided.scatter [tilespmem:s5], [sflag:$0x8], $0x4000, s11, s9, $0x38;
	[tilespmem:$0x1B400] =	vst v63  }
0x226: {  	_ =	swait.ge [sflag:s8], $0x4000  }
0x227: {  	[sflag:s8] =	ssyncset.done $0x0  }
0x228: {  	[sflag:s8] =	ssyncadd.s32 $0xFFFFC000  }
0x229: {  	[tilespmem:s5], [sflag:$0x2] =	stream.indirect.gather [hbm4b:s2+s13], $0x20, s28, s13, $0xb8;
	[tilespmem:$0x1B400] =	vst v63  }
0x22a: {  	_ =	swait.ge [sflag:s22], $0x4000  }
0x22b: {  	[sflag:s22] =	ssyncset.done $0x0  }
0x22c: {  	s26 =	rddreg [dreg:$0x17];
	[sflag:s22] =	ssyncadd.s32 $0xFFFFC000  }
0x22d: {  	[hbm4b:s26+s9] =	stream.strided.scatter [tilespmem:s16], [sflag:$0x9], $0x4000, s11, s9, $0x38;
	[tilespmem:$0x1B400] =	vst v63  }
0x22e: {  	_ =	swait.ge [sflag:s23], $0x4000  }
0x22f: {  	[sflag:s23] =	ssyncset.done $0x0  }
0x230: {  	s26 =	rddreg [dreg:$0x18];
	[sflag:s23] =	ssyncadd.s32 $0xFFFFC000  }
0x231: {  	[hbm4b:s26+s9] =	stream.strided.scatter [tilespmem:s15], [sflag:$0xA], $0x4000, s11, s9, $0x38;
	[tilespmem:$0x1B400] =	vst v63  }
0x232: {  	_ =	swait.ge [sflag:s24], $0x4000  }
0x233: {  	[sflag:s24] =	ssyncset.done $0x0  }
0x234: {  	s26 =	rddreg [dreg:$0x19];
	[sflag:s24] =	ssyncadd.s32 $0xFFFFC000  }
0x235: {  	[hbm4b:s26+s9] =	stream.strided.scatter [tilespmem:s14], [sflag:$0xB], $0x4000, s11, s9, $0x38;
	[tilespmem:$0x1B400] =	vst v63  }
0x236: {  	_ =	swait.ge [sflag:s25], $0x4000  }
0x237: {  	[sflag:s25] =	ssyncset.done $0x0  }
0x238: {  	s26 =	rddreg [dreg:$0x1a];
	[sflag:s25] =	ssyncadd.s32 $0xFFFFC000  }
0x239: {  	[hbm4b:s26+s9] =	stream.strided.scatter [tilespmem:s12], [sflag:$0xC], $0x4000, s11, s9, $0x38;
	[tilespmem:$0x1B400] =	vst v63  }
0x23a: {  	_ =	swait.ge [sflag:s10], $0x4000  }
0x23b: {  	[sflag:s10] =	ssyncset.done $0x0  }
0x23c: {  	s26 =	rddreg [dreg:$0x1b];
	[sflag:s10] =	ssyncadd.s32 $0xFFFFC000  }
0x23d: {  	[hbm4b:s26+s9] =	stream.strided.scatter [tilespmem:s6], [sflag:$0x7], $0x4000, s11, s9, $0x38;
	[tilespmem:$0x1B400] =	vst v63  }
0x23e: {  	_ =	swait.ge [sflag:s17], $0x4000  }
0x23f: {  	[sflag:s17] =	ssyncset.done $0x0  }
0x240: {  	s26 =	rddreg [dreg:$0x1c];
	[sflag:s17] =	ssyncadd.s32 $0xFFFFC000  }
0x241: {  	[hbm4b:s26+s9] =	stream.strided.scatter [tilespmem:s5], [sflag:$0x8], $0x4000, s11, s9, $0x38;
	[tilespmem:$0x1B400] =	vst v63  }
0x242: {  	_ =	swait.ge [sflag:s18], $0x4000  }
0x243: {  	[sflag:s18] =	ssyncset.done $0x0  }
0x244: {  	[sflag:s18] =	ssyncadd.s32 $0xFFFFC000  }
0x245: {  	_ =	swait.ge [sflag:s19], $0x4000  }
0x246: {  	[sflag:s19] =	ssyncset.done $0x0  }
0x247: {  	[sflag:s19] =	ssyncadd.s32 $0xFFFFC000  }
0x248: {  	_ =	swait.ge [sflag:s20], $0x4000  }
0x249: {  	[sflag:s20] =	ssyncset.done $0x0  }
0x24a: {  	[sflag:s20] =	ssyncadd.s32 $0xFFFFC000  }
0x24b: {  	_ =	swait.ge [sflag:s21], $0x4000  }
0x24c: {  	[sflag:s21] =	ssyncset.done $0x0  }
0x24d: {  	p1 =	sne.s32 s0, $0x1;
	[sflag:s21] =	ssyncadd.s32 $0xFFFFC000  }
.Ltmp2:
0x24e: {  	_ =	swait.ge [sflag:s7], $0x4000;
	(pc) =	sbr.rel @p1 .LBB2_4-.Ltmp2, $4  }
0x24f: {  	[sflag:s7] =	ssyncset.done $0x0  }
0x250: {  	[sflag:s7] =	ssyncadd.s32 $0xFFFFC000  }
0x251: {  	_ =	swait.ge [sflag:s8], $0x4000  }
0x252: {  	s0 =	sadd.s32 $0xFFFFFFFF, s0;
	s1 =	rddreg [dreg:$0x3];
	[sflag:s8] =	ssyncset.done $0x0  }
0x253: {  	s28 =	simm.s32 $0x2C00  }
0x254: {  	s30 =	simm.s32 $0x2E00;
	s29 =	simm.s32 $0x3000;
	s26 =	rddreg [dreg:$0x2]  }
.LBB2_6:
0x255: {  	[sflag:s8] =	ssyncadd.s32 @p0 $0xFFFFC000  }
0x256: {  	[tilespmem:s3], [sflag:$0xD] =	stream.linear.gather [hbm4b:s1+s3], $0x3400, $0x38;
	[tilespmem:$0x1B400] =	vst v63  }
0x257: {  	_ =	swait.ge [sflag:s31], $0x3400  }
0x258: {  	[sflag:s31] =	ssyncset.done $0x0  }
0x259: {  	[sflag:s31] =	ssyncadd.s32 $0xFFFFCC00  }
0x25a: {  	[tilespmem:s6], [sflag:$0x1] =	stream.indirect.gather [hbm4b:s2+s13], $0x20, s3, s13, $0xb8;
	[tilespmem:$0x1B400] =	vst v63  }
0x25b: {  	s0 =	rddreg [dreg:$0x1d]  }
0x25c: {  	[tilespmem:s5], [sflag:$0x2] =	stream.indirect.gather [hbm4b:s2+s13], $0x20, s13, s13, $0xb8;
	[tilespmem:$0x1B400] =	vst v63  }
0x25d: {  	s31 =	rddreg [dreg:$0x1f]  }
0x25e: {  	[tilespmem:s16], [sflag:$0x3] =	stream.indirect.gather [hbm4b:s2+s13], $0x20, s0, s13, $0xb8;
	[tilespmem:$0x1B400] =	vst v63  }
0x25f: {  	s3 =	rddreg [dreg:$0x1e]  }
0x260: {  	[tilespmem:s15], [sflag:$0x4] =	stream.indirect.gather [hbm4b:s2+s13], $0x20, s3, s13, $0xb8;
	[tilespmem:$0x1B400] =	vst v63  }
0x261: {  	s3 =	sld [smem:$0x7ED]  }
0x262: {  	[tilespmem:s14], [sflag:$0x5] =	stream.indirect.gather [hbm4b:s2+s13], $0x20, s31, s13, $0xb8;
	[tilespmem:$0x1B400] =	vst v63  }
0x263: {  	_ = 	snop  }
0x264: {  	[tilespmem:s12], [sflag:$0x6] =	stream.indirect.gather [hbm4b:s2+s13], $0x20, s3, s13, $0xb8;
	[tilespmem:$0x1B400] =	vst v63  }
0x265: {  	_ =	swait.ge [sflag:s10], $0x4000  }
0x266: {  	[sflag:s10] =	ssyncset.done $0x0  }
0x267: {  	[sflag:s10] =	ssyncadd.s32 $0xFFFFC000  }
0x268: {  	[hbm4b:s4+s9] =	stream.strided.scatter [tilespmem:s6], [sflag:$0x7], $0x4000, s11, s9, $0x38;
	[tilespmem:$0x1B400] =	vst v63  }
0x269: {  	_ =	swait.ge [sflag:s7], $0x4000  }
0x26a: {  	s31 =	sld [smem:$0x7EE]  }
0x26b: {  	[sflag:s7] =	ssyncset.done $0x0  }
0x26c: {  	[sflag:s7] =	ssyncadd.s32 $0xFFFFC000  }
0x26d: {  	[tilespmem:s6], [sflag:$0x1] =	stream.indirect.gather [hbm4b:s2+s13], $0x20, s31, s13, $0xb8;
	[tilespmem:$0x1B400] =	vst v63  }
0x26e: {  	_ =	swait.ge [sflag:s17], $0x4000  }
0x26f: {  	[sflag:s17] =	ssyncset.done $0x0  }
0x270: {  	s1 =	rddreg [dreg:$0x4];
	[sflag:s17] =	ssyncadd.s32 $0xFFFFC000  }
0x271: {  	[hbm4b:s1+s9] =	stream.strided.scatter [tilespmem:s5], [sflag:$0x8], $0x4000, s11, s9, $0x38;
	[tilespmem:$0x1B400] =	vst v63  }
0x272: {  	_ =	swait.ge [sflag:s8], $0x4000  }
0x273: {  	s3 =	sld [smem:$0x7EF]  }
0x274: {  	[sflag:s8] =	ssyncset.done $0x0  }
0x275: {  	[sflag:s8] =	ssyncadd.s32 $0xFFFFC000  }
0x276: {  	[tilespmem:s5], [sflag:$0x2] =	stream.indirect.gather [hbm4b:s2+s13], $0x20, s3, s13, $0xb8;
	[tilespmem:$0x1B400] =	vst v63  }
0x277: {  	_ =	swait.ge [sflag:s22], $0x4000  }
0x278: {  	[sflag:s22] =	ssyncset.done $0x0  }
0x279: {  	s4 =	rddreg [dreg:$0x5];
	[sflag:s22] =	ssyncadd.s32 $0xFFFFC000  }
0x27a: {  	[hbm4b:s4+s9] =	stream.strided.scatter [tilespmem:s16], [sflag:$0x9], $0x4000, s11, s9, $0x38;
	[tilespmem:$0x1B400] =	vst v63  }
0x27b: {  	_ =	swait.ge [sflag:s18], $0x4000  }
0x27c: {  	s31 =	sld [smem:$0x7F0]  }
0x27d: {  	[sflag:s18] =	ssyncset.done $0x0  }
0x27e: {  	[sflag:s18] =	ssyncadd.s32 $0xFFFFC000  }
0x27f: {  	[tilespmem:s16], [sflag:$0x3] =	stream.indirect.gather [hbm4b:s2+s13], $0x20, s31, s13, $0xb8;
	[tilespmem:$0x1B400] =	vst v63  }
0x280: {  	_ =	swait.ge [sflag:s23], $0x4000  }
0x281: {  	[sflag:s23] =	ssyncset.done $0x0  }
0x282: {  	s1 =	rddreg [dreg:$0x6];
	[sflag:s23] =	ssyncadd.s32 $0xFFFFC000  }
0x283: {  	[hbm4b:s1+s9] =	stream.strided.scatter [tilespmem:s15], [sflag:$0xA], $0x4000, s11, s9, $0x38;
	[tilespmem:$0x1B400] =	vst v63  }
0x284: {  	_ =	swait.ge [sflag:s19], $0x4000  }
0x285: {  	s3 =	sld [smem:$0x7F1]  }
0x286: {  	[sflag:s19] =	ssyncset.done $0x0  }
0x287: {  	[sflag:s19] =	ssyncadd.s32 $0xFFFFC000  }
0x288: {  	[tilespmem:s15], [sflag:$0x4] =	stream.indirect.gather [hbm4b:s2+s13], $0x20, s3, s13, $0xb8;
	[tilespmem:$0x1B400] =	vst v63  }
0x289: {  	_ =	swait.ge [sflag:s24], $0x4000  }
0x28a: {  	[sflag:s24] =	ssyncset.done $0x0  }
0x28b: {  	s4 =	rddreg [dreg:$0x7];
	[sflag:s24] =	ssyncadd.s32 $0xFFFFC000  }
0x28c: {  	[hbm4b:s4+s9] =	stream.strided.scatter [tilespmem:s14], [sflag:$0xB], $0x4000, s11, s9, $0x38;
	[tilespmem:$0x1B400] =	vst v63  }
0x28d: {  	_ =	swait.ge [sflag:s20], $0x4000  }
0x28e: {  	s31 =	sld [smem:$0x7F2]  }
0x28f: {  	[sflag:s20] =	ssyncset.done $0x0  }
0x290: {  	[sflag:s20] =	ssyncadd.s32 $0xFFFFC000  }
0x291: {  	[tilespmem:s14], [sflag:$0x5] =	stream.indirect.gather [hbm4b:s2+s13], $0x20, s31, s13, $0xb8;
	[tilespmem:$0x1B400] =	vst v63  }
0x292: {  	_ =	swait.ge [sflag:s25], $0x4000  }
0x293: {  	[sflag:s25] =	ssyncset.done $0x0  }
0x294: {  	s1 =	rddreg [dreg:$0x8];
	[sflag:s25] =	ssyncadd.s32 $0xFFFFC000  }
0x295: {  	[hbm4b:s1+s9] =	stream.strided.scatter [tilespmem:s12], [sflag:$0xC], $0x4000, s11, s9, $0x38;
	[tilespmem:$0x1B400] =	vst v63  }
0x296: {  	_ =	swait.ge [sflag:s21], $0x4000  }
0x297: {  	s3 =	sld [smem:$0x7F3]  }
0x298: {  	[sflag:s21] =	ssyncset.done $0x0  }
0x299: {  	[sflag:s21] =	ssyncadd.s32 $0xFFFFC000  }
0x29a: {  	[tilespmem:s12], [sflag:$0x6] =	stream.indirect.gather [hbm4b:s2+s13], $0x20, s3, s13, $0xb8;
	[tilespmem:$0x1B400] =	vst v63  }
0x29b: {  	_ =	swait.ge [sflag:s10], $0x4000  }
0x29c: {  	[sflag:s10] =	ssyncset.done $0x0  }
0x29d: {  	s4 =	rddreg [dreg:$0x9];
	[sflag:s10] =	ssyncadd.s32 $0xFFFFC000  }
0x29e: {  	[hbm4b:s4+s9] =	stream.strided.scatter [tilespmem:s6], [sflag:$0x7], $0x4000, s11, s9, $0x38;
	[tilespmem:$0x1B400] =	vst v63  }
0x29f: {  	_ =	swait.ge [sflag:s7], $0x4000  }
0x2a0: {  	s31 =	sld [smem:$0x7F4]  }
0x2a1: {  	[sflag:s7] =	ssyncset.done $0x0  }
0x2a2: {  	[sflag:s7] =	ssyncadd.s32 $0xFFFFC000  }
0x2a3: {  	[tilespmem:s6], [sflag:$0x1] =	stream.indirect.gather [hbm4b:s2+s13], $0x20, s31, s13, $0xb8;
	[tilespmem:$0x1B400] =	vst v63  }
0x2a4: {  	_ =	swait.ge [sflag:s17], $0x4000  }
0x2a5: {  	[sflag:s17] =	ssyncset.done $0x0  }
0x2a6: {  	s1 =	rddreg [dreg:$0xa];
	[sflag:s17] =	ssyncadd.s32 $0xFFFFC000  }
0x2a7: {  	[hbm4b:s1+s9] =	stream.strided.scatter [tilespmem:s5], [sflag:$0x8], $0x4000, s11, s9, $0x38;
	[tilespmem:$0x1B400] =	vst v63  }
0x2a8: {  	_ =	swait.ge [sflag:s8], $0x4000  }
0x2a9: {  	s3 =	sld [smem:$0x7F5]  }
0x2aa: {  	[sflag:s8] =	ssyncset.done $0x0  }
0x2ab: {  	[sflag:s8] =	ssyncadd.s32 $0xFFFFC000  }
0x2ac: {  	[tilespmem:s5], [sflag:$0x2] =	stream.indirect.gather [hbm4b:s2+s13], $0x20, s3, s13, $0xb8;
	[tilespmem:$0x1B400] =	vst v63  }
0x2ad: {  	_ =	swait.ge [sflag:s22], $0x4000  }
0x2ae: {  	[sflag:s22] =	ssyncset.done $0x0  }
0x2af: {  	s4 =	rddreg [dreg:$0xb];
	[sflag:s22] =	ssyncadd.s32 $0xFFFFC000  }
0x2b0: {  	[hbm4b:s4+s9] =	stream.strided.scatter [tilespmem:s16], [sflag:$0x9], $0x4000, s11, s9, $0x38;
	[tilespmem:$0x1B400] =	vst v63  }
0x2b1: {  	_ =	swait.ge [sflag:s18], $0x4000  }
0x2b2: {  	s31 =	sld [smem:$0x7F6]  }
0x2b3: {  	[sflag:s18] =	ssyncset.done $0x0  }
0x2b4: {  	[sflag:s18] =	ssyncadd.s32 $0xFFFFC000  }
0x2b5: {  	[tilespmem:s16], [sflag:$0x3] =	stream.indirect.gather [hbm4b:s2+s13], $0x20, s31, s13, $0xb8;
	[tilespmem:$0x1B400] =	vst v63  }
0x2b6: {  	_ =	swait.ge [sflag:s23], $0x4000  }
0x2b7: {  	[sflag:s23] =	ssyncset.done $0x0  }
0x2b8: {  	s1 =	rddreg [dreg:$0xc];
	[sflag:s23] =	ssyncadd.s32 $0xFFFFC000  }
0x2b9: {  	[hbm4b:s1+s9] =	stream.strided.scatter [tilespmem:s15], [sflag:$0xA], $0x4000, s11, s9, $0x38;
	[tilespmem:$0x1B400] =	vst v63  }
0x2ba: {  	_ =	swait.ge [sflag:s19], $0x4000  }
0x2bb: {  	s3 =	sld [smem:$0x7F7]  }
0x2bc: {  	[sflag:s19] =	ssyncset.done $0x0  }
0x2bd: {  	[sflag:s19] =	ssyncadd.s32 $0xFFFFC000  }
0x2be: {  	[tilespmem:s15], [sflag:$0x4] =	stream.indirect.gather [hbm4b:s2+s13], $0x20, s3, s13, $0xb8;
	[tilespmem:$0x1B400] =	vst v63  }
0x2bf: {  	_ =	swait.ge [sflag:s24], $0x4000  }
0x2c0: {  	[sflag:s24] =	ssyncset.done $0x0  }
0x2c1: {  	s4 =	rddreg [dreg:$0xd];
	[sflag:s24] =	ssyncadd.s32 $0xFFFFC000  }
0x2c2: {  	[hbm4b:s4+s9] =	stream.strided.scatter [tilespmem:s14], [sflag:$0xB], $0x4000, s11, s9, $0x38;
	[tilespmem:$0x1B400] =	vst v63  }
0x2c3: {  	_ =	swait.ge [sflag:s20], $0x4000  }
0x2c4: {  	s31 =	sld [smem:$0x7F8]  }
0x2c5: {  	[sflag:s20] =	ssyncset.done $0x0  }
0x2c6: {  	[sflag:s20] =	ssyncadd.s32 $0xFFFFC000  }
0x2c7: {  	[tilespmem:s14], [sflag:$0x5] =	stream.indirect.gather [hbm4b:s2+s13], $0x20, s31, s13, $0xb8;
	[tilespmem:$0x1B400] =	vst v63  }
0x2c8: {  	_ =	swait.ge [sflag:s25], $0x4000  }
0x2c9: {  	[sflag:s25] =	ssyncset.done $0x0  }
0x2ca: {  	s1 =	rddreg [dreg:$0xe];
	[sflag:s25] =	ssyncadd.s32 $0xFFFFC000  }
0x2cb: {  	[hbm4b:s1+s9] =	stream.strided.scatter [tilespmem:s12], [sflag:$0xC], $0x4000, s11, s9, $0x38;
	[tilespmem:$0x1B400] =	vst v63  }
0x2cc: {  	_ =	swait.ge [sflag:s21], $0x4000  }
0x2cd: {  	s3 =	sld [smem:$0x7F9]  }
0x2ce: {  	[sflag:s21] =	ssyncset.done $0x0  }
0x2cf: {  	[sflag:s21] =	ssyncadd.s32 $0xFFFFC000  }
0x2d0: {  	[tilespmem:s12], [sflag:$0x6] =	stream.indirect.gather [hbm4b:s2+s13], $0x20, s3, s13, $0xb8;
	[tilespmem:$0x1B400] =	vst v63  }
0x2d1: {  	_ =	swait.ge [sflag:s10], $0x4000  }
0x2d2: {  	[sflag:s10] =	ssyncset.done $0x0  }
0x2d3: {  	s4 =	rddreg [dreg:$0xf];
	[sflag:s10] =	ssyncadd.s32 $0xFFFFC000  }
0x2d4: {  	[hbm4b:s4+s9] =	stream.strided.scatter [tilespmem:s6], [sflag:$0x7], $0x4000, s11, s9, $0x38;
	[tilespmem:$0x1B400] =	vst v63  }
0x2d5: {  	_ =	swait.ge [sflag:s7], $0x4000  }
0x2d6: {  	s31 =	sld [smem:$0x7FA]  }
0x2d7: {  	[sflag:s7] =	ssyncset.done $0x0  }
0x2d8: {  	[sflag:s7] =	ssyncadd.s32 $0xFFFFC000  }
0x2d9: {  	[tilespmem:s6], [sflag:$0x1] =	stream.indirect.gather [hbm4b:s2+s13], $0x20, s31, s13, $0xb8;
	[tilespmem:$0x1B400] =	vst v63  }
0x2da: {  	_ =	swait.ge [sflag:s17], $0x4000  }
0x2db: {  	[sflag:s17] =	ssyncset.done $0x0  }
0x2dc: {  	s1 =	rddreg [dreg:$0x10];
	[sflag:s17] =	ssyncadd.s32 $0xFFFFC000  }
0x2dd: {  	[hbm4b:s1+s9] =	stream.strided.scatter [tilespmem:s5], [sflag:$0x8], $0x4000, s11, s9, $0x38;
	[tilespmem:$0x1B400] =	vst v63  }
0x2de: {  	_ =	swait.ge [sflag:s8], $0x4000  }
0x2df: {  	s3 =	sld [smem:$0x7FB]  }
0x2e0: {  	[sflag:s8] =	ssyncset.done $0x0  }
0x2e1: {  	[sflag:s8] =	ssyncadd.s32 $0xFFFFC000  }
0x2e2: {  	[tilespmem:s5], [sflag:$0x2] =	stream.indirect.gather [hbm4b:s2+s13], $0x20, s3, s13, $0xb8;
	[tilespmem:$0x1B400] =	vst v63  }
0x2e3: {  	_ =	swait.ge [sflag:s22], $0x4000  }
0x2e4: {  	[sflag:s22] =	ssyncset.done $0x0  }
0x2e5: {  	s4 =	rddreg [dreg:$0x11];
	[sflag:s22] =	ssyncadd.s32 $0xFFFFC000  }
0x2e6: {  	[hbm4b:s4+s9] =	stream.strided.scatter [tilespmem:s16], [sflag:$0x9], $0x4000, s11, s9, $0x38;
	[tilespmem:$0x1B400] =	vst v63  }
0x2e7: {  	_ =	swait.ge [sflag:s18], $0x4000  }
0x2e8: {  	s31 =	sld [smem:$0x7FC]  }
0x2e9: {  	[sflag:s18] =	ssyncset.done $0x0  }
0x2ea: {  	[sflag:s18] =	ssyncadd.s32 $0xFFFFC000  }
0x2eb: {  	[tilespmem:s16], [sflag:$0x3] =	stream.indirect.gather [hbm4b:s2+s13], $0x20, s31, s13, $0xb8;
	[tilespmem:$0x1B400] =	vst v63  }
0x2ec: {  	_ =	swait.ge [sflag:s23], $0x4000  }
0x2ed: {  	[sflag:s23] =	ssyncset.done $0x0  }
0x2ee: {  	s1 =	rddreg [dreg:$0x12];
	[sflag:s23] =	ssyncadd.s32 $0xFFFFC000  }
0x2ef: {  	[hbm4b:s1+s9] =	stream.strided.scatter [tilespmem:s15], [sflag:$0xA], $0x4000, s11, s9, $0x38;
	[tilespmem:$0x1B400] =	vst v63  }
0x2f0: {  	_ =	swait.ge [sflag:s19], $0x4000  }
0x2f1: {  	s3 =	sld [smem:$0x7FD]  }
0x2f2: {  	[sflag:s19] =	ssyncset.done $0x0  }
0x2f3: {  	[sflag:s19] =	ssyncadd.s32 $0xFFFFC000  }
0x2f4: {  	[tilespmem:s15], [sflag:$0x4] =	stream.indirect.gather [hbm4b:s2+s13], $0x20, s3, s13, $0xb8;
	[tilespmem:$0x1B400] =	vst v63  }
0x2f5: {  	_ =	swait.ge [sflag:s24], $0x4000  }
0x2f6: {  	[sflag:s24] =	ssyncset.done $0x0  }
0x2f7: {  	s4 =	rddreg [dreg:$0x13];
	[sflag:s24] =	ssyncadd.s32 $0xFFFFC000  }
0x2f8: {  	[hbm4b:s4+s9] =	stream.strided.scatter [tilespmem:s14], [sflag:$0xB], $0x4000, s11, s9, $0x38;
	[tilespmem:$0x1B400] =	vst v63  }
0x2f9: {  	_ =	swait.ge [sflag:s20], $0x4000  }
0x2fa: {  	[sflag:s20] =	ssyncset.done $0x0  }
0x2fb: {  	[sflag:s20] =	ssyncadd.s32 $0xFFFFC000  }
0x2fc: {  	[tilespmem:s14], [sflag:$0x5] =	stream.indirect.gather [hbm4b:s2+s13], $0x20, s28, s13, $0xb8;
	[tilespmem:$0x1B400] =	vst v63  }
0x2fd: {  	_ =	swait.ge [sflag:s25], $0x4000  }
0x2fe: {  	[sflag:s25] =	ssyncset.done $0x0  }
0x2ff: {  	s31 =	rddreg [dreg:$0x14];
	[sflag:s25] =	ssyncadd.s32 $0xFFFFC000  }
0x300: {  	[hbm4b:s31+s9] =	stream.strided.scatter [tilespmem:s12], [sflag:$0xC], $0x4000, s11, s9, $0x38;
	[tilespmem:$0x1B400] =	vst v63  }
0x301: {  	_ =	swait.ge [sflag:s21], $0x4000  }
0x302: {  	[sflag:s21] =	ssyncset.done $0x0  }
0x303: {  	[sflag:s21] =	ssyncadd.s32 $0xFFFFC000  }
0x304: {  	[tilespmem:s12], [sflag:$0x6] =	stream.indirect.gather [hbm4b:s2+s13], $0x20, s30, s13, $0xb8;
	[tilespmem:$0x1B400] =	vst v63  }
0x305: {  	_ =	swait.ge [sflag:s10], $0x4000  }
0x306: {  	[sflag:s10] =	ssyncset.done $0x0  }
0x307: {  	s1 =	rddreg [dreg:$0x15];
	[sflag:s10] =	ssyncadd.s32 $0xFFFFC000  }
0x308: {  	[hbm4b:s1+s9] =	stream.strided.scatter [tilespmem:s6], [sflag:$0x7], $0x4000, s11, s9, $0x38;
	[tilespmem:$0x1B400] =	vst v63  }
0x309: {  	_ =	swait.ge [sflag:s7], $0x4000  }
0x30a: {  	[sflag:s7] =	ssyncset.done $0x0  }
0x30b: {  	[sflag:s7] =	ssyncadd.s32 $0xFFFFC000  }
0x30c: {  	[tilespmem:s6], [sflag:$0x1] =	stream.indirect.gather [hbm4b:s2+s13], $0x20, s29, s13, $0xb8;
	[tilespmem:$0x1B400] =	vst v63  }
0x30d: {  	_ =	swait.ge [sflag:s17], $0x4000  }
0x30e: {  	[sflag:s17] =	ssyncset.done $0x0  }
0x30f: {  	s3 =	rddreg [dreg:$0x16];
	[sflag:s17] =	ssyncadd.s32 $0xFFFFC000  }
0x310: {  	[hbm4b:s3+s9] =	stream.strided.scatter [tilespmem:s5], [sflag:$0x8], $0x4000, s11, s9, $0x38;
	[tilespmem:$0x1B400] =	vst v63  }
0x311: {  	_ =	swait.ge [sflag:s8], $0x4000  }
0x312: {  	[sflag:s8] =	ssyncset.done $0x0  }
0x313: {  	s4 =	simm.s32 $0x3200;
	[sflag:s8] =	ssyncadd.s32 $0xFFFFC000  }
0x314: {  	[tilespmem:s5], [sflag:$0x2] =	stream.indirect.gather [hbm4b:s2+s13], $0x20, s4, s13, $0xb8;
	[tilespmem:$0x1B400] =	vst v63  }
0x315: {  	_ =	swait.ge [sflag:s22], $0x4000  }
0x316: {  	[sflag:s22] =	ssyncset.done $0x0  }
0x317: {  	s13 =	rddreg [dreg:$0x17];
	[sflag:s22] =	ssyncadd.s32 $0xFFFFC000  }
0x318: {  	[hbm4b:s13+s9] =	stream.strided.scatter [tilespmem:s16], [sflag:$0x9], $0x4000, s11, s9, $0x38;
	[tilespmem:$0x1B400] =	vst v63  }
0x319: {  	_ =	swait.ge [sflag:s23], $0x4000  }
0x31a: {  	[sflag:s23] =	ssyncset.done $0x0  }
0x31b: {  	s22 =	rddreg [dreg:$0x18];
	[sflag:s23] =	ssyncadd.s32 $0xFFFFC000  }
0x31c: {  	[hbm4b:s22+s9] =	stream.strided.scatter [tilespmem:s15], [sflag:$0xA], $0x4000, s11, s9, $0x38;
	[tilespmem:$0x1B400] =	vst v63  }
0x31d: {  	_ =	swait.ge [sflag:s24], $0x4000  }
0x31e: {  	[sflag:s24] =	ssyncset.done $0x0  }
0x31f: {  	s23 =	rddreg [dreg:$0x19];
	[sflag:s24] =	ssyncadd.s32 $0xFFFFC000  }
0x320: {  	[hbm4b:s23+s9] =	stream.strided.scatter [tilespmem:s14], [sflag:$0xB], $0x4000, s11, s9, $0x38;
	[tilespmem:$0x1B400] =	vst v63  }
0x321: {  	_ =	swait.ge [sflag:s25], $0x4000  }
0x322: {  	[sflag:s25] =	ssyncset.done $0x0  }
0x323: {  	s28 =	rddreg [dreg:$0x1a];
	[sflag:s25] =	ssyncadd.s32 $0xFFFFC000  }
0x324: {  	[hbm4b:s28+s9] =	stream.strided.scatter [tilespmem:s12], [sflag:$0xC], $0x4000, s11, s9, $0x38;
	[tilespmem:$0x1B400] =	vst v63  }
0x325: {  	_ =	swait.ge [sflag:s10], $0x4000  }
0x326: {  	[sflag:s10] =	ssyncset.done $0x0  }
0x327: {  	s29 =	rddreg [dreg:$0x1b];
	[sflag:s10] =	ssyncadd.s32 $0xFFFFC000  }
0x328: {  	[hbm4b:s29+s9] =	stream.strided.scatter [tilespmem:s6], [sflag:$0x7], $0x4000, s11, s9, $0x38;
	[tilespmem:$0x1B400] =	vst v63  }
0x329: {  	_ =	swait.ge [sflag:s17], $0x4000  }
0x32a: {  	[sflag:s17] =	ssyncset.done $0x0  }
0x32b: {  	s30 =	rddreg [dreg:$0x1c];
	[sflag:s17] =	ssyncadd.s32 $0xFFFFC000  }
0x32c: {  	[hbm4b:s30+s9] =	stream.strided.scatter [tilespmem:s5], [sflag:$0x8], $0x4000, s11, s9, $0x38;
	[tilespmem:$0x1B400] =	vst v63  }
0x32d: {  	_ =	swait.ge [sflag:s18], $0x4000  }
0x32e: {  	[sflag:s18] =	ssyncset.done $0x0  }
0x32f: {  	[sflag:s18] =	ssyncadd.s32 $0xFFFFC000  }
0x330: {  	_ =	swait.ge [sflag:s19], $0x4000  }
0x331: {  	[sflag:s19] =	ssyncset.done $0x0  }
0x332: {  	[sflag:s19] =	ssyncadd.s32 $0xFFFFC000  }
0x333: {  	_ =	swait.ge [sflag:s20], $0x4000  }
0x334: {  	[sflag:s20] =	ssyncset.done $0x0  }
0x335: {  	[sflag:s20] =	ssyncadd.s32 $0xFFFFC000  }
0x336: {  	_ =	swait.ge [sflag:s21], $0x4000  }
0x337: {  	[sflag:s21] =	ssyncset.done $0x0  }
0x338: {  	[sflag:s21] =	ssyncadd.s32 $0xFFFFC000  }
0x339: {  	_ =	swait.ge [sflag:s7], $0x4000  }
0x33a: {  	[sflag:s7] =	ssyncset.done $0x0  }
0x33b: {  	[sflag:s7] =	ssyncadd.s32 $0xFFFFC000  }
0x33c: {  	_ =	swait.ge [sflag:s8], $0x4000  }
0x33d: {  	[sflag:s8] =	ssyncset.done $0x0  }
0x33e: {  	[sflag:s8] =	ssyncadd.s32 $0xFFFFC000  }
0x33f: {  	_ =	sfence.sel $0x180000  }
0x340: {  	s31 =	stileid.u32;
	[bflag:$0x0] =	sbarrier.arrive $0xFFFF  }
0x341: {  	p0 =	sne.s32 s31, $0x0;
	_ =	strace $0x90000047  }
0x342: {  	s0 =	sadd.s32 @!p0 $0x100000, s26;
	[bflag:$0x2] =	sbarrier.arrive $0xFFFF  }
0x343: {  	[sflag:s0] =	ssyncadd.tile.s32 @!p0 $0x1;
	_ =	shalt  }
.LBB2_1:
.Ltmp3:
0x344: {  	(pc) =	sbr.rel .LBB2_6-.Ltmp3, $2  }
0x345: {  	_ =	sdelay $0x2  }
0x346: {  	s28 =	simm.s32 $0x2C00;
	s30 =	simm.s32 $0x2E00;
	s29 =	simm.s32 $0x3000  }
.LBB2_3:
.Ltmp4:
0x347: {  	(pc) =	sbr.rel .LBB2_6-.Ltmp4, $3  }
0x348: {  	_ =	sdelay $0x1  }
0x349: {  	s28 =	simm.s32 $0x2C00  }
0x34a: {  	s30 =	simm.s32 $0x2E00;
	s29 =	simm.s32 $0x3000;
	s26 =	rddreg [dreg:$0x2]  }
.Lfunc_end2:
_tile_overlayer_lowered:
.L_overlay_start_2:
0x34b: {  	(tag) =	ssettag $0x2  }
0x34c: {  	s0 =	rddreg [dreg:$0x0];
	s2 =	stileid.u32  }
0x34d: {  	s1 =	rddreg [dreg:$0x1];
	p0 =	sne.s32 s2, $0x0  }
0x34e: {  	s3 =	rddreg [dreg:$0x2];
	[bflag:$0x3] =	sbarrier.arrive $0xFFFF;
	s2 =	simm.s32 @!p0 $0x1C0D  }
0x34f: {  	[timem:s3], [sflag:s2] =	dma.local @!p0 [hbm:s0], s1  }
0x350: {  	s0 =	simm.s32 @!p0 $0xD  }
0x351: {  	_ =	swait.ge @!p0 [sflag:s0], s1  }
0x352: {  	s1 =	ssub.s32 @!p0 $0x0, s1;
	[sflag:s0] =	ssyncset.done @!p0 $0x0  }
0x353: {  	[sflag:s0] =	ssyncadd.s32 @!p0 s1  }
0x354: {  	[bflag:$0x3] =	sbarrier.arrive $0xFFFF  }
0x355: {  	_ =	shalt  }

</sc_bundles>
